<compile_context>
chip_gen: v7x
topology: tpu7x:2x2x1
jax: 0.10.2.dev20260603
libtpu: 0.0.44.dev20260713+nightly
codegen_flags: <defaults>
</compile_context>

<pallas_src>
import functools

import jax
import jax.numpy as jnp
from jax import lax
from jax.experimental import pallas as pl
from jax.experimental.pallas import tpu as pltpu
from jax.experimental.pallas import tpu_sc as plsc


def _build(B, H, V, D, num_cores, num_subcores):
    NW = num_cores * num_subcores
    G = B // NW
    HS = 2
    n_blk = H // HS
    mesh = plsc.VectorSubcoreMesh(core_axis_name="c", subcore_axis_name="s")

    @functools.partial(
        pl.kernel,
        mesh=mesh,
        out_type=jax.ShapeDtypeStruct((H, D, B), jnp.float32),
        scratch_types=[
            pltpu.VMEM((H * G,), jnp.int32),
            pltpu.VMEM((HS * G, 2 * D), jnp.float32),
            pltpu.VMEM((HS * G, 2 * D), jnp.float32),
            pltpu.VMEM((HS, D, G), jnp.float32),
            pltpu.VMEM((HS, D, G), jnp.float32),
            pltpu.SemaphoreType.DMA((2,)),
            pltpu.SemaphoreType.DMA((2,)),
            pltpu.SemaphoreType.DMA((2,)),
        ],
        compiler_params=pltpu.CompilerParams(needs_layout_passes=False),
    )
    def run(idx_hbm, table_hbm, out_hbm, ix_all, rows0, rows1,
            tr0, tr1, i_sem, g_sem, o_sem):
        wid = lax.axis_index("s") * num_cores + lax.axis_index("c")
        b0 = pl.multiple_of(wid * G, G)
        rows = (rows0, rows1)
        tr = (tr0, tr1)

        pltpu.sync_copy(idx_hbm.at[pl.ds(wid * H * G, H * G)], ix_all)

        def g_copy(k, b):
            return pltpu.make_async_copy(
                table_hbm.at[ix_all.at[pl.ds(k * HS * G, HS * G)]],
                rows[b], g_sem.at[b])

        def o_copy(k, b, h):
            return pltpu.make_async_copy(
                tr[b].at[h], out_hbm.at[HS * k + h, :, pl.ds(b0, G)],
                o_sem.at[b])

        row_ids = [lax.iota(jnp.int32, 16) + rb * 16
                   for rb in range(HS * G // 16)]

        def transpose_h(b, h):
            @plsc.parallel_loop(0, D, unroll=8)
            def _(d):
                cid = jnp.full((16,), 0, jnp.int32) + d
                for c in range(G // 16):
                    rb = h * (G // 16) + c
                    v = plsc.load_gather(rows[b], [row_ids[rb], cid])
                    tr[b][h, d, pl.ds(c * 16, 16)] = v

        g_copy(0, 0).start()

        def body(j, carry):
            for b in range(2):
                k = 2 * j + b
                nb = 1 - b
                @pl.when(k + 1 < n_blk)
                def _():
                    g_copy(k + 1, nb).start()

                g_copy(k, b).wait()

                @pl.when(k >= 2)
                def _():
                    for h in range(HS):
                        o_copy(k - 2, b, h).wait()

                for h in range(HS):
                    transpose_h(b, h)
                    o_copy(k, b, h).start()
            return carry

        lax.fori_loop(0, n_blk // 2, body, 0)
        for h in range(HS):
            o_copy(n_blk - 2, 0, h).wait()
            o_copy(n_blk - 1, 1, h).wait()

    return run


def kernel(x, table):
    B, H = x.shape
    V, D = table.shape
    info = plsc.get_sparse_core_info()
    run = _build(B, H, V, D, info.num_cores, info.num_subcores)
    table_p = jnp.pad(table, ((0, 0), (0, D)))
    NW = info.num_cores * info.num_subcores
    G = B // NW
    idx = (x.T.astype(jnp.int32)
           .reshape(H, NW, G).transpose(1, 0, 2).reshape(B * H))
    out_t = run(idx, table_p)
    return out_t.transpose(2, 0, 1)

# --- scband reference (transcript-rebuilt; emitter-appended) ---
"""Pipeline reference for scband-embedding-vectorizer-59287728554052 (READ-ONLY COPY).

The authoritative reference and input builder live on the scoring server;
editing this copy changes nothing except your own understanding.
"""

import jax, jax.numpy as jnp
import numpy as np

VOCAB = 1000000
DIM = 64
BATCH = 4096
HIST = 200

def setup_inputs(seed: int = 0) -> dict:
    key = jax.random.key(seed)
    k1, k2 = jax.random.split(key)
    x = jax.random.randint(k1, (BATCH, HIST), 0, VOCAB, dtype=jnp.int64 if jax.config.jax_enable_x64 else jnp.int32)
    table = jax.random.normal(k2, (VOCAB, DIM), dtype=jnp.float32) * 0.02
    return {"x": x, "table": table}

def reference(x, table):
    # nn.Embedding forward: gather rows of the embedding table
    return jnp.take(table, x, axis=0)

if __name__ == "__main__":
    import jax
    _d = setup_inputs()
    print(jax.jit(kernel)(*tuple(_d.values())))

</pallas_src>

<mosaic_0001>
#map = affine_map<(d0, d1) -> (0)>
#map1 = affine_map<(d0, d1) -> (0, 0)>
#map2 = affine_map<(d0, d1) -> (0, 0, 0)>
module attributes {stable_mosaic.version = 14 : i64} {
  func.func @run(%arg0: i32, %arg1: i32, %arg2: memref<819200xi32, #tpu.memory_space<hbm>>, %arg3: memref<1000000x128xf32, #tpu.memory_space<hbm>>, %arg4: memref<200x64x4096xf32, #tpu.memory_space<hbm>>, %arg5: memref<25600xi32, #tpu.memory_space<vmem>>, %arg6: memref<256x128xf32, #tpu.memory_space<vmem>>, %arg7: memref<256x128xf32, #tpu.memory_space<vmem>>, %arg8: memref<2x64x128xf32, #tpu.memory_space<vmem>>, %arg9: memref<2x64x128xf32, #tpu.memory_space<vmem>>, %arg10: memref<2x!tpu.dma_semaphore, #tpu.memory_space<semaphore_mem>>, %arg11: memref<2x!tpu.dma_semaphore, #tpu.memory_space<semaphore_mem>>, %arg12: memref<2x!tpu.dma_semaphore, #tpu.memory_space<semaphore_mem>>) attributes {dimension_semantics = [#tpu.dimension_semantics<core_parallel>, #tpu.dimension_semantics<subcore_parallel>], iteration_bounds = array<i64: 2, 16>, scalar_prefetch = 0 : i64, scratch_operands = 8 : i64, tpu.core_type = #tpu.core_type<sc_vector_subcore>, window_params = [{transform_indices = #map}, {transform_indices = #map1}, {transform_indices = #map2}]} {
    %mul3A = arith.constant 2 : i32
    %mul3A_0 = arith.muli %arg1, %mul3A : i32
    %add3A = arith.addi %mul3A_0, %arg0 : i32
    %mul3A_1 = arith.constant 128 : i32
    %mul3A_2 = arith.muli %add3A, %mul3A_1 : i32
    %multiple_of3A = tpu.assume_multiple %mul3A_2, 128 : i32
    %mul3A_3 = arith.constant 200 : i32
    %mul3A_4 = arith.muli %add3A, %mul3A_3 : i32
    %mul3A_5 = arith.constant 128 : i32
    %mul3A_6 = arith.muli %mul3A_4, %mul3A_5 : i32
    "tpu.region"() ({
      %run_scoped3A = tpu.sem_alloc : memref<!tpu.dma_semaphore, #tpu.memory_space<semaphore_mem>>
      %dma_start3A_157 = tpu.memref_slice %arg2[%mul3A_6] : memref<819200xi32, #tpu.memory_space<hbm>> -> memref<25600xi32, #tpu.memory_space<hbm>>
      %dma_start3A_158 = tpu.memref_slice %arg2[%mul3A_6] : memref<819200xi32, #tpu.memory_space<hbm>> -> memref<25600xi32, #tpu.memory_space<hbm>>
      tpu.enqueue_dma source(%dma_start3A_158 : memref<25600xi32, #tpu.memory_space<hbm>>) target(%arg5 : memref<25600xi32, #tpu.memory_space<vmem>>) target_semaphore(%run_scoped3A : memref<!tpu.dma_semaphore, #tpu.memory_space<semaphore_mem>>)
      %dma_wait3A_159 = tpu.memref_slice %arg2[%mul3A_6] : memref<819200xi32, #tpu.memory_space<hbm>> -> memref<25600xi32, #tpu.memory_space<hbm>>
      %dma_wait3A_160 = tpu.memref_slice %arg2[%mul3A_6] : memref<819200xi32, #tpu.memory_space<hbm>> -> memref<25600xi32, #tpu.memory_space<hbm>>
      tpu.wait_dma2 semaphore(%run_scoped3A : memref<!tpu.dma_semaphore, #tpu.memory_space<semaphore_mem>>) src(%dma_wait3A_160 : memref<25600xi32, #tpu.memory_space<hbm>>) dst(%arg5 : memref<25600xi32, #tpu.memory_space<vmem>>)
      tpu.yield
    }) : () -> ()
    %iota3A = tpu.iota {dimensions = array<i32: 0>} : vector<16xi32>
    %add3A_7 = arith.constant 0 : i32
    %add3A_8 = vector.broadcast %add3A_7 : i32 to vector<16xi32>
    %add3A_9 = arith.addi %iota3A, %add3A_8 : vector<16xi32>
    %iota3A_10 = tpu.iota {dimensions = array<i32: 0>} : vector<16xi32>
    %add3A_11 = arith.constant 16 : i32
    %add3A_12 = vector.broadcast %add3A_11 : i32 to vector<16xi32>
    %add3A_13 = arith.addi %iota3A_10, %add3A_12 : vector<16xi32>
    %iota3A_14 = tpu.iota {dimensions = array<i32: 0>} : vector<16xi32>
    %add3A_15 = arith.constant 32 : i32
    %add3A_16 = vector.broadcast %add3A_15 : i32 to vector<16xi32>
    %add3A_17 = arith.addi %iota3A_14, %add3A_16 : vector<16xi32>
    %iota3A_18 = tpu.iota {dimensions = array<i32: 0>} : vector<16xi32>
    %add3A_19 = arith.constant 48 : i32
    %add3A_20 = vector.broadcast %add3A_19 : i32 to vector<16xi32>
    %add3A_21 = arith.addi %iota3A_18, %add3A_20 : vector<16xi32>
    %iota3A_22 = tpu.iota {dimensions = array<i32: 0>} : vector<16xi32>
    %add3A_23 = arith.constant 64 : i32
    %add3A_24 = vector.broadcast %add3A_23 : i32 to vector<16xi32>
    %add3A_25 = arith.addi %iota3A_22, %add3A_24 : vector<16xi32>
    %iota3A_26 = tpu.iota {dimensions = array<i32: 0>} : vector<16xi32>
    %add3A_27 = arith.constant 80 : i32
    %add3A_28 = vector.broadcast %add3A_27 : i32 to vector<16xi32>
    %add3A_29 = arith.addi %iota3A_26, %add3A_28 : vector<16xi32>
    %iota3A_30 = tpu.iota {dimensions = array<i32: 0>} : vector<16xi32>
    %add3A_31 = arith.constant 96 : i32
    %add3A_32 = vector.broadcast %add3A_31 : i32 to vector<16xi32>
    %add3A_33 = arith.addi %iota3A_30, %add3A_32 : vector<16xi32>
    %iota3A_34 = tpu.iota {dimensions = array<i32: 0>} : vector<16xi32>
    %add3A_35 = arith.constant 112 : i32
    %add3A_36 = vector.broadcast %add3A_35 : i32 to vector<16xi32>
    %add3A_37 = arith.addi %iota3A_34, %add3A_36 : vector<16xi32>
    %iota3A_38 = tpu.iota {dimensions = array<i32: 0>} : vector<16xi32>
    %add3A_39 = arith.constant 128 : i32
    %add3A_40 = vector.broadcast %add3A_39 : i32 to vector<16xi32>
    %add3A_41 = arith.addi %iota3A_38, %add3A_40 : vector<16xi32>
    %iota3A_42 = tpu.iota {dimensions = array<i32: 0>} : vector<16xi32>
    %add3A_43 = arith.constant 144 : i32
    %add3A_44 = vector.broadcast %add3A_43 : i32 to vector<16xi32>
    %add3A_45 = arith.addi %iota3A_42, %add3A_44 : vector<16xi32>
    %iota3A_46 = tpu.iota {dimensions = array<i32: 0>} : vector<16xi32>
    %add3A_47 = arith.constant 160 : i32
    %add3A_48 = vector.broadcast %add3A_47 : i32 to vector<16xi32>
    %add3A_49 = arith.addi %iota3A_46, %add3A_48 : vector<16xi32>
    %iota3A_50 = tpu.iota {dimensions = array<i32: 0>} : vector<16xi32>
    %add3A_51 = arith.constant 176 : i32
    %add3A_52 = vector.broadcast %add3A_51 : i32 to vector<16xi32>
    %add3A_53 = arith.addi %iota3A_50, %add3A_52 : vector<16xi32>
    %iota3A_54 = tpu.iota {dimensions = array<i32: 0>} : vector<16xi32>
    %add3A_55 = arith.constant 192 : i32
    %add3A_56 = vector.broadcast %add3A_55 : i32 to vector<16xi32>
    %add3A_57 = arith.addi %iota3A_54, %add3A_56 : vector<16xi32>
    %iota3A_58 = tpu.iota {dimensions = array<i32: 0>} : vector<16xi32>
    %add3A_59 = arith.constant 208 : i32
    %add3A_60 = vector.broadcast %add3A_59 : i32 to vector<16xi32>
    %add3A_61 = arith.addi %iota3A_58, %add3A_60 : vector<16xi32>
    %iota3A_62 = tpu.iota {dimensions = array<i32: 0>} : vector<16xi32>
    %add3A_63 = arith.constant 224 : i32
    %add3A_64 = vector.broadcast %add3A_63 : i32 to vector<16xi32>
    %add3A_65 = arith.addi %iota3A_62, %add3A_64 : vector<16xi32>
    %iota3A_66 = tpu.iota {dimensions = array<i32: 0>} : vector<16xi32>
    %add3A_67 = arith.constant 240 : i32
    %add3A_68 = vector.broadcast %add3A_67 : i32 to vector<16xi32>
    %add3A_69 = arith.addi %iota3A_66, %add3A_68 : vector<16xi32>
    %dma_start3A = arith.constant 0 : i32
    %dma_start3A_70 = arith.constant 0 : i32
    %dma_start3A_71 = tpu.memref_slice %arg5[%dma_start3A_70] : memref<25600xi32, #tpu.memory_space<vmem>> -> memref<256xi32, #tpu.memory_space<vmem>>
    %dma_start3A_72 = arith.constant 0 : i32
    %dma_start3A_73 = arith.constant 0 : i32
    %dma_start3A_74 = tpu.memref_slice %arg3[%dma_start3A_72, %dma_start3A_73] : memref<1000000x128xf32, #tpu.memory_space<hbm>> -> memref<1000000x128xf32, #tpu.memory_space<hbm>>
    %dma_start3A_75 = tpu.memref_slice %arg11[%dma_start3A] : memref<2x!tpu.dma_semaphore, #tpu.memory_space<semaphore_mem>> -> memref<1x!tpu.dma_semaphore, #tpu.memory_space<semaphore_mem>>
    %dma_start3A_76 = tpu.memref_squeeze %dma_start3A_75 : memref<1x!tpu.dma_semaphore, #tpu.memory_space<semaphore_mem>> -> memref<!tpu.dma_semaphore, #tpu.memory_space<semaphore_mem>>
    tpu.enqueue_indirect_dma source(%dma_start3A_74 : memref<1000000x128xf32, #tpu.memory_space<hbm>>) target(%arg6 : memref<256x128xf32, #tpu.memory_space<vmem>>) offsets(%dma_start3A_71 : memref<256xi32, #tpu.memory_space<vmem>>) semaphore(%dma_start3A_76 : memref<!tpu.dma_semaphore, #tpu.memory_space<semaphore_mem>>)
    %scan3A = arith.constant 0 : i32
    %scan3A_77 = arith.constant 0 : i32
    %scan3A_78 = arith.constant 50 : i32
    %scan3A_79 = arith.addi %scan3A_77, %scan3A_78 : i32
    %scan3A_80 = arith.constant 1 : i32
    scf.for %scan3A_157 = %scan3A_77 to %scan3A_79 step %scan3A_80  : i32 {
      %mul3A_158 = arith.constant 2 : i32
      %mul3A_159 = arith.muli %mul3A_158, %scan3A_157 : i32
      %add3A_160 = arith.constant 0 : i32
      %add3A_161 = arith.addi %mul3A_159, %add3A_160 : i32
      %add3A_162 = arith.constant 1 : i32
      %add3A_163 = arith.addi %add3A_161, %add3A_162 : i32
      %lt3A = arith.constant 100 : i32
      %lt3A_164 = arith.cmpi slt, %add3A_163, %lt3A : i32
      %convert_element_type3A = arith.extui %lt3A_164 : i1 to i32
      %cond3A = arith.constant 0 : i32
      %cond3A_165 = arith.cmpi ne, %convert_element_type3A, %cond3A : i32
      scf.if %cond3A_165 {
        %add3A_307 = arith.constant 1 : i32
        %add3A_308 = arith.addi %add3A_161, %add3A_307 : i32
        %mul3A_309 = arith.constant 2 : i32
        %mul3A_310 = arith.muli %add3A_308, %mul3A_309 : i32
        %mul3A_311 = arith.constant 128 : i32
        %mul3A_312 = arith.muli %mul3A_310, %mul3A_311 : i32
        %dma_start3A_313 = arith.constant 1 : i32
        %dma_start3A_314 = tpu.memref_slice %arg5[%mul3A_312] : memref<25600xi32, #tpu.memory_space<vmem>> -> memref<256xi32, #tpu.memory_space<vmem>>
        %dma_start3A_315 = arith.constant 0 : i32
        %dma_start3A_316 = arith.constant 0 : i32
        %dma_start3A_317 = tpu.memref_slice %arg3[%dma_start3A_315, %dma_start3A_316] : memref<1000000x128xf32, #tpu.memory_space<hbm>> -> memref<1000000x128xf32, #tpu.memory_space<hbm>>
        %dma_start3A_318 = tpu.memref_slice %arg11[%dma_start3A_313] : memref<2x!tpu.dma_semaphore, #tpu.memory_space<semaphore_mem>> -> memref<1x!tpu.dma_semaphore, #tpu.memory_space<semaphore_mem>>
        %dma_start3A_319 = tpu.memref_squeeze %dma_start3A_318 : memref<1x!tpu.dma_semaphore, #tpu.memory_space<semaphore_mem>> -> memref<!tpu.dma_semaphore, #tpu.memory_space<semaphore_mem>>
        tpu.enqueue_indirect_dma source(%dma_start3A_317 : memref<1000000x128xf32, #tpu.memory_space<hbm>>) target(%arg7 : memref<256x128xf32, #tpu.memory_space<vmem>>) offsets(%dma_start3A_314 : memref<256xi32, #tpu.memory_space<vmem>>) semaphore(%dma_start3A_319 : memref<!tpu.dma_semaphore, #tpu.memory_space<semaphore_mem>>)
      } else {
      }
      %mul3A_166 = arith.constant 2 : i32
      %mul3A_167 = arith.muli %add3A_161, %mul3A_166 : i32
      %mul3A_168 = arith.constant 128 : i32
      %mul3A_169 = arith.muli %mul3A_167, %mul3A_168 : i32
      %dma_wait3A_170 = arith.constant 0 : i32
      %dma_wait3A_171 = tpu.memref_slice %arg5[%mul3A_169] : memref<25600xi32, #tpu.memory_space<vmem>> -> memref<256xi32, #tpu.memory_space<vmem>>
      %dma_wait3A_172 = arith.constant 0 : i32
      %dma_wait3A_173 = arith.constant 0 : i32
      %dma_wait3A_174 = tpu.memref_slice %arg3[%dma_wait3A_172, %dma_wait3A_173] : memref<1000000x128xf32, #tpu.memory_space<hbm>> -> memref<1000000x128xf32, #tpu.memory_space<hbm>>
      %dma_wait3A_175 = tpu.memref_slice %arg11[%dma_wait3A_170] : memref<2x!tpu.dma_semaphore, #tpu.memory_space<semaphore_mem>> -> memref<1x!tpu.dma_semaphore, #tpu.memory_space<semaphore_mem>>
      %dma_wait3A_176 = tpu.memref_squeeze %dma_wait3A_175 : memref<1x!tpu.dma_semaphore, #tpu.memory_space<semaphore_mem>> -> memref<!tpu.dma_semaphore, #tpu.memory_space<semaphore_mem>>
      tpu.wait_indirect_dma semaphore(%dma_wait3A_176 : memref<!tpu.dma_semaphore, #tpu.memory_space<semaphore_mem>>) src(%dma_wait3A_174 : memref<1000000x128xf32, #tpu.memory_space<hbm>>) dst(%arg6 : memref<256x128xf32, #tpu.memory_space<vmem>>)
      %ge3A = arith.constant 2 : i32
      %ge3A_177 = arith.cmpi sge, %add3A_161, %ge3A : i32
      %convert_element_type3A_178 = arith.extui %ge3A_177 : i1 to i32
      %cond3A_179 = arith.constant 0 : i32
      %cond3A_180 = arith.cmpi ne, %convert_element_type3A_178, %cond3A_179 : i32
      scf.if %cond3A_180 {
        %sub3A = arith.constant 2 : i32
        %sub3A_307 = arith.subi %add3A_161, %sub3A : i32
        %mul3A_308 = arith.constant 2 : i32
        %mul3A_309 = arith.muli %mul3A_308, %sub3A_307 : i32
        %add3A_310 = arith.constant 0 : i32
        %add3A_311 = arith.addi %mul3A_309, %add3A_310 : i32
        %dma_wait3A_312 = arith.constant 0 : i32
        %dma_wait3A_313 = arith.constant 0 : i32
        %dma_wait3A_314 = arith.constant 0 : i32
        %dma_wait3A_315 = arith.constant 0 : i32
        %dma_wait3A_316 = tpu.memref_slice %arg8[%dma_wait3A_312, %dma_wait3A_314, %dma_wait3A_315] : memref<2x64x128xf32, #tpu.memory_space<vmem>> -> memref<1x64x128xf32, #tpu.memory_space<vmem>>
        %dma_wait3A_317 = tpu.memref_squeeze %dma_wait3A_316 : memref<1x64x128xf32, #tpu.memory_space<vmem>> -> memref<64x128xf32, #tpu.memory_space<vmem>>
        %dma_wait3A_318 = arith.constant 0 : i32
        %dma_wait3A_319 = tpu.memref_slice %arg4[%add3A_311, %dma_wait3A_318, %multiple_of3A] : memref<200x64x4096xf32, #tpu.memory_space<hbm>> -> memref<1x64x128xf32, #tpu.memory_space<hbm>>
        %dma_wait3A_320 = tpu.memref_squeeze %dma_wait3A_319 : memref<1x64x128xf32, #tpu.memory_space<hbm>> -> memref<64x128xf32, #tpu.memory_space<hbm>>
        %dma_wait3A_321 = tpu.memref_slice %arg12[%dma_wait3A_313] : memref<2x!tpu.dma_semaphore, #tpu.memory_space<semaphore_mem>> -> memref<1x!tpu.dma_semaphore, #tpu.memory_space<semaphore_mem>>
        %dma_wait3A_322 = tpu.memref_squeeze %dma_wait3A_321 : memref<1x!tpu.dma_semaphore, #tpu.memory_space<semaphore_mem>> -> memref<!tpu.dma_semaphore, #tpu.memory_space<semaphore_mem>>
        %dma_wait3A_323 = arith.constant 0 : i32
        %dma_wait3A_324 = tpu.memref_slice %arg4[%add3A_311, %dma_wait3A_323, %multiple_of3A] : memref<200x64x4096xf32, #tpu.memory_space<hbm>> -> memref<1x64x128xf32, #tpu.memory_space<hbm>>
        %dma_wait3A_325 = tpu.memref_squeeze %dma_wait3A_324 : memref<1x64x128xf32, #tpu.memory_space<hbm>> -> memref<64x128xf32, #tpu.memory_space<hbm>>
        %dma_wait3A_326 = arith.constant 0 : i32
        %dma_wait3A_327 = arith.constant 0 : i32
        %dma_wait3A_328 = tpu.memref_slice %arg8[%dma_wait3A_312, %dma_wait3A_326, %dma_wait3A_327] : memref<2x64x128xf32, #tpu.memory_space<vmem>> -> memref<1x64x128xf32, #tpu.memory_space<vmem>>
        %dma_wait3A_329 = tpu.memref_squeeze %dma_wait3A_328 : memref<1x64x128xf32, #tpu.memory_space<vmem>> -> memref<64x128xf32, #tpu.memory_space<vmem>>
        tpu.wait_dma2 semaphore(%dma_wait3A_322 : memref<!tpu.dma_semaphore, #tpu.memory_space<semaphore_mem>>) src(%dma_wait3A_329 : memref<64x128xf32, #tpu.memory_space<vmem>>) dst(%dma_wait3A_325 : memref<64x128xf32, #tpu.memory_space<hbm>>)
        %sub3A_330 = arith.constant 2 : i32
        %sub3A_331 = arith.subi %add3A_161, %sub3A_330 : i32
        %mul3A_332 = arith.constant 2 : i32
        %mul3A_333 = arith.muli %mul3A_332, %sub3A_331 : i32
        %add3A_334 = arith.constant 1 : i32
        %add3A_335 = arith.addi %mul3A_333, %add3A_334 : i32
        %dma_wait3A_336 = arith.constant 1 : i32
        %dma_wait3A_337 = arith.constant 0 : i32
        %dma_wait3A_338 = arith.constant 0 : i32
        %dma_wait3A_339 = arith.constant 0 : i32
        %dma_wait3A_340 = tpu.memref_slice %arg8[%dma_wait3A_336, %dma_wait3A_338, %dma_wait3A_339] : memref<2x64x128xf32, #tpu.memory_space<vmem>> -> memref<1x64x128xf32, #tpu.memory_space<vmem>>
        %dma_wait3A_341 = tpu.memref_squeeze %dma_wait3A_340 : memref<1x64x128xf32, #tpu.memory_space<vmem>> -> memref<64x128xf32, #tpu.memory_space<vmem>>
        %dma_wait3A_342 = arith.constant 0 : i32
        %dma_wait3A_343 = tpu.memref_slice %arg4[%add3A_335, %dma_wait3A_342, %multiple_of3A] : memref<200x64x4096xf32, #tpu.memory_space<hbm>> -> memref<1x64x128xf32, #tpu.memory_space<hbm>>
        %dma_wait3A_344 = tpu.memref_squeeze %dma_wait3A_343 : memref<1x64x128xf32, #tpu.memory_space<hbm>> -> memref<64x128xf32, #tpu.memory_space<hbm>>
        %dma_wait3A_345 = tpu.memref_slice %arg12[%dma_wait3A_337] : memref<2x!tpu.dma_semaphore, #tpu.memory_space<semaphore_mem>> -> memref<1x!tpu.dma_semaphore, #tpu.memory_space<semaphore_mem>>
        %dma_wait3A_346 = tpu.memref_squeeze %dma_wait3A_345 : memref<1x!tpu.dma_semaphore, #tpu.memory_space<semaphore_mem>> -> memref<!tpu.dma_semaphore, #tpu.memory_space<semaphore_mem>>
        %dma_wait3A_347 = arith.constant 0 : i32
        %dma_wait3A_348 = tpu.memref_slice %arg4[%add3A_335, %dma_wait3A_347, %multiple_of3A] : memref<200x64x4096xf32, #tpu.memory_space<hbm>> -> memref<1x64x128xf32, #tpu.memory_space<hbm>>
        %dma_wait3A_349 = tpu.memref_squeeze %dma_wait3A_348 : memref<1x64x128xf32, #tpu.memory_space<hbm>> -> memref<64x128xf32, #tpu.memory_space<hbm>>
        %dma_wait3A_350 = arith.constant 0 : i32
        %dma_wait3A_351 = arith.constant 0 : i32
        %dma_wait3A_352 = tpu.memref_slice %arg8[%dma_wait3A_336, %dma_wait3A_350, %dma_wait3A_351] : memref<2x64x128xf32, #tpu.memory_space<vmem>> -> memref<1x64x128xf32, #tpu.memory_space<vmem>>
        %dma_wait3A_353 = tpu.memref_squeeze %dma_wait3A_352 : memref<1x64x128xf32, #tpu.memory_space<vmem>> -> memref<64x128xf32, #tpu.memory_space<vmem>>
        tpu.wait_dma2 semaphore(%dma_wait3A_346 : memref<!tpu.dma_semaphore, #tpu.memory_space<semaphore_mem>>) src(%dma_wait3A_353 : memref<64x128xf32, #tpu.memory_space<vmem>>) dst(%dma_wait3A_349 : memref<64x128xf32, #tpu.memory_space<hbm>>)
      } else {
      }
      %parallel_loop3A = arith.constant 0 : i32
      %parallel_loop3A_181 = arith.constant 64 : i32
      %parallel_loop3A_182 = arith.constant 1 : i32
      scf.for %parallel_loop3A_307 = %parallel_loop3A to %parallel_loop3A_181 step %parallel_loop3A_182  : i32 {
        %parallel_loop3A_308 = arith.constant 0 : i32
        %parallel_loop3A_309 = vector.broadcast %parallel_loop3A_308 : i32 to vector<16xi32>
        %parallel_loop3A_310 = vector.broadcast %parallel_loop3A_307 : i32 to vector<16xi32>
        %parallel_loop3A_311 = arith.addi %parallel_loop3A_309, %parallel_loop3A_310 : vector<16xi32>
        %parallel_loop3A_312 = tpu.vector_load_idx %arg6[%add3A_9, %parallel_loop3A_311] : memref<256x128xf32, #tpu.memory_space<vmem>>[vector<16xi32>, vector<16xi32>], vector<16xf32>,
        %parallel_loop3A_313 = arith.constant 0 : i32
        %parallel_loop3A_314 = arith.index_cast %parallel_loop3A_313 : i32 to index
        %parallel_loop3A_315 = arith.index_cast %parallel_loop3A_307 : i32 to index
        %parallel_loop3A_316 = arith.constant 0 : index
        %parallel_loop3A_317 = tpu.vector_load %arg8[%parallel_loop3A_314, %parallel_loop3A_315, %parallel_loop3A_316] {strides = array<i32>} : memref<2x64x128xf32, #tpu.memory_space<vmem>>, vector<16xf32>,
        tpu.vector_store %arg8[%parallel_loop3A_314, %parallel_loop3A_315, %parallel_loop3A_316], %parallel_loop3A_312 {strides = array<i32>} : memref<2x64x128xf32, #tpu.memory_space<vmem>>, vector<16xf32>,
        %parallel_loop3A_318 = tpu.vector_load_idx %arg6[%add3A_13, %parallel_loop3A_311] : memref<256x128xf32, #tpu.memory_space<vmem>>[vector<16xi32>, vector<16xi32>], vector<16xf32>,
        %parallel_loop3A_319 = arith.constant 0 : i32
        %parallel_loop3A_320 = arith.index_cast %parallel_loop3A_319 : i32 to index
        %parallel_loop3A_321 = arith.index_cast %parallel_loop3A_307 : i32 to index
        %parallel_loop3A_322 = arith.constant 16 : index
        %parallel_loop3A_323 = tpu.vector_load %arg8[%parallel_loop3A_320, %parallel_loop3A_321, %parallel_loop3A_322] {strides = array<i32>} : memref<2x64x128xf32, #tpu.memory_space<vmem>>, vector<16xf32>,
        tpu.vector_store %arg8[%parallel_loop3A_320, %parallel_loop3A_321, %parallel_loop3A_322], %parallel_loop3A_318 {strides = array<i32>} : memref<2x64x128xf32, #tpu.memory_space<vmem>>, vector<16xf32>,
        %parallel_loop3A_324 = tpu.vector_load_idx %arg6[%add3A_17, %parallel_loop3A_311] : memref<256x128xf32, #tpu.memory_space<vmem>>[vector<16xi32>, vector<16xi32>], vector<16xf32>,
        %parallel_loop3A_325 = arith.constant 0 : i32
        %parallel_loop3A_326 = arith.index_cast %parallel_loop3A_325 : i32 to index
        %parallel_loop3A_327 = arith.index_cast %parallel_loop3A_307 : i32 to index
        %parallel_loop3A_328 = arith.constant 32 : index
        %parallel_loop3A_329 = tpu.vector_load %arg8[%parallel_loop3A_326, %parallel_loop3A_327, %parallel_loop3A_328] {strides = array<i32>} : memref<2x64x128xf32, #tpu.memory_space<vmem>>, vector<16xf32>,
        tpu.vector_store %arg8[%parallel_loop3A_326, %parallel_loop3A_327, %parallel_loop3A_328], %parallel_loop3A_324 {strides = array<i32>} : memref<2x64x128xf32, #tpu.memory_space<vmem>>, vector<16xf32>,
        %parallel_loop3A_330 = tpu.vector_load_idx %arg6[%add3A_21, %parallel_loop3A_311] : memref<256x128xf32, #tpu.memory_space<vmem>>[vector<16xi32>, vector<16xi32>], vector<16xf32>,
        %parallel_loop3A_331 = arith.constant 0 : i32
        %parallel_loop3A_332 = arith.index_cast %parallel_loop3A_331 : i32 to index
        %parallel_loop3A_333 = arith.index_cast %parallel_loop3A_307 : i32 to index
        %parallel_loop3A_334 = arith.constant 48 : index
        %parallel_loop3A_335 = tpu.vector_load %arg8[%parallel_loop3A_332, %parallel_loop3A_333, %parallel_loop3A_334] {strides = array<i32>} : memref<2x64x128xf32, #tpu.memory_space<vmem>>, vector<16xf32>,
        tpu.vector_store %arg8[%parallel_loop3A_332, %parallel_loop3A_333, %parallel_loop3A_334], %parallel_loop3A_330 {strides = array<i32>} : memref<2x64x128xf32, #tpu.memory_space<vmem>>, vector<16xf32>,
        %parallel_loop3A_336 = tpu.vector_load_idx %arg6[%add3A_25, %parallel_loop3A_311] : memref<256x128xf32, #tpu.memory_space<vmem>>[vector<16xi32>, vector<16xi32>], vector<16xf32>,
        %parallel_loop3A_337 = arith.constant 0 : i32
        %parallel_loop3A_338 = arith.index_cast %parallel_loop3A_337 : i32 to index
        %parallel_loop3A_339 = arith.index_cast %parallel_loop3A_307 : i32 to index
        %parallel_loop3A_340 = arith.constant 64 : index
        %parallel_loop3A_341 = tpu.vector_load %arg8[%parallel_loop3A_338, %parallel_loop3A_339, %parallel_loop3A_340] {strides = array<i32>} : memref<2x64x128xf32, #tpu.memory_space<vmem>>, vector<16xf32>,
        tpu.vector_store %arg8[%parallel_loop3A_338, %parallel_loop3A_339, %parallel_loop3A_340], %parallel_loop3A_336 {strides = array<i32>} : memref<2x64x128xf32, #tpu.memory_space<vmem>>, vector<16xf32>,
        %parallel_loop3A_342 = tpu.vector_load_idx %arg6[%add3A_29, %parallel_loop3A_311] : memref<256x128xf32, #tpu.memory_space<vmem>>[vector<16xi32>, vector<16xi32>], vector<16xf32>,
        %parallel_loop3A_343 = arith.constant 0 : i32
        %parallel_loop3A_344 = arith.index_cast %parallel_loop3A_343 : i32 to index
        %parallel_loop3A_345 = arith.index_cast %parallel_loop3A_307 : i32 to index
        %parallel_loop3A_346 = arith.constant 80 : index
        %parallel_loop3A_347 = tpu.vector_load %arg8[%parallel_loop3A_344, %parallel_loop3A_345, %parallel_loop3A_346] {strides = array<i32>} : memref<2x64x128xf32, #tpu.memory_space<vmem>>, vector<16xf32>,
        tpu.vector_store %arg8[%parallel_loop3A_344, %parallel_loop3A_345, %parallel_loop3A_346], %parallel_loop3A_342 {strides = array<i32>} : memref<2x64x128xf32, #tpu.memory_space<vmem>>, vector<16xf32>,
        %parallel_loop3A_348 = tpu.vector_load_idx %arg6[%add3A_33, %parallel_loop3A_311] : memref<256x128xf32, #tpu.memory_space<vmem>>[vector<16xi32>, vector<16xi32>], vector<16xf32>,
        %parallel_loop3A_349 = arith.constant 0 : i32
        %parallel_loop3A_350 = arith.index_cast %parallel_loop3A_349 : i32 to index
        %parallel_loop3A_351 = arith.index_cast %parallel_loop3A_307 : i32 to index
        %parallel_loop3A_352 = arith.constant 96 : index
        %parallel_loop3A_353 = tpu.vector_load %arg8[%parallel_loop3A_350, %parallel_loop3A_351, %parallel_loop3A_352] {strides = array<i32>} : memref<2x64x128xf32, #tpu.memory_space<vmem>>, vector<16xf32>,
        tpu.vector_store %arg8[%parallel_loop3A_350, %parallel_loop3A_351, %parallel_loop3A_352], %parallel_loop3A_348 {strides = array<i32>} : memref<2x64x128xf32, #tpu.memory_space<vmem>>, vector<16xf32>,
        %parallel_loop3A_354 = tpu.vector_load_idx %arg6[%add3A_37, %parallel_loop3A_311] : memref<256x128xf32, #tpu.memory_space<vmem>>[vector<16xi32>, vector<16xi32>], vector<16xf32>,
        %parallel_loop3A_355 = arith.constant 0 : i32
        %parallel_loop3A_356 = arith.index_cast %parallel_loop3A_355 : i32 to index
        %parallel_loop3A_357 = arith.index_cast %parallel_loop3A_307 : i32 to index
        %parallel_loop3A_358 = arith.constant 112 : index
        %parallel_loop3A_359 = tpu.vector_load %arg8[%parallel_loop3A_356, %parallel_loop3A_357, %parallel_loop3A_358] {strides = array<i32>} : memref<2x64x128xf32, #tpu.memory_space<vmem>>, vector<16xf32>,
        tpu.vector_store %arg8[%parallel_loop3A_356, %parallel_loop3A_357, %parallel_loop3A_358], %parallel_loop3A_354 {strides = array<i32>} : memref<2x64x128xf32, #tpu.memory_space<vmem>>, vector<16xf32>,
      } {sc.loop_unroll_factor = 8 : i64, sc.parallel_access}
      %mul3A_183 = arith.constant 2 : i32
      %mul3A_184 = arith.muli %mul3A_183, %add3A_161 : i32
      %add3A_185 = arith.constant 0 : i32
      %add3A_186 = arith.addi %mul3A_184, %add3A_185 : i32
      %dma_start3A_187 = arith.constant 0 : i32
      %dma_start3A_188 = arith.constant 0 : i32
      %dma_start3A_189 = arith.constant 0 : i32
      %dma_start3A_190 = arith.constant 0 : i32
      %dma_start3A_191 = tpu.memref_slice %arg8[%dma_start3A_187, %dma_start3A_189, %dma_start3A_190] : memref<2x64x128xf32, #tpu.memory_space<vmem>> -> memref<1x64x128xf32, #tpu.memory_space<vmem>>
      %dma_start3A_192 = tpu.memref_squeeze %dma_start3A_191 : memref<1x64x128xf32, #tpu.memory_space<vmem>> -> memref<64x128xf32, #tpu.memory_space<vmem>>
      %dma_start3A_193 = arith.constant 0 : i32
      %dma_start3A_194 = tpu.memref_slice %arg4[%add3A_186, %dma_start3A_193, %multiple_of3A] : memref<200x64x4096xf32, #tpu.memory_space<hbm>> -> memref<1x64x128xf32, #tpu.memory_space<hbm>>
      %dma_start3A_195 = tpu.memref_squeeze %dma_start3A_194 : memref<1x64x128xf32, #tpu.memory_space<hbm>> -> memref<64x128xf32, #tpu.memory_space<hbm>>
      %dma_start3A_196 = tpu.memref_slice %arg12[%dma_start3A_188] : memref<2x!tpu.dma_semaphore, #tpu.memory_space<semaphore_mem>> -> memref<1x!tpu.dma_semaphore, #tpu.memory_space<semaphore_mem>>
      %dma_start3A_197 = tpu.memref_squeeze %dma_start3A_196 : memref<1x!tpu.dma_semaphore, #tpu.memory_space<semaphore_mem>> -> memref<!tpu.dma_semaphore, #tpu.memory_space<semaphore_mem>>
      %dma_start3A_198 = arith.constant 0 : i32
      %dma_start3A_199 = tpu.memref_slice %arg4[%add3A_186, %dma_start3A_198, %multiple_of3A] : memref<200x64x4096xf32, #tpu.memory_space<hbm>> -> memref<1x64x128xf32, #tpu.memory_space<hbm>>
      %dma_start3A_200 = tpu.memref_squeeze %dma_start3A_199 : memref<1x64x128xf32, #tpu.memory_space<hbm>> -> memref<64x128xf32, #tpu.memory_space<hbm>>
      %dma_start3A_201 = arith.constant 0 : i32
      %dma_start3A_202 = arith.constant 0 : i32
      %dma_start3A_203 = tpu.memref_slice %arg8[%dma_start3A_187, %dma_start3A_201, %dma_start3A_202] : memref<2x64x128xf32, #tpu.memory_space<vmem>> -> memref<1x64x128xf32, #tpu.memory_space<vmem>>
      %dma_start3A_204 = tpu.memref_squeeze %dma_start3A_203 : memref<1x64x128xf32, #tpu.memory_space<vmem>> -> memref<64x128xf32, #tpu.memory_space<vmem>>
      tpu.enqueue_dma source(%dma_start3A_204 : memref<64x128xf32, #tpu.memory_space<vmem>>) target(%dma_start3A_200 : memref<64x128xf32, #tpu.memory_space<hbm>>) target_semaphore(%dma_start3A_197 : memref<!tpu.dma_semaphore, #tpu.memory_space<semaphore_mem>>)
      %parallel_loop3A_205 = arith.constant 0 : i32
      %parallel_loop3A_206 = arith.constant 64 : i32
      %parallel_loop3A_207 = arith.constant 1 : i32
      scf.for %parallel_loop3A_307 = %parallel_loop3A_205 to %parallel_loop3A_206 step %parallel_loop3A_207  : i32 {
        %parallel_loop3A_308 = arith.constant 0 : i32
        %parallel_loop3A_309 = vector.broadcast %parallel_loop3A_308 : i32 to vector<16xi32>
        %parallel_loop3A_310 = vector.broadcast %parallel_loop3A_307 : i32 to vector<16xi32>
        %parallel_loop3A_311 = arith.addi %parallel_loop3A_309, %parallel_loop3A_310 : vector<16xi32>
        %parallel_loop3A_312 = tpu.vector_load_idx %arg6[%add3A_41, %parallel_loop3A_311] : memref<256x128xf32, #tpu.memory_space<vmem>>[vector<16xi32>, vector<16xi32>], vector<16xf32>,
        %parallel_loop3A_313 = arith.constant 1 : i32
        %parallel_loop3A_314 = arith.index_cast %parallel_loop3A_313 : i32 to index
        %parallel_loop3A_315 = arith.index_cast %parallel_loop3A_307 : i32 to index
        %parallel_loop3A_316 = arith.constant 0 : index
        %parallel_loop3A_317 = tpu.vector_load %arg8[%parallel_loop3A_314, %parallel_loop3A_315, %parallel_loop3A_316] {strides = array<i32>} : memref<2x64x128xf32, #tpu.memory_space<vmem>>, vector<16xf32>,
        tpu.vector_store %arg8[%parallel_loop3A_314, %parallel_loop3A_315, %parallel_loop3A_316], %parallel_loop3A_312 {strides = array<i32>} : memref<2x64x128xf32, #tpu.memory_space<vmem>>, vector<16xf32>,
        %parallel_loop3A_318 = tpu.vector_load_idx %arg6[%add3A_45, %parallel_loop3A_311] : memref<256x128xf32, #tpu.memory_space<vmem>>[vector<16xi32>, vector<16xi32>], vector<16xf32>,
        %parallel_loop3A_319 = arith.constant 1 : i32
        %parallel_loop3A_320 = arith.index_cast %parallel_loop3A_319 : i32 to index
        %parallel_loop3A_321 = arith.index_cast %parallel_loop3A_307 : i32 to index
        %parallel_loop3A_322 = arith.constant 16 : index
        %parallel_loop3A_323 = tpu.vector_load %arg8[%parallel_loop3A_320, %parallel_loop3A_321, %parallel_loop3A_322] {strides = array<i32>} : memref<2x64x128xf32, #tpu.memory_space<vmem>>, vector<16xf32>,
        tpu.vector_store %arg8[%parallel_loop3A_320, %parallel_loop3A_321, %parallel_loop3A_322], %parallel_loop3A_318 {strides = array<i32>} : memref<2x64x128xf32, #tpu.memory_space<vmem>>, vector<16xf32>,
        %parallel_loop3A_324 = tpu.vector_load_idx %arg6[%add3A_49, %parallel_loop3A_311] : memref<256x128xf32, #tpu.memory_space<vmem>>[vector<16xi32>, vector<16xi32>], vector<16xf32>,
        %parallel_loop3A_325 = arith.constant 1 : i32
        %parallel_loop3A_326 = arith.index_cast %parallel_loop3A_325 : i32 to index
        %parallel_loop3A_327 = arith.index_cast %parallel_loop3A_307 : i32 to index
        %parallel_loop3A_328 = arith.constant 32 : index
        %parallel_loop3A_329 = tpu.vector_load %arg8[%parallel_loop3A_326, %parallel_loop3A_327, %parallel_loop3A_328] {strides = array<i32>} : memref<2x64x128xf32, #tpu.memory_space<vmem>>, vector<16xf32>,
        tpu.vector_store %arg8[%parallel_loop3A_326, %parallel_loop3A_327, %parallel_loop3A_328], %parallel_loop3A_324 {strides = array<i32>} : memref<2x64x128xf32, #tpu.memory_space<vmem>>, vector<16xf32>,
        %parallel_loop3A_330 = tpu.vector_load_idx %arg6[%add3A_53, %parallel_loop3A_311] : memref<256x128xf32, #tpu.memory_space<vmem>>[vector<16xi32>, vector<16xi32>], vector<16xf32>,
        %parallel_loop3A_331 = arith.constant 1 : i32
        %parallel_loop3A_332 = arith.index_cast %parallel_loop3A_331 : i32 to index
        %parallel_loop3A_333 = arith.index_cast %parallel_loop3A_307 : i32 to index
        %parallel_loop3A_334 = arith.constant 48 : index
        %parallel_loop3A_335 = tpu.vector_load %arg8[%parallel_loop3A_332, %parallel_loop3A_333, %parallel_loop3A_334] {strides = array<i32>} : memref<2x64x128xf32, #tpu.memory_space<vmem>>, vector<16xf32>,
        tpu.vector_store %arg8[%parallel_loop3A_332, %parallel_loop3A_333, %parallel_loop3A_334], %parallel_loop3A_330 {strides = array<i32>} : memref<2x64x128xf32, #tpu.memory_space<vmem>>, vector<16xf32>,
        %parallel_loop3A_336 = tpu.vector_load_idx %arg6[%add3A_57, %parallel_loop3A_311] : memref<256x128xf32, #tpu.memory_space<vmem>>[vector<16xi32>, vector<16xi32>], vector<16xf32>,
        %parallel_loop3A_337 = arith.constant 1 : i32
        %parallel_loop3A_338 = arith.index_cast %parallel_loop3A_337 : i32 to index
        %parallel_loop3A_339 = arith.index_cast %parallel_loop3A_307 : i32 to index
        %parallel_loop3A_340 = arith.constant 64 : index
        %parallel_loop3A_341 = tpu.vector_load %arg8[%parallel_loop3A_338, %parallel_loop3A_339, %parallel_loop3A_340] {strides = array<i32>} : memref<2x64x128xf32, #tpu.memory_space<vmem>>, vector<16xf32>,
        tpu.vector_store %arg8[%parallel_loop3A_338, %parallel_loop3A_339, %parallel_loop3A_340], %parallel_loop3A_336 {strides = array<i32>} : memref<2x64x128xf32, #tpu.memory_space<vmem>>, vector<16xf32>,
        %parallel_loop3A_342 = tpu.vector_load_idx %arg6[%add3A_61, %parallel_loop3A_311] : memref<256x128xf32, #tpu.memory_space<vmem>>[vector<16xi32>, vector<16xi32>], vector<16xf32>,
        %parallel_loop3A_343 = arith.constant 1 : i32
        %parallel_loop3A_344 = arith.index_cast %parallel_loop3A_343 : i32 to index
        %parallel_loop3A_345 = arith.index_cast %parallel_loop3A_307 : i32 to index
        %parallel_loop3A_346 = arith.constant 80 : index
        %parallel_loop3A_347 = tpu.vector_load %arg8[%parallel_loop3A_344, %parallel_loop3A_345, %parallel_loop3A_346] {strides = array<i32>} : memref<2x64x128xf32, #tpu.memory_space<vmem>>, vector<16xf32>,
        tpu.vector_store %arg8[%parallel_loop3A_344, %parallel_loop3A_345, %parallel_loop3A_346], %parallel_loop3A_342 {strides = array<i32>} : memref<2x64x128xf32, #tpu.memory_space<vmem>>, vector<16xf32>,
        %parallel_loop3A_348 = tpu.vector_load_idx %arg6[%add3A_65, %parallel_loop3A_311] : memref<256x128xf32, #tpu.memory_space<vmem>>[vector<16xi32>, vector<16xi32>], vector<16xf32>,
        %parallel_loop3A_349 = arith.constant 1 : i32
        %parallel_loop3A_350 = arith.index_cast %parallel_loop3A_349 : i32 to index
        %parallel_loop3A_351 = arith.index_cast %parallel_loop3A_307 : i32 to index
        %parallel_loop3A_352 = arith.constant 96 : index
        %parallel_loop3A_353 = tpu.vector_load %arg8[%parallel_loop3A_350, %parallel_loop3A_351, %parallel_loop3A_352] {strides = array<i32>} : memref<2x64x128xf32, #tpu.memory_space<vmem>>, vector<16xf32>,
        tpu.vector_store %arg8[%parallel_loop3A_350, %parallel_loop3A_351, %parallel_loop3A_352], %parallel_loop3A_348 {strides = array<i32>} : memref<2x64x128xf32, #tpu.memory_space<vmem>>, vector<16xf32>,
        %parallel_loop3A_354 = tpu.vector_load_idx %arg6[%add3A_69, %parallel_loop3A_311] : memref<256x128xf32, #tpu.memory_space<vmem>>[vector<16xi32>, vector<16xi32>], vector<16xf32>,
        %parallel_loop3A_355 = arith.constant 1 : i32
        %parallel_loop3A_356 = arith.index_cast %parallel_loop3A_355 : i32 to index
        %parallel_loop3A_357 = arith.index_cast %parallel_loop3A_307 : i32 to index
        %parallel_loop3A_358 = arith.constant 112 : index
        %parallel_loop3A_359 = tpu.vector_load %arg8[%parallel_loop3A_356, %parallel_loop3A_357, %parallel_loop3A_358] {strides = array<i32>} : memref<2x64x128xf32, #tpu.memory_space<vmem>>, vector<16xf32>,
        tpu.vector_store %arg8[%parallel_loop3A_356, %parallel_loop3A_357, %parallel_loop3A_358], %parallel_loop3A_354 {strides = array<i32>} : memref<2x64x128xf32, #tpu.memory_space<vmem>>, vector<16xf32>,
      } {sc.loop_unroll_factor = 8 : i64, sc.parallel_access}
      %mul3A_208 = arith.constant 2 : i32
      %mul3A_209 = arith.muli %mul3A_208, %add3A_161 : i32
      %add3A_210 = arith.constant 1 : i32
      %add3A_211 = arith.addi %mul3A_209, %add3A_210 : i32
      %dma_start3A_212 = arith.constant 1 : i32
      %dma_start3A_213 = arith.constant 0 : i32
      %dma_start3A_214 = arith.constant 0 : i32
      %dma_start3A_215 = arith.constant 0 : i32
      %dma_start3A_216 = tpu.memref_slice %arg8[%dma_start3A_212, %dma_start3A_214, %dma_start3A_215] : memref<2x64x128xf32, #tpu.memory_space<vmem>> -> memref<1x64x128xf32, #tpu.memory_space<vmem>>
      %dma_start3A_217 = tpu.memref_squeeze %dma_start3A_216 : memref<1x64x128xf32, #tpu.memory_space<vmem>> -> memref<64x128xf32, #tpu.memory_space<vmem>>
      %dma_start3A_218 = arith.constant 0 : i32
      %dma_start3A_219 = tpu.memref_slice %arg4[%add3A_211, %dma_start3A_218, %multiple_of3A] : memref<200x64x4096xf32, #tpu.memory_space<hbm>> -> memref<1x64x128xf32, #tpu.memory_space<hbm>>
      %dma_start3A_220 = tpu.memref_squeeze %dma_start3A_219 : memref<1x64x128xf32, #tpu.memory_space<hbm>> -> memref<64x128xf32, #tpu.memory_space<hbm>>
      %dma_start3A_221 = tpu.memref_slice %arg12[%dma_start3A_213] : memref<2x!tpu.dma_semaphore, #tpu.memory_space<semaphore_mem>> -> memref<1x!tpu.dma_semaphore, #tpu.memory_space<semaphore_mem>>
      %dma_start3A_222 = tpu.memref_squeeze %dma_start3A_221 : memref<1x!tpu.dma_semaphore, #tpu.memory_space<semaphore_mem>> -> memref<!tpu.dma_semaphore, #tpu.memory_space<semaphore_mem>>
      %dma_start3A_223 = arith.constant 0 : i32
      %dma_start3A_224 = tpu.memref_slice %arg4[%add3A_211, %dma_start3A_223, %multiple_of3A] : memref<200x64x4096xf32, #tpu.memory_space<hbm>> -> memref<1x64x128xf32, #tpu.memory_space<hbm>>
      %dma_start3A_225 = tpu.memref_squeeze %dma_start3A_224 : memref<1x64x128xf32, #tpu.memory_space<hbm>> -> memref<64x128xf32, #tpu.memory_space<hbm>>
      %dma_start3A_226 = arith.constant 0 : i32
      %dma_start3A_227 = arith.constant 0 : i32
      %dma_start3A_228 = tpu.memref_slice %arg8[%dma_start3A_212, %dma_start3A_226, %dma_start3A_227] : memref<2x64x128xf32, #tpu.memory_space<vmem>> -> memref<1x64x128xf32, #tpu.memory_space<vmem>>
      %dma_start3A_229 = tpu.memref_squeeze %dma_start3A_228 : memref<1x64x128xf32, #tpu.memory_space<vmem>> -> memref<64x128xf32, #tpu.memory_space<vmem>>
      tpu.enqueue_dma source(%dma_start3A_229 : memref<64x128xf32, #tpu.memory_space<vmem>>) target(%dma_start3A_225 : memref<64x128xf32, #tpu.memory_space<hbm>>) target_semaphore(%dma_start3A_222 : memref<!tpu.dma_semaphore, #tpu.memory_space<semaphore_mem>>)
      %mul3A_230 = arith.constant 2 : i32
      %mul3A_231 = arith.muli %mul3A_230, %scan3A_157 : i32
      %add3A_232 = arith.constant 1 : i32
      %add3A_233 = arith.addi %mul3A_231, %add3A_232 : i32
      %add3A_234 = arith.constant 1 : i32
      %add3A_235 = arith.addi %add3A_233, %add3A_234 : i32
      %lt3A_236 = arith.constant 100 : i32
      %lt3A_237 = arith.cmpi slt, %add3A_235, %lt3A_236 : i32
      %convert_element_type3A_238 = arith.extui %lt3A_237 : i1 to i32
      %cond3A_239 = arith.constant 0 : i32
      %cond3A_240 = arith.cmpi ne, %convert_element_type3A_238, %cond3A_239 : i32
      scf.if %cond3A_240 {
        %add3A_307 = arith.constant 1 : i32
        %add3A_308 = arith.addi %add3A_233, %add3A_307 : i32
        %mul3A_309 = arith.constant 2 : i32
        %mul3A_310 = arith.muli %add3A_308, %mul3A_309 : i32
        %mul3A_311 = arith.constant 128 : i32
        %mul3A_312 = arith.muli %mul3A_310, %mul3A_311 : i32
        %dma_start3A_313 = arith.constant 0 : i32
        %dma_start3A_314 = tpu.memref_slice %arg5[%mul3A_312] : memref<25600xi32, #tpu.memory_space<vmem>> -> memref<256xi32, #tpu.memory_space<vmem>>
        %dma_start3A_315 = arith.constant 0 : i32
        %dma_start3A_316 = arith.constant 0 : i32
        %dma_start3A_317 = tpu.memref_slice %arg3[%dma_start3A_315, %dma_start3A_316] : memref<1000000x128xf32, #tpu.memory_space<hbm>> -> memref<1000000x128xf32, #tpu.memory_space<hbm>>
        %dma_start3A_318 = tpu.memref_slice %arg11[%dma_start3A_313] : memref<2x!tpu.dma_semaphore, #tpu.memory_space<semaphore_mem>> -> memref<1x!tpu.dma_semaphore, #tpu.memory_space<semaphore_mem>>
        %dma_start3A_319 = tpu.memref_squeeze %dma_start3A_318 : memref<1x!tpu.dma_semaphore, #tpu.memory_space<semaphore_mem>> -> memref<!tpu.dma_semaphore, #tpu.memory_space<semaphore_mem>>
        tpu.enqueue_indirect_dma source(%dma_start3A_317 : memref<1000000x128xf32, #tpu.memory_space<hbm>>) target(%arg6 : memref<256x128xf32, #tpu.memory_space<vmem>>) offsets(%dma_start3A_314 : memref<256xi32, #tpu.memory_space<vmem>>) semaphore(%dma_start3A_319 : memref<!tpu.dma_semaphore, #tpu.memory_space<semaphore_mem>>)
      } else {
      }
      %mul3A_241 = arith.constant 2 : i32
      %mul3A_242 = arith.muli %add3A_233, %mul3A_241 : i32
      %mul3A_243 = arith.constant 128 : i32
      %mul3A_244 = arith.muli %mul3A_242, %mul3A_243 : i32
      %dma_wait3A_245 = arith.constant 1 : i32
      %dma_wait3A_246 = tpu.memref_slice %arg5[%mul3A_244] : memref<25600xi32, #tpu.memory_space<vmem>> -> memref<256xi32, #tpu.memory_space<vmem>>
      %dma_wait3A_247 = arith.constant 0 : i32
      %dma_wait3A_248 = arith.constant 0 : i32
      %dma_wait3A_249 = tpu.memref_slice %arg3[%dma_wait3A_247, %dma_wait3A_248] : memref<1000000x128xf32, #tpu.memory_space<hbm>> -> memref<1000000x128xf32, #tpu.memory_space<hbm>>
      %dma_wait3A_250 = tpu.memref_slice %arg11[%dma_wait3A_245] : memref<2x!tpu.dma_semaphore, #tpu.memory_space<semaphore_mem>> -> memref<1x!tpu.dma_semaphore, #tpu.memory_space<semaphore_mem>>
      %dma_wait3A_251 = tpu.memref_squeeze %dma_wait3A_250 : memref<1x!tpu.dma_semaphore, #tpu.memory_space<semaphore_mem>> -> memref<!tpu.dma_semaphore, #tpu.memory_space<semaphore_mem>>
      tpu.wait_indirect_dma semaphore(%dma_wait3A_251 : memref<!tpu.dma_semaphore, #tpu.memory_space<semaphore_mem>>) src(%dma_wait3A_249 : memref<1000000x128xf32, #tpu.memory_space<hbm>>) dst(%arg7 : memref<256x128xf32, #tpu.memory_space<vmem>>)
      %ge3A_252 = arith.constant 2 : i32
      %ge3A_253 = arith.cmpi sge, %add3A_233, %ge3A_252 : i32
      %convert_element_type3A_254 = arith.extui %ge3A_253 : i1 to i32
      %cond3A_255 = arith.constant 0 : i32
      %cond3A_256 = arith.cmpi ne, %convert_element_type3A_254, %cond3A_255 : i32
      scf.if %cond3A_256 {
        %sub3A = arith.constant 2 : i32
        %sub3A_307 = arith.subi %add3A_233, %sub3A : i32
        %mul3A_308 = arith.constant 2 : i32
        %mul3A_309 = arith.muli %mul3A_308, %sub3A_307 : i32
        %add3A_310 = arith.constant 0 : i32
        %add3A_311 = arith.addi %mul3A_309, %add3A_310 : i32
        %dma_wait3A_312 = arith.constant 0 : i32
        %dma_wait3A_313 = arith.constant 1 : i32
        %dma_wait3A_314 = arith.constant 0 : i32
        %dma_wait3A_315 = arith.constant 0 : i32
        %dma_wait3A_316 = tpu.memref_slice %arg9[%dma_wait3A_312, %dma_wait3A_314, %dma_wait3A_315] : memref<2x64x128xf32, #tpu.memory_space<vmem>> -> memref<1x64x128xf32, #tpu.memory_space<vmem>>
        %dma_wait3A_317 = tpu.memref_squeeze %dma_wait3A_316 : memref<1x64x128xf32, #tpu.memory_space<vmem>> -> memref<64x128xf32, #tpu.memory_space<vmem>>
        %dma_wait3A_318 = arith.constant 0 : i32
        %dma_wait3A_319 = tpu.memref_slice %arg4[%add3A_311, %dma_wait3A_318, %multiple_of3A] : memref<200x64x4096xf32, #tpu.memory_space<hbm>> -> memref<1x64x128xf32, #tpu.memory_space<hbm>>
        %dma_wait3A_320 = tpu.memref_squeeze %dma_wait3A_319 : memref<1x64x128xf32, #tpu.memory_space<hbm>> -> memref<64x128xf32, #tpu.memory_space<hbm>>
        %dma_wait3A_321 = tpu.memref_slice %arg12[%dma_wait3A_313] : memref<2x!tpu.dma_semaphore, #tpu.memory_space<semaphore_mem>> -> memref<1x!tpu.dma_semaphore, #tpu.memory_space<semaphore_mem>>
        %dma_wait3A_322 = tpu.memref_squeeze %dma_wait3A_321 : memref<1x!tpu.dma_semaphore, #tpu.memory_space<semaphore_mem>> -> memref<!tpu.dma_semaphore, #tpu.memory_space<semaphore_mem>>
        %dma_wait3A_323 = arith.constant 0 : i32
        %dma_wait3A_324 = tpu.memref_slice %arg4[%add3A_311, %dma_wait3A_323, %multiple_of3A] : memref<200x64x4096xf32, #tpu.memory_space<hbm>> -> memref<1x64x128xf32, #tpu.memory_space<hbm>>
        %dma_wait3A_325 = tpu.memref_squeeze %dma_wait3A_324 : memref<1x64x128xf32, #tpu.memory_space<hbm>> -> memref<64x128xf32, #tpu.memory_space<hbm>>
        %dma_wait3A_326 = arith.constant 0 : i32
        %dma_wait3A_327 = arith.constant 0 : i32
        %dma_wait3A_328 = tpu.memref_slice %arg9[%dma_wait3A_312, %dma_wait3A_326, %dma_wait3A_327] : memref<2x64x128xf32, #tpu.memory_space<vmem>> -> memref<1x64x128xf32, #tpu.memory_space<vmem>>
        %dma_wait3A_329 = tpu.memref_squeeze %dma_wait3A_328 : memref<1x64x128xf32, #tpu.memory_space<vmem>> -> memref<64x128xf32, #tpu.memory_space<vmem>>
        tpu.wait_dma2 semaphore(%dma_wait3A_322 : memref<!tpu.dma_semaphore, #tpu.memory_space<semaphore_mem>>) src(%dma_wait3A_329 : memref<64x128xf32, #tpu.memory_space<vmem>>) dst(%dma_wait3A_325 : memref<64x128xf32, #tpu.memory_space<hbm>>)
        %sub3A_330 = arith.constant 2 : i32
        %sub3A_331 = arith.subi %add3A_233, %sub3A_330 : i32
        %mul3A_332 = arith.constant 2 : i32
        %mul3A_333 = arith.muli %mul3A_332, %sub3A_331 : i32
        %add3A_334 = arith.constant 1 : i32
        %add3A_335 = arith.addi %mul3A_333, %add3A_334 : i32
        %dma_wait3A_336 = arith.constant 1 : i32
        %dma_wait3A_337 = arith.constant 1 : i32
        %dma_wait3A_338 = arith.constant 0 : i32
        %dma_wait3A_339 = arith.constant 0 : i32
        %dma_wait3A_340 = tpu.memref_slice %arg9[%dma_wait3A_336, %dma_wait3A_338, %dma_wait3A_339] : memref<2x64x128xf32, #tpu.memory_space<vmem>> -> memref<1x64x128xf32, #tpu.memory_space<vmem>>
        %dma_wait3A_341 = tpu.memref_squeeze %dma_wait3A_340 : memref<1x64x128xf32, #tpu.memory_space<vmem>> -> memref<64x128xf32, #tpu.memory_space<vmem>>
        %dma_wait3A_342 = arith.constant 0 : i32
        %dma_wait3A_343 = tpu.memref_slice %arg4[%add3A_335, %dma_wait3A_342, %multiple_of3A] : memref<200x64x4096xf32, #tpu.memory_space<hbm>> -> memref<1x64x128xf32, #tpu.memory_space<hbm>>
        %dma_wait3A_344 = tpu.memref_squeeze %dma_wait3A_343 : memref<1x64x128xf32, #tpu.memory_space<hbm>> -> memref<64x128xf32, #tpu.memory_space<hbm>>
        %dma_wait3A_345 = tpu.memref_slice %arg12[%dma_wait3A_337] : memref<2x!tpu.dma_semaphore, #tpu.memory_space<semaphore_mem>> -> memref<1x!tpu.dma_semaphore, #tpu.memory_space<semaphore_mem>>
        %dma_wait3A_346 = tpu.memref_squeeze %dma_wait3A_345 : memref<1x!tpu.dma_semaphore, #tpu.memory_space<semaphore_mem>> -> memref<!tpu.dma_semaphore, #tpu.memory_space<semaphore_mem>>
        %dma_wait3A_347 = arith.constant 0 : i32
        %dma_wait3A_348 = tpu.memref_slice %arg4[%add3A_335, %dma_wait3A_347, %multiple_of3A] : memref<200x64x4096xf32, #tpu.memory_space<hbm>> -> memref<1x64x128xf32, #tpu.memory_space<hbm>>
        %dma_wait3A_349 = tpu.memref_squeeze %dma_wait3A_348 : memref<1x64x128xf32, #tpu.memory_space<hbm>> -> memref<64x128xf32, #tpu.memory_space<hbm>>
        %dma_wait3A_350 = arith.constant 0 : i32
        %dma_wait3A_351 = arith.constant 0 : i32
        %dma_wait3A_352 = tpu.memref_slice %arg9[%dma_wait3A_336, %dma_wait3A_350, %dma_wait3A_351] : memref<2x64x128xf32, #tpu.memory_space<vmem>> -> memref<1x64x128xf32, #tpu.memory_space<vmem>>
        %dma_wait3A_353 = tpu.memref_squeeze %dma_wait3A_352 : memref<1x64x128xf32, #tpu.memory_space<vmem>> -> memref<64x128xf32, #tpu.memory_space<vmem>>
        tpu.wait_dma2 semaphore(%dma_wait3A_346 : memref<!tpu.dma_semaphore, #tpu.memory_space<semaphore_mem>>) src(%dma_wait3A_353 : memref<64x128xf32, #tpu.memory_space<vmem>>) dst(%dma_wait3A_349 : memref<64x128xf32, #tpu.memory_space<hbm>>)
      } else {
      }
      %parallel_loop3A_257 = arith.constant 0 : i32
      %parallel_loop3A_258 = arith.constant 64 : i32
      %parallel_loop3A_259 = arith.constant 1 : i32
      scf.for %parallel_loop3A_307 = %parallel_loop3A_257 to %parallel_loop3A_258 step %parallel_loop3A_259  : i32 {
        %parallel_loop3A_308 = arith.constant 0 : i32
        %parallel_loop3A_309 = vector.broadcast %parallel_loop3A_308 : i32 to vector<16xi32>
        %parallel_loop3A_310 = vector.broadcast %parallel_loop3A_307 : i32 to vector<16xi32>
        %parallel_loop3A_311 = arith.addi %parallel_loop3A_309, %parallel_loop3A_310 : vector<16xi32>
        %parallel_loop3A_312 = tpu.vector_load_idx %arg7[%add3A_9, %parallel_loop3A_311] : memref<256x128xf32, #tpu.memory_space<vmem>>[vector<16xi32>, vector<16xi32>], vector<16xf32>,
        %parallel_loop3A_313 = arith.constant 0 : i32
        %parallel_loop3A_314 = arith.index_cast %parallel_loop3A_313 : i32 to index
        %parallel_loop3A_315 = arith.index_cast %parallel_loop3A_307 : i32 to index
        %parallel_loop3A_316 = arith.constant 0 : index
        %parallel_loop3A_317 = tpu.vector_load %arg9[%parallel_loop3A_314, %parallel_loop3A_315, %parallel_loop3A_316] {strides = array<i32>} : memref<2x64x128xf32, #tpu.memory_space<vmem>>, vector<16xf32>,
        tpu.vector_store %arg9[%parallel_loop3A_314, %parallel_loop3A_315, %parallel_loop3A_316], %parallel_loop3A_312 {strides = array<i32>} : memref<2x64x128xf32, #tpu.memory_space<vmem>>, vector<16xf32>,
        %parallel_loop3A_318 = tpu.vector_load_idx %arg7[%add3A_13, %parallel_loop3A_311] : memref<256x128xf32, #tpu.memory_space<vmem>>[vector<16xi32>, vector<16xi32>], vector<16xf32>,
        %parallel_loop3A_319 = arith.constant 0 : i32
        %parallel_loop3A_320 = arith.index_cast %parallel_loop3A_319 : i32 to index
        %parallel_loop3A_321 = arith.index_cast %parallel_loop3A_307 : i32 to index
        %parallel_loop3A_322 = arith.constant 16 : index
        %parallel_loop3A_323 = tpu.vector_load %arg9[%parallel_loop3A_320, %parallel_loop3A_321, %parallel_loop3A_322] {strides = array<i32>} : memref<2x64x128xf32, #tpu.memory_space<vmem>>, vector<16xf32>,
        tpu.vector_store %arg9[%parallel_loop3A_320, %parallel_loop3A_321, %parallel_loop3A_322], %parallel_loop3A_318 {strides = array<i32>} : memref<2x64x128xf32, #tpu.memory_space<vmem>>, vector<16xf32>,
        %parallel_loop3A_324 = tpu.vector_load_idx %arg7[%add3A_17, %parallel_loop3A_311] : memref<256x128xf32, #tpu.memory_space<vmem>>[vector<16xi32>, vector<16xi32>], vector<16xf32>,
        %parallel_loop3A_325 = arith.constant 0 : i32
        %parallel_loop3A_326 = arith.index_cast %parallel_loop3A_325 : i32 to index
        %parallel_loop3A_327 = arith.index_cast %parallel_loop3A_307 : i32 to index
        %parallel_loop3A_328 = arith.constant 32 : index
        %parallel_loop3A_329 = tpu.vector_load %arg9[%parallel_loop3A_326, %parallel_loop3A_327, %parallel_loop3A_328] {strides = array<i32>} : memref<2x64x128xf32, #tpu.memory_space<vmem>>, vector<16xf32>,
        tpu.vector_store %arg9[%parallel_loop3A_326, %parallel_loop3A_327, %parallel_loop3A_328], %parallel_loop3A_324 {strides = array<i32>} : memref<2x64x128xf32, #tpu.memory_space<vmem>>, vector<16xf32>,
        %parallel_loop3A_330 = tpu.vector_load_idx %arg7[%add3A_21, %parallel_loop3A_311] : memref<256x128xf32, #tpu.memory_space<vmem>>[vector<16xi32>, vector<16xi32>], vector<16xf32>,
        %parallel_loop3A_331 = arith.constant 0 : i32
        %parallel_loop3A_332 = arith.index_cast %parallel_loop3A_331 : i32 to index
        %parallel_loop3A_333 = arith.index_cast %parallel_loop3A_307 : i32 to index
        %parallel_loop3A_334 = arith.constant 48 : index
        %parallel_loop3A_335 = tpu.vector_load %arg9[%parallel_loop3A_332, %parallel_loop3A_333, %parallel_loop3A_334] {strides = array<i32>} : memref<2x64x128xf32, #tpu.memory_space<vmem>>, vector<16xf32>,
        tpu.vector_store %arg9[%parallel_loop3A_332, %parallel_loop3A_333, %parallel_loop3A_334], %parallel_loop3A_330 {strides = array<i32>} : memref<2x64x128xf32, #tpu.memory_space<vmem>>, vector<16xf32>,
        %parallel_loop3A_336 = tpu.vector_load_idx %arg7[%add3A_25, %parallel_loop3A_311] : memref<256x128xf32, #tpu.memory_space<vmem>>[vector<16xi32>, vector<16xi32>], vector<16xf32>,
        %parallel_loop3A_337 = arith.constant 0 : i32
        %parallel_loop3A_338 = arith.index_cast %parallel_loop3A_337 : i32 to index
        %parallel_loop3A_339 = arith.index_cast %parallel_loop3A_307 : i32 to index
        %parallel_loop3A_340 = arith.constant 64 : index
        %parallel_loop3A_341 = tpu.vector_load %arg9[%parallel_loop3A_338, %parallel_loop3A_339, %parallel_loop3A_340] {strides = array<i32>} : memref<2x64x128xf32, #tpu.memory_space<vmem>>, vector<16xf32>,
        tpu.vector_store %arg9[%parallel_loop3A_338, %parallel_loop3A_339, %parallel_loop3A_340], %parallel_loop3A_336 {strides = array<i32>} : memref<2x64x128xf32, #tpu.memory_space<vmem>>, vector<16xf32>,
        %parallel_loop3A_342 = tpu.vector_load_idx %arg7[%add3A_29, %parallel_loop3A_311] : memref<256x128xf32, #tpu.memory_space<vmem>>[vector<16xi32>, vector<16xi32>], vector<16xf32>,
        %parallel_loop3A_343 = arith.constant 0 : i32
        %parallel_loop3A_344 = arith.index_cast %parallel_loop3A_343 : i32 to index
        %parallel_loop3A_345 = arith.index_cast %parallel_loop3A_307 : i32 to index
        %parallel_loop3A_346 = arith.constant 80 : index
        %parallel_loop3A_347 = tpu.vector_load %arg9[%parallel_loop3A_344, %parallel_loop3A_345, %parallel_loop3A_346] {strides = array<i32>} : memref<2x64x128xf32, #tpu.memory_space<vmem>>, vector<16xf32>,
        tpu.vector_store %arg9[%parallel_loop3A_344, %parallel_loop3A_345, %parallel_loop3A_346], %parallel_loop3A_342 {strides = array<i32>} : memref<2x64x128xf32, #tpu.memory_space<vmem>>, vector<16xf32>,
        %parallel_loop3A_348 = tpu.vector_load_idx %arg7[%add3A_33, %parallel_loop3A_311] : memref<256x128xf32, #tpu.memory_space<vmem>>[vector<16xi32>, vector<16xi32>], vector<16xf32>,
        %parallel_loop3A_349 = arith.constant 0 : i32
        %parallel_loop3A_350 = arith.index_cast %parallel_loop3A_349 : i32 to index
        %parallel_loop3A_351 = arith.index_cast %parallel_loop3A_307 : i32 to index
        %parallel_loop3A_352 = arith.constant 96 : index
        %parallel_loop3A_353 = tpu.vector_load %arg9[%parallel_loop3A_350, %parallel_loop3A_351, %parallel_loop3A_352] {strides = array<i32>} : memref<2x64x128xf32, #tpu.memory_space<vmem>>, vector<16xf32>,
        tpu.vector_store %arg9[%parallel_loop3A_350, %parallel_loop3A_351, %parallel_loop3A_352], %parallel_loop3A_348 {strides = array<i32>} : memref<2x64x128xf32, #tpu.memory_space<vmem>>, vector<16xf32>,
        %parallel_loop3A_354 = tpu.vector_load_idx %arg7[%add3A_37, %parallel_loop3A_311] : memref<256x128xf32, #tpu.memory_space<vmem>>[vector<16xi32>, vector<16xi32>], vector<16xf32>,
        %parallel_loop3A_355 = arith.constant 0 : i32
        %parallel_loop3A_356 = arith.index_cast %parallel_loop3A_355 : i32 to index
        %parallel_loop3A_357 = arith.index_cast %parallel_loop3A_307 : i32 to index
        %parallel_loop3A_358 = arith.constant 112 : index
        %parallel_loop3A_359 = tpu.vector_load %arg9[%parallel_loop3A_356, %parallel_loop3A_357, %parallel_loop3A_358] {strides = array<i32>} : memref<2x64x128xf32, #tpu.memory_space<vmem>>, vector<16xf32>,
        tpu.vector_store %arg9[%parallel_loop3A_356, %parallel_loop3A_357, %parallel_loop3A_358], %parallel_loop3A_354 {strides = array<i32>} : memref<2x64x128xf32, #tpu.memory_space<vmem>>, vector<16xf32>,
      } {sc.loop_unroll_factor = 8 : i64, sc.parallel_access}
      %mul3A_260 = arith.constant 2 : i32
      %mul3A_261 = arith.muli %mul3A_260, %add3A_233 : i32
      %add3A_262 = arith.constant 0 : i32
      %add3A_263 = arith.addi %mul3A_261, %add3A_262 : i32
      %dma_start3A_264 = arith.constant 0 : i32
      %dma_start3A_265 = arith.constant 1 : i32
      %dma_start3A_266 = arith.constant 0 : i32
      %dma_start3A_267 = arith.constant 0 : i32
      %dma_start3A_268 = tpu.memref_slice %arg9[%dma_start3A_264, %dma_start3A_266, %dma_start3A_267] : memref<2x64x128xf32, #tpu.memory_space<vmem>> -> memref<1x64x128xf32, #tpu.memory_space<vmem>>
      %dma_start3A_269 = tpu.memref_squeeze %dma_start3A_268 : memref<1x64x128xf32, #tpu.memory_space<vmem>> -> memref<64x128xf32, #tpu.memory_space<vmem>>
      %dma_start3A_270 = arith.constant 0 : i32
      %dma_start3A_271 = tpu.memref_slice %arg4[%add3A_263, %dma_start3A_270, %multiple_of3A] : memref<200x64x4096xf32, #tpu.memory_space<hbm>> -> memref<1x64x128xf32, #tpu.memory_space<hbm>>
      %dma_start3A_272 = tpu.memref_squeeze %dma_start3A_271 : memref<1x64x128xf32, #tpu.memory_space<hbm>> -> memref<64x128xf32, #tpu.memory_space<hbm>>
      %dma_start3A_273 = tpu.memref_slice %arg12[%dma_start3A_265] : memref<2x!tpu.dma_semaphore, #tpu.memory_space<semaphore_mem>> -> memref<1x!tpu.dma_semaphore, #tpu.memory_space<semaphore_mem>>
      %dma_start3A_274 = tpu.memref_squeeze %dma_start3A_273 : memref<1x!tpu.dma_semaphore, #tpu.memory_space<semaphore_mem>> -> memref<!tpu.dma_semaphore, #tpu.memory_space<semaphore_mem>>
      %dma_start3A_275 = arith.constant 0 : i32
      %dma_start3A_276 = tpu.memref_slice %arg4[%add3A_263, %dma_start3A_275, %multiple_of3A] : memref<200x64x4096xf32, #tpu.memory_space<hbm>> -> memref<1x64x128xf32, #tpu.memory_space<hbm>>
      %dma_start3A_277 = tpu.memref_squeeze %dma_start3A_276 : memref<1x64x128xf32, #tpu.memory_space<hbm>> -> memref<64x128xf32, #tpu.memory_space<hbm>>
      %dma_start3A_278 = arith.constant 0 : i32
      %dma_start3A_279 = arith.constant 0 : i32
      %dma_start3A_280 = tpu.memref_slice %arg9[%dma_start3A_264, %dma_start3A_278, %dma_start3A_279] : memref<2x64x128xf32, #tpu.memory_space<vmem>> -> memref<1x64x128xf32, #tpu.memory_space<vmem>>
      %dma_start3A_281 = tpu.memref_squeeze %dma_start3A_280 : memref<1x64x128xf32, #tpu.memory_space<vmem>> -> memref<64x128xf32, #tpu.memory_space<vmem>>
      tpu.enqueue_dma source(%dma_start3A_281 : memref<64x128xf32, #tpu.memory_space<vmem>>) target(%dma_start3A_277 : memref<64x128xf32, #tpu.memory_space<hbm>>) target_semaphore(%dma_start3A_274 : memref<!tpu.dma_semaphore, #tpu.memory_space<semaphore_mem>>)
      %parallel_loop3A_282 = arith.constant 0 : i32
      %parallel_loop3A_283 = arith.constant 64 : i32
      %parallel_loop3A_284 = arith.constant 1 : i32
      scf.for %parallel_loop3A_307 = %parallel_loop3A_282 to %parallel_loop3A_283 step %parallel_loop3A_284  : i32 {
        %parallel_loop3A_308 = arith.constant 0 : i32
        %parallel_loop3A_309 = vector.broadcast %parallel_loop3A_308 : i32 to vector<16xi32>
        %parallel_loop3A_310 = vector.broadcast %parallel_loop3A_307 : i32 to vector<16xi32>
        %parallel_loop3A_311 = arith.addi %parallel_loop3A_309, %parallel_loop3A_310 : vector<16xi32>
        %parallel_loop3A_312 = tpu.vector_load_idx %arg7[%add3A_41, %parallel_loop3A_311] : memref<256x128xf32, #tpu.memory_space<vmem>>[vector<16xi32>, vector<16xi32>], vector<16xf32>,
        %parallel_loop3A_313 = arith.constant 1 : i32
        %parallel_loop3A_314 = arith.index_cast %parallel_loop3A_313 : i32 to index
        %parallel_loop3A_315 = arith.index_cast %parallel_loop3A_307 : i32 to index
        %parallel_loop3A_316 = arith.constant 0 : index
        %parallel_loop3A_317 = tpu.vector_load %arg9[%parallel_loop3A_314, %parallel_loop3A_315, %parallel_loop3A_316] {strides = array<i32>} : memref<2x64x128xf32, #tpu.memory_space<vmem>>, vector<16xf32>,
        tpu.vector_store %arg9[%parallel_loop3A_314, %parallel_loop3A_315, %parallel_loop3A_316], %parallel_loop3A_312 {strides = array<i32>} : memref<2x64x128xf32, #tpu.memory_space<vmem>>, vector<16xf32>,
        %parallel_loop3A_318 = tpu.vector_load_idx %arg7[%add3A_45, %parallel_loop3A_311] : memref<256x128xf32, #tpu.memory_space<vmem>>[vector<16xi32>, vector<16xi32>], vector<16xf32>,
        %parallel_loop3A_319 = arith.constant 1 : i32
        %parallel_loop3A_320 = arith.index_cast %parallel_loop3A_319 : i32 to index
        %parallel_loop3A_321 = arith.index_cast %parallel_loop3A_307 : i32 to index
        %parallel_loop3A_322 = arith.constant 16 : index
        %parallel_loop3A_323 = tpu.vector_load %arg9[%parallel_loop3A_320, %parallel_loop3A_321, %parallel_loop3A_322] {strides = array<i32>} : memref<2x64x128xf32, #tpu.memory_space<vmem>>, vector<16xf32>,
        tpu.vector_store %arg9[%parallel_loop3A_320, %parallel_loop3A_321, %parallel_loop3A_322], %parallel_loop3A_318 {strides = array<i32>} : memref<2x64x128xf32, #tpu.memory_space<vmem>>, vector<16xf32>,
        %parallel_loop3A_324 = tpu.vector_load_idx %arg7[%add3A_49, %parallel_loop3A_311] : memref<256x128xf32, #tpu.memory_space<vmem>>[vector<16xi32>, vector<16xi32>], vector<16xf32>,
        %parallel_loop3A_325 = arith.constant 1 : i32
        %parallel_loop3A_326 = arith.index_cast %parallel_loop3A_325 : i32 to index
        %parallel_loop3A_327 = arith.index_cast %parallel_loop3A_307 : i32 to index
        %parallel_loop3A_328 = arith.constant 32 : index
        %parallel_loop3A_329 = tpu.vector_load %arg9[%parallel_loop3A_326, %parallel_loop3A_327, %parallel_loop3A_328] {strides = array<i32>} : memref<2x64x128xf32, #tpu.memory_space<vmem>>, vector<16xf32>,
        tpu.vector_store %arg9[%parallel_loop3A_326, %parallel_loop3A_327, %parallel_loop3A_328], %parallel_loop3A_324 {strides = array<i32>} : memref<2x64x128xf32, #tpu.memory_space<vmem>>, vector<16xf32>,
        %parallel_loop3A_330 = tpu.vector_load_idx %arg7[%add3A_53, %parallel_loop3A_311] : memref<256x128xf32, #tpu.memory_space<vmem>>[vector<16xi32>, vector<16xi32>], vector<16xf32>,
        %parallel_loop3A_331 = arith.constant 1 : i32
        %parallel_loop3A_332 = arith.index_cast %parallel_loop3A_331 : i32 to index
        %parallel_loop3A_333 = arith.index_cast %parallel_loop3A_307 : i32 to index
        %parallel_loop3A_334 = arith.constant 48 : index
        %parallel_loop3A_335 = tpu.vector_load %arg9[%parallel_loop3A_332, %parallel_loop3A_333, %parallel_loop3A_334] {strides = array<i32>} : memref<2x64x128xf32, #tpu.memory_space<vmem>>, vector<16xf32>,
        tpu.vector_store %arg9[%parallel_loop3A_332, %parallel_loop3A_333, %parallel_loop3A_334], %parallel_loop3A_330 {strides = array<i32>} : memref<2x64x128xf32, #tpu.memory_space<vmem>>, vector<16xf32>,
        %parallel_loop3A_336 = tpu.vector_load_idx %arg7[%add3A_57, %parallel_loop3A_311] : memref<256x128xf32, #tpu.memory_space<vmem>>[vector<16xi32>, vector<16xi32>], vector<16xf32>,
        %parallel_loop3A_337 = arith.constant 1 : i32
        %parallel_loop3A_338 = arith.index_cast %parallel_loop3A_337 : i32 to index
        %parallel_loop3A_339 = arith.index_cast %parallel_loop3A_307 : i32 to index
        %parallel_loop3A_340 = arith.constant 64 : index
        %parallel_loop3A_341 = tpu.vector_load %arg9[%parallel_loop3A_338, %parallel_loop3A_339, %parallel_loop3A_340] {strides = array<i32>} : memref<2x64x128xf32, #tpu.memory_space<vmem>>, vector<16xf32>,
        tpu.vector_store %arg9[%parallel_loop3A_338, %parallel_loop3A_339, %parallel_loop3A_340], %parallel_loop3A_336 {strides = array<i32>} : memref<2x64x128xf32, #tpu.memory_space<vmem>>, vector<16xf32>,
        %parallel_loop3A_342 = tpu.vector_load_idx %arg7[%add3A_61, %parallel_loop3A_311] : memref<256x128xf32, #tpu.memory_space<vmem>>[vector<16xi32>, vector<16xi32>], vector<16xf32>,
        %parallel_loop3A_343 = arith.constant 1 : i32
        %parallel_loop3A_344 = arith.index_cast %parallel_loop3A_343 : i32 to index
        %parallel_loop3A_345 = arith.index_cast %parallel_loop3A_307 : i32 to index
        %parallel_loop3A_346 = arith.constant 80 : index
        %parallel_loop3A_347 = tpu.vector_load %arg9[%parallel_loop3A_344, %parallel_loop3A_345, %parallel_loop3A_346] {strides = array<i32>} : memref<2x64x128xf32, #tpu.memory_space<vmem>>, vector<16xf32>,
        tpu.vector_store %arg9[%parallel_loop3A_344, %parallel_loop3A_345, %parallel_loop3A_346], %parallel_loop3A_342 {strides = array<i32>} : memref<2x64x128xf32, #tpu.memory_space<vmem>>, vector<16xf32>,
        %parallel_loop3A_348 = tpu.vector_load_idx %arg7[%add3A_65, %parallel_loop3A_311] : memref<256x128xf32, #tpu.memory_space<vmem>>[vector<16xi32>, vector<16xi32>], vector<16xf32>,
        %parallel_loop3A_349 = arith.constant 1 : i32
        %parallel_loop3A_350 = arith.index_cast %parallel_loop3A_349 : i32 to index
        %parallel_loop3A_351 = arith.index_cast %parallel_loop3A_307 : i32 to index
        %parallel_loop3A_352 = arith.constant 96 : index
        %parallel_loop3A_353 = tpu.vector_load %arg9[%parallel_loop3A_350, %parallel_loop3A_351, %parallel_loop3A_352] {strides = array<i32>} : memref<2x64x128xf32, #tpu.memory_space<vmem>>, vector<16xf32>,
        tpu.vector_store %arg9[%parallel_loop3A_350, %parallel_loop3A_351, %parallel_loop3A_352], %parallel_loop3A_348 {strides = array<i32>} : memref<2x64x128xf32, #tpu.memory_space<vmem>>, vector<16xf32>,
        %parallel_loop3A_354 = tpu.vector_load_idx %arg7[%add3A_69, %parallel_loop3A_311] : memref<256x128xf32, #tpu.memory_space<vmem>>[vector<16xi32>, vector<16xi32>], vector<16xf32>,
        %parallel_loop3A_355 = arith.constant 1 : i32
        %parallel_loop3A_356 = arith.index_cast %parallel_loop3A_355 : i32 to index
        %parallel_loop3A_357 = arith.index_cast %parallel_loop3A_307 : i32 to index
        %parallel_loop3A_358 = arith.constant 112 : index
        %parallel_loop3A_359 = tpu.vector_load %arg9[%parallel_loop3A_356, %parallel_loop3A_357, %parallel_loop3A_358] {strides = array<i32>} : memref<2x64x128xf32, #tpu.memory_space<vmem>>, vector<16xf32>,
        tpu.vector_store %arg9[%parallel_loop3A_356, %parallel_loop3A_357, %parallel_loop3A_358], %parallel_loop3A_354 {strides = array<i32>} : memref<2x64x128xf32, #tpu.memory_space<vmem>>, vector<16xf32>,
      } {sc.loop_unroll_factor = 8 : i64, sc.parallel_access}
      %mul3A_285 = arith.constant 2 : i32
      %mul3A_286 = arith.muli %mul3A_285, %add3A_233 : i32
      %add3A_287 = arith.constant 1 : i32
      %add3A_288 = arith.addi %mul3A_286, %add3A_287 : i32
      %dma_start3A_289 = arith.constant 1 : i32
      %dma_start3A_290 = arith.constant 1 : i32
      %dma_start3A_291 = arith.constant 0 : i32
      %dma_start3A_292 = arith.constant 0 : i32
      %dma_start3A_293 = tpu.memref_slice %arg9[%dma_start3A_289, %dma_start3A_291, %dma_start3A_292] : memref<2x64x128xf32, #tpu.memory_space<vmem>> -> memref<1x64x128xf32, #tpu.memory_space<vmem>>
      %dma_start3A_294 = tpu.memref_squeeze %dma_start3A_293 : memref<1x64x128xf32, #tpu.memory_space<vmem>> -> memref<64x128xf32, #tpu.memory_space<vmem>>
      %dma_start3A_295 = arith.constant 0 : i32
      %dma_start3A_296 = tpu.memref_slice %arg4[%add3A_288, %dma_start3A_295, %multiple_of3A] : memref<200x64x4096xf32, #tpu.memory_space<hbm>> -> memref<1x64x128xf32, #tpu.memory_space<hbm>>
      %dma_start3A_297 = tpu.memref_squeeze %dma_start3A_296 : memref<1x64x128xf32, #tpu.memory_space<hbm>> -> memref<64x128xf32, #tpu.memory_space<hbm>>
      %dma_start3A_298 = tpu.memref_slice %arg12[%dma_start3A_290] : memref<2x!tpu.dma_semaphore, #tpu.memory_space<semaphore_mem>> -> memref<1x!tpu.dma_semaphore, #tpu.memory_space<semaphore_mem>>
      %dma_start3A_299 = tpu.memref_squeeze %dma_start3A_298 : memref<1x!tpu.dma_semaphore, #tpu.memory_space<semaphore_mem>> -> memref<!tpu.dma_semaphore, #tpu.memory_space<semaphore_mem>>
      %dma_start3A_300 = arith.constant 0 : i32
      %dma_start3A_301 = tpu.memref_slice %arg4[%add3A_288, %dma_start3A_300, %multiple_of3A] : memref<200x64x4096xf32, #tpu.memory_space<hbm>> -> memref<1x64x128xf32, #tpu.memory_space<hbm>>
      %dma_start3A_302 = tpu.memref_squeeze %dma_start3A_301 : memref<1x64x128xf32, #tpu.memory_space<hbm>> -> memref<64x128xf32, #tpu.memory_space<hbm>>
      %dma_start3A_303 = arith.constant 0 : i32
      %dma_start3A_304 = arith.constant 0 : i32
      %dma_start3A_305 = tpu.memref_slice %arg9[%dma_start3A_289, %dma_start3A_303, %dma_start3A_304] : memref<2x64x128xf32, #tpu.memory_space<vmem>> -> memref<1x64x128xf32, #tpu.memory_space<vmem>>
      %dma_start3A_306 = tpu.memref_squeeze %dma_start3A_305 : memref<1x64x128xf32, #tpu.memory_space<vmem>> -> memref<64x128xf32, #tpu.memory_space<vmem>>
      tpu.enqueue_dma source(%dma_start3A_306 : memref<64x128xf32, #tpu.memory_space<vmem>>) target(%dma_start3A_302 : memref<64x128xf32, #tpu.memory_space<hbm>>) target_semaphore(%dma_start3A_299 : memref<!tpu.dma_semaphore, #tpu.memory_space<semaphore_mem>>)
    }
    %scan3A_81 = arith.constant 50 : i32
    %dma_wait3A = arith.constant 0 : i32
    %dma_wait3A_82 = arith.constant 196 : i32
    %dma_wait3A_83 = arith.constant 0 : i32
    %dma_wait3A_84 = arith.constant 0 : i32
    %dma_wait3A_85 = arith.constant 0 : i32
    %dma_wait3A_86 = tpu.memref_slice %arg8[%dma_wait3A, %dma_wait3A_84, %dma_wait3A_85] : memref<2x64x128xf32, #tpu.memory_space<vmem>> -> memref<1x64x128xf32, #tpu.memory_space<vmem>>
    %dma_wait3A_87 = tpu.memref_squeeze %dma_wait3A_86 : memref<1x64x128xf32, #tpu.memory_space<vmem>> -> memref<64x128xf32, #tpu.memory_space<vmem>>
    %dma_wait3A_88 = arith.constant 0 : i32
    %dma_wait3A_89 = tpu.memref_slice %arg4[%dma_wait3A_82, %dma_wait3A_88, %multiple_of3A] : memref<200x64x4096xf32, #tpu.memory_space<hbm>> -> memref<1x64x128xf32, #tpu.memory_space<hbm>>
    %dma_wait3A_90 = tpu.memref_squeeze %dma_wait3A_89 : memref<1x64x128xf32, #tpu.memory_space<hbm>> -> memref<64x128xf32, #tpu.memory_space<hbm>>
    %dma_wait3A_91 = tpu.memref_slice %arg12[%dma_wait3A_83] : memref<2x!tpu.dma_semaphore, #tpu.memory_space<semaphore_mem>> -> memref<1x!tpu.dma_semaphore, #tpu.memory_space<semaphore_mem>>
    %dma_wait3A_92 = tpu.memref_squeeze %dma_wait3A_91 : memref<1x!tpu.dma_semaphore, #tpu.memory_space<semaphore_mem>> -> memref<!tpu.dma_semaphore, #tpu.memory_space<semaphore_mem>>
    %dma_wait3A_93 = arith.constant 0 : i32
    %dma_wait3A_94 = tpu.memref_slice %arg4[%dma_wait3A_82, %dma_wait3A_93, %multiple_of3A] : memref<200x64x4096xf32, #tpu.memory_space<hbm>> -> memref<1x64x128xf32, #tpu.memory_space<hbm>>
    %dma_wait3A_95 = tpu.memref_squeeze %dma_wait3A_94 : memref<1x64x128xf32, #tpu.memory_space<hbm>> -> memref<64x128xf32, #tpu.memory_space<hbm>>
    %dma_wait3A_96 = arith.constant 0 : i32
    %dma_wait3A_97 = arith.constant 0 : i32
    %dma_wait3A_98 = tpu.memref_slice %arg8[%dma_wait3A, %dma_wait3A_96, %dma_wait3A_97] : memref<2x64x128xf32, #tpu.memory_space<vmem>> -> memref<1x64x128xf32, #tpu.memory_space<vmem>>
    %dma_wait3A_99 = tpu.memref_squeeze %dma_wait3A_98 : memref<1x64x128xf32, #tpu.memory_space<vmem>> -> memref<64x128xf32, #tpu.memory_space<vmem>>
    tpu.wait_dma2 semaphore(%dma_wait3A_92 : memref<!tpu.dma_semaphore, #tpu.memory_space<semaphore_mem>>) src(%dma_wait3A_99 : memref<64x128xf32, #tpu.memory_space<vmem>>) dst(%dma_wait3A_95 : memref<64x128xf32, #tpu.memory_space<hbm>>)
    %dma_wait3A_100 = arith.constant 0 : i32
    %dma_wait3A_101 = arith.constant 198 : i32
    %dma_wait3A_102 = arith.constant 1 : i32
    %dma_wait3A_103 = arith.constant 0 : i32
    %dma_wait3A_104 = arith.constant 0 : i32
    %dma_wait3A_105 = tpu.memref_slice %arg9[%dma_wait3A_100, %dma_wait3A_103, %dma_wait3A_104] : memref<2x64x128xf32, #tpu.memory_space<vmem>> -> memref<1x64x128xf32, #tpu.memory_space<vmem>>
    %dma_wait3A_106 = tpu.memref_squeeze %dma_wait3A_105 : memref<1x64x128xf32, #tpu.memory_space<vmem>> -> memref<64x128xf32, #tpu.memory_space<vmem>>
    %dma_wait3A_107 = arith.constant 0 : i32
    %dma_wait3A_108 = tpu.memref_slice %arg4[%dma_wait3A_101, %dma_wait3A_107, %multiple_of3A] : memref<200x64x4096xf32, #tpu.memory_space<hbm>> -> memref<1x64x128xf32, #tpu.memory_space<hbm>>
    %dma_wait3A_109 = tpu.memref_squeeze %dma_wait3A_108 : memref<1x64x128xf32, #tpu.memory_space<hbm>> -> memref<64x128xf32, #tpu.memory_space<hbm>>
    %dma_wait3A_110 = tpu.memref_slice %arg12[%dma_wait3A_102] : memref<2x!tpu.dma_semaphore, #tpu.memory_space<semaphore_mem>> -> memref<1x!tpu.dma_semaphore, #tpu.memory_space<semaphore_mem>>
    %dma_wait3A_111 = tpu.memref_squeeze %dma_wait3A_110 : memref<1x!tpu.dma_semaphore, #tpu.memory_space<semaphore_mem>> -> memref<!tpu.dma_semaphore, #tpu.memory_space<semaphore_mem>>
    %dma_wait3A_112 = arith.constant 0 : i32
    %dma_wait3A_113 = tpu.memref_slice %arg4[%dma_wait3A_101, %dma_wait3A_112, %multiple_of3A] : memref<200x64x4096xf32, #tpu.memory_space<hbm>> -> memref<1x64x128xf32, #tpu.memory_space<hbm>>
    %dma_wait3A_114 = tpu.memref_squeeze %dma_wait3A_113 : memref<1x64x128xf32, #tpu.memory_space<hbm>> -> memref<64x128xf32, #tpu.memory_space<hbm>>
    %dma_wait3A_115 = arith.constant 0 : i32
    %dma_wait3A_116 = arith.constant 0 : i32
    %dma_wait3A_117 = tpu.memref_slice %arg9[%dma_wait3A_100, %dma_wait3A_115, %dma_wait3A_116] : memref<2x64x128xf32, #tpu.memory_space<vmem>> -> memref<1x64x128xf32, #tpu.memory_space<vmem>>
    %dma_wait3A_118 = tpu.memref_squeeze %dma_wait3A_117 : memref<1x64x128xf32, #tpu.memory_space<vmem>> -> memref<64x128xf32, #tpu.memory_space<vmem>>
    tpu.wait_dma2 semaphore(%dma_wait3A_111 : memref<!tpu.dma_semaphore, #tpu.memory_space<semaphore_mem>>) src(%dma_wait3A_118 : memref<64x128xf32, #tpu.memory_space<vmem>>) dst(%dma_wait3A_114 : memref<64x128xf32, #tpu.memory_space<hbm>>)
    %dma_wait3A_119 = arith.constant 1 : i32
    %dma_wait3A_120 = arith.constant 197 : i32
    %dma_wait3A_121 = arith.constant 0 : i32
    %dma_wait3A_122 = arith.constant 0 : i32
    %dma_wait3A_123 = arith.constant 0 : i32
    %dma_wait3A_124 = tpu.memref_slice %arg8[%dma_wait3A_119, %dma_wait3A_122, %dma_wait3A_123] : memref<2x64x128xf32, #tpu.memory_space<vmem>> -> memref<1x64x128xf32, #tpu.memory_space<vmem>>
    %dma_wait3A_125 = tpu.memref_squeeze %dma_wait3A_124 : memref<1x64x128xf32, #tpu.memory_space<vmem>> -> memref<64x128xf32, #tpu.memory_space<vmem>>
    %dma_wait3A_126 = arith.constant 0 : i32
    %dma_wait3A_127 = tpu.memref_slice %arg4[%dma_wait3A_120, %dma_wait3A_126, %multiple_of3A] : memref<200x64x4096xf32, #tpu.memory_space<hbm>> -> memref<1x64x128xf32, #tpu.memory_space<hbm>>
    %dma_wait3A_128 = tpu.memref_squeeze %dma_wait3A_127 : memref<1x64x128xf32, #tpu.memory_space<hbm>> -> memref<64x128xf32, #tpu.memory_space<hbm>>
    %dma_wait3A_129 = tpu.memref_slice %arg12[%dma_wait3A_121] : memref<2x!tpu.dma_semaphore, #tpu.memory_space<semaphore_mem>> -> memref<1x!tpu.dma_semaphore, #tpu.memory_space<semaphore_mem>>
    %dma_wait3A_130 = tpu.memref_squeeze %dma_wait3A_129 : memref<1x!tpu.dma_semaphore, #tpu.memory_space<semaphore_mem>> -> memref<!tpu.dma_semaphore, #tpu.memory_space<semaphore_mem>>
    %dma_wait3A_131 = arith.constant 0 : i32
    %dma_wait3A_132 = tpu.memref_slice %arg4[%dma_wait3A_120, %dma_wait3A_131, %multiple_of3A] : memref<200x64x4096xf32, #tpu.memory_space<hbm>> -> memref<1x64x128xf32, #tpu.memory_space<hbm>>
    %dma_wait3A_133 = tpu.memref_squeeze %dma_wait3A_132 : memref<1x64x128xf32, #tpu.memory_space<hbm>> -> memref<64x128xf32, #tpu.memory_space<hbm>>
    %dma_wait3A_134 = arith.constant 0 : i32
    %dma_wait3A_135 = arith.constant 0 : i32
    %dma_wait3A_136 = tpu.memref_slice %arg8[%dma_wait3A_119, %dma_wait3A_134, %dma_wait3A_135] : memref<2x64x128xf32, #tpu.memory_space<vmem>> -> memref<1x64x128xf32, #tpu.memory_space<vmem>>
    %dma_wait3A_137 = tpu.memref_squeeze %dma_wait3A_136 : memref<1x64x128xf32, #tpu.memory_space<vmem>> -> memref<64x128xf32, #tpu.memory_space<vmem>>
    tpu.wait_dma2 semaphore(%dma_wait3A_130 : memref<!tpu.dma_semaphore, #tpu.memory_space<semaphore_mem>>) src(%dma_wait3A_137 : memref<64x128xf32, #tpu.memory_space<vmem>>) dst(%dma_wait3A_133 : memref<64x128xf32, #tpu.memory_space<hbm>>)
    %dma_wait3A_138 = arith.constant 1 : i32
    %dma_wait3A_139 = arith.constant 199 : i32
    %dma_wait3A_140 = arith.constant 1 : i32
    %dma_wait3A_141 = arith.constant 0 : i32
    %dma_wait3A_142 = arith.constant 0 : i32
    %dma_wait3A_143 = tpu.memref_slice %arg9[%dma_wait3A_138, %dma_wait3A_141, %dma_wait3A_142] : memref<2x64x128xf32, #tpu.memory_space<vmem>> -> memref<1x64x128xf32, #tpu.memory_space<vmem>>
    %dma_wait3A_144 = tpu.memref_squeeze %dma_wait3A_143 : memref<1x64x128xf32, #tpu.memory_space<vmem>> -> memref<64x128xf32, #tpu.memory_space<vmem>>
    %dma_wait3A_145 = arith.constant 0 : i32
    %dma_wait3A_146 = tpu.memref_slice %arg4[%dma_wait3A_139, %dma_wait3A_145, %multiple_of3A] : memref<200x64x4096xf32, #tpu.memory_space<hbm>> -> memref<1x64x128xf32, #tpu.memory_space<hbm>>
    %dma_wait3A_147 = tpu.memref_squeeze %dma_wait3A_146 : memref<1x64x128xf32, #tpu.memory_space<hbm>> -> memref<64x128xf32, #tpu.memory_space<hbm>>
    %dma_wait3A_148 = tpu.memref_slice %arg12[%dma_wait3A_140] : memref<2x!tpu.dma_semaphore, #tpu.memory_space<semaphore_mem>> -> memref<1x!tpu.dma_semaphore, #tpu.memory_space<semaphore_mem>>
    %dma_wait3A_149 = tpu.memref_squeeze %dma_wait3A_148 : memref<1x!tpu.dma_semaphore, #tpu.memory_space<semaphore_mem>> -> memref<!tpu.dma_semaphore, #tpu.memory_space<semaphore_mem>>
    %dma_wait3A_150 = arith.constant 0 : i32
    %dma_wait3A_151 = tpu.memref_slice %arg4[%dma_wait3A_139, %dma_wait3A_150, %multiple_of3A] : memref<200x64x4096xf32, #tpu.memory_space<hbm>> -> memref<1x64x128xf32, #tpu.memory_space<hbm>>
    %dma_wait3A_152 = tpu.memref_squeeze %dma_wait3A_151 : memref<1x64x128xf32, #tpu.memory_space<hbm>> -> memref<64x128xf32, #tpu.memory_space<hbm>>
    %dma_wait3A_153 = arith.constant 0 : i32
    %dma_wait3A_154 = arith.constant 0 : i32
    %dma_wait3A_155 = tpu.memref_slice %arg9[%dma_wait3A_138, %dma_wait3A_153, %dma_wait3A_154] : memref<2x64x128xf32, #tpu.memory_space<vmem>> -> memref<1x64x128xf32, #tpu.memory_space<vmem>>
    %dma_wait3A_156 = tpu.memref_squeeze %dma_wait3A_155 : memref<1x64x128xf32, #tpu.memory_space<vmem>> -> memref<64x128xf32, #tpu.memory_space<vmem>>
    tpu.wait_dma2 semaphore(%dma_wait3A_149 : memref<!tpu.dma_semaphore, #tpu.memory_space<semaphore_mem>>) src(%dma_wait3A_156 : memref<64x128xf32, #tpu.memory_space<vmem>>) dst(%dma_wait3A_152 : memref<64x128xf32, #tpu.memory_space<hbm>>)
    return
  }
}

</mosaic_0001>

<sc_bundles>
// kernel: kernel.3.cloned.1.call-start
scs
__scs_entry_jumppad:
0x0: {  	(pc) =	sbr.rel $0x88, $3  }
0x1: {  	(tag) =	ssettag $0x0;
	lr =	simm.s32 $0x1  }
0x2: {  	[smem:$0x3F9F] =	sst lr;
	_ =	strace $0xD0000000  }
0x3: {  	_ = 	snop  }
0x4: {  	_ = 	snop  }
0x5: {  	_ = 	snop  }
0x6: {  	_ = 	snop  }
0x7: {  	_ = 	snop  }
__scs_overlays_trampoline_lowered:
0x8: {  	[smem:$0x3FAE] =	sst s0  }
0x9: {  	[smem:$0x3FAF] =	sst s1  }
0xa: {  	[smem:$0x3FB0] =	sst s2  }
0xb: {  	[smem:$0x3FB1] =	sst s3  }
0xc: {  	[smem:$0x3FB2] =	sst s4  }
0xd: {  	[smem:$0x3FB3] =	sst s5  }
0xe: {  	[smem:$0x3FB4] =	sst s6  }
0xf: {  	[smem:$0x3FB5] =	sst s7  }
0x10: {  	[smem:$0x3FB6] =	sst s8  }
0x11: {  	[smem:$0x3FB7] =	sst s9;
	s0 =	simm.s32 @!p0 $0x0  }
0x12: {  	s1 =	sld [smem:$0x3F9D];
	s0 =	simm.s32 @p0 $0x1  }
0x13: {  	[smem:$0x3FB8] =	sst s0;
	s0 =	simm.s32 @!p1 $0x0  }
0x14: {  	s2 =	sld [smem:$0x3F9C];
	s0 =	simm.s32 @p1 $0x1  }
0x15: {  	[smem:$0x3FB9] =	sst s0;
	s0 =	simm.s32 @!p2 $0x0  }
0x16: {  	s3 =	sld [smem:$0x3FDB];
	s0 =	simm.s32 @p2 $0x1  }
0x17: {  	s4 =	simm.s32 $0x1BF5;
	[smem:$0x3FBB] =	sst s0  }
0x18: {  	s0 =	sld [smem:$0x3F9E];
	_ =	swait.ge [sflag:s4], $0x0  }
0x19: {  	s7 =	sld [smem:$0x3F9F]  }
0x1a: {  	s8 =	sadd.s32 $0xFFFFE003, lr  }
0x1b: {  	s9 =	sadd.s32 $0xFFFFFEF7, lr;
	s5 =	simm.s32 $0xFFFFFFFF;
	p2 =	slt.u32 s8, $0xFFFFF086  }
0x1c: {  	p1 =	slt.u32 s9, $0xF7A;
	s5 =	simm.s32 @!p2 $0x0  }
0x1d: {  	s5 =	simm.s32 @p1 $0x1;
	p0 =	seq.s32 s7, s2  }
0x1e: {  	s7 =	smul.u32 @!p0 $0xF7A, s2;
	p2 =	seq.s32 @!p0 s5, $0x0  }
0x1f: {  	s9 =	smul.u32 $0xF7A, s1;
	s8 =	simm.s32 @!p0 $0x1BF5;
	p2 =	por !p2, p0  }
0x20: {  	[sflag:s8] =	ssyncset.s32 @!p0 $0xFFFFF086;
	s6 =	sadd.s32 @!p0 s3, s7;
	s7 =	simm.s32 @!p0 $0x108  }
0x21: {  	s3 =	sadd.s32 s3, s9;
	s6 =	sadd.s32 @!p0 $0x88, s6;
	s7 =	simm.s32 @p2 $0x1082  }
0x22: {  	[simem:s7], [sflag:s8] =	dma.local @!p0 [hbm:s6], $0xF7A  }
0x23: {  	s9 =	sor.u32 $0xD0000000, s2;
	s6 =	simm.s32 $0x108;
	_ =	swait.ge @!p0 [sflag:s8], $0x0  }
0x24: {  	s3 =	sadd.s32 $0x88, s3;
	s6 =	simm.s32 @!p1 $0x1082;
	[sflag:s4] =	ssyncset.s32 $0xFFFFF086  }
0x25: {  	[simem:s6], [sflag:s4] =	dma.local [hbm:s3], $0xF7A  }
0x26: {  	[smem:$0x3F9F] =	sst s1;
	(tag) =	ssettag s2;
	_ =	strace s9  }
0x27: {  	s1 =	sld [smem:$0x3FAF]  }
0x28: {  	s2 =	sld [smem:$0x3FB0]  }
0x29: {  	s4 =	sld [smem:$0x3FB2]  }
0x2a: {  	p0 =	seq.s32 s5, $0x0;
	s5 =	sld [smem:$0x3FB3]  }
0x2b: {  	s6 =	sld [smem:$0x3FB4]  }
0x2c: {  	s7 =	sld [smem:$0x3FB5]  }
0x2d: {  	s3 =	simm.s32 $0x108;
	s8 =	sld [smem:$0x3FB6]  }
0x2e: {  	s3 =	simm.s32 @!p0 $0x1082;
	s9 =	sld [smem:$0x3FB7]  }
0x2f: {  	lr =	sadd.s32 s0, s3;
	s0 =	sld [smem:$0x3FAE]  }
0x30: {  	s3 =	sld [smem:$0x3FB1]  }
0x31: {  	[smem:$0x3FBA] =	sst s10  }
0x32: {  	s10 =	sld [smem:$0x3FB8];
	_ =	sdelay $0x3  }
0x33: {  	p0 =	seq.s32 s10, $0x1;
	s10 =	sld [smem:$0x3FBA];
	_ =	sdelay $0x3  }
0x34: {  	[smem:$0x3FBA] =	sst s10  }
0x35: {  	s10 =	sld [smem:$0x3FB9];
	_ =	sdelay $0x3  }
0x36: {  	p1 =	seq.s32 s10, $0x1;
	s10 =	sld [smem:$0x3FBA];
	_ =	sdelay $0x3  }
0x37: {  	[smem:$0x3FBA] =	sst s10  }
0x38: {  	s10 =	sld [smem:$0x3FBB]  }
0x39: {  	_ = 	snop;
	(pc) =	sbr.ind lr, $3  }
0x3a: {  	_ = 	snop  }
0x3b: {  	_ = 	snop  }
0x3c: {  	p2 =	seq.s32 s10, $0x1;
	s10 =	sld [smem:$0x3FBA]  }
0x3d: {  	_ =	shalt  }
0x3e: {  	_ =	shalt  }
0x3f: {  	_ =	shalt  }
0x40: {  	_ =	shalt  }
0x41: {  	_ =	shalt  }
0x42: {  	_ =	shalt  }
0x43: {  	_ =	shalt  }
0x44: {  	_ =	shalt  }
0x45: {  	_ =	shalt  }
0x46: {  	_ =	shalt  }
0x47: {  	_ =	shalt  }
0x48: {  	_ =	shalt  }
0x49: {  	_ =	shalt  }
0x4a: {  	_ =	shalt  }
0x4b: {  	_ =	shalt  }
0x4c: {  	_ =	shalt  }
0x4d: {  	_ =	shalt  }
0x4e: {  	_ =	shalt  }
0x4f: {  	_ =	shalt  }
0x50: {  	_ =	shalt  }
0x51: {  	_ =	shalt  }
0x52: {  	_ =	shalt  }
0x53: {  	_ =	shalt  }
0x54: {  	_ =	shalt  }
0x55: {  	_ =	shalt  }
0x56: {  	_ =	shalt  }
0x57: {  	_ =	shalt  }
0x58: {  	_ =	shalt  }
0x59: {  	_ =	shalt  }
0x5a: {  	_ =	shalt  }
0x5b: {  	_ =	shalt  }
0x5c: {  	_ =	shalt  }
0x5d: {  	_ =	shalt  }
0x5e: {  	_ =	shalt  }
0x5f: {  	_ =	shalt  }
0x60: {  	_ =	shalt  }
0x61: {  	_ =	shalt  }
0x62: {  	_ =	shalt  }
0x63: {  	_ =	shalt  }
0x64: {  	_ =	shalt  }
0x65: {  	_ =	shalt  }
0x66: {  	_ =	shalt  }
0x67: {  	_ =	shalt  }
0x68: {  	_ =	shalt  }
0x69: {  	_ =	shalt  }
0x6a: {  	_ =	shalt  }
0x6b: {  	_ =	shalt  }
0x6c: {  	_ =	shalt  }
0x6d: {  	_ =	shalt  }
0x6e: {  	_ =	shalt  }
0x6f: {  	_ =	shalt  }
0x70: {  	_ =	shalt  }
0x71: {  	_ =	shalt  }
0x72: {  	_ =	shalt  }
0x73: {  	_ =	shalt  }
0x74: {  	_ =	shalt  }
0x75: {  	_ =	shalt  }
0x76: {  	_ =	shalt  }
0x77: {  	_ =	shalt  }
0x78: {  	_ =	shalt  }
0x79: {  	_ =	shalt  }
0x7a: {  	_ =	shalt  }
0x7b: {  	_ =	shalt  }
0x7c: {  	_ =	shalt  }
0x7d: {  	_ =	shalt  }
0x7e: {  	_ =	shalt  }
0x7f: {  	_ =	shalt  }
0x80: {  	_ =	shalt  }
0x81: {  	_ =	shalt  }
0x82: {  	_ =	shalt  }
0x83: {  	_ =	shalt  }
0x84: {  	_ =	shalt  }
0x85: {  	_ =	shalt  }
0x86: {  	_ =	shalt  }
0x87: {  	_ =	shalt  }
.Lfunc_end0:
.L_simem_size_0:
called_computation_lowered:
.L_overlay_start_0:
0x88: {  	s2 =	sld [smem:$0x3FD9]  }
0x89: {  	s3 =	sld [smem:$0x3FFE];
	_ =	sdelay $0x1  }
0x8a: {  	s1 =	srdreg.scid  }
0x8b: {  	s0 =	sand.u32 $0x1, s1  }
0x8c: {  	s17 =	sshll.u32 s0, $0xA;
	s2 =	sadd.s32 s3, s2  }
0x8d: {  	s2 =	sadd.s32 s2, s17  }
0x8e: {  	[smem:$0x3FC6] =	sst s2  }
0x8f: {  	_ = 	snop  }
0x90: {  	s2 =	sld [smem:$0x3FD0];
	(tm) =	ssettm $0x1  }
0x91: {  	s18 =	sld [smem:$0x3FFB];
	_ =	sdelay $0x3  }
0x92: {  	_ =	strace s18  }
0x93: {  	s3 =	sld [smem:$0x3FFC];
	_ =	sdelay $0x3  }
0x94: {  	_ =	strace s3  }
0x95: {  	s3 =	sld [smem:$0x3FFD];
	_ =	sdelay $0x3  }
0x96: {  	_ =	strace s3  }
0x97: {  	_ =	strace $0x8FFFFFFF  }
0x98: {  	s19 =	sld [smem:$0x3FDB];
	_ =	sdelay $0x1  }
0x99: {  	s4 =	simm.s32 $_scs_section_size  }
0x9a: {  	s5 =	simm.s32 $_size__tile_overlayer_lowered;
	s6 =	simm.s32 $_tile_overlayer_lowered  }
0x9b: {  	s22 =	simm.s32 $0x1BFF;
	s21 =	sshll.u32 s6, $0x1;
	s3 =	sadd.s32 s4, s19  }
0x9c: {  	s7 =	simm.s32 $0x0;
	s20 =	sshll.u32 s5, $0x1;
	s5 =	sadd.s32 s21, s3  }
0x9d: {  	[timem:s7], [sflag:s22] =	dma.local [hbm:s5], s20  }
0x9e: {  	_ =	swait.ge [sflag:s22], s20  }
0x9f: {  	s4 =	ssub.s32 $0x0, s20;
	[sflag:s22] =	ssyncset.done $0x0  }
0xa0: {  	[sflag:s22] =	ssyncadd.s32 s4;
	_ =	sdelay $0x1  }
0xa1: {  	s23 =	simm.s32 $0x1B8B  }
0xa2: {  	_ =	swait.ge [sflag:s23], $0x1  }
0xa3: {  	[sflag:s23] =	ssyncset.done $0x0  }
0xa4: {  	s25 =	simm.s32 $0x1B8E;
	s24 =	sld [smem:$0x3FFE];
	[sflag:s23] =	ssyncadd.s32 $0xFFFFFFFF  }
0xa5: {  	s26 =	simm.s32 $execute0_lowered;
	[smem:$0x3FD2] =	sst s25  }
0xa6: {  	s5 =	sshll.u32 s26, $0x1;
	_ =	strace $0x80000046;
	[dreg:$0x1] =	wrdreg $0xFFFFFFFF  }
0xa7: {  	s28 =	simm.s32 $_size_execute0_lowered;
	s3 =	sadd.s32 s3, s5;
	[dreg:$0x0] =	wrdreg $0x0  }
0xa8: {  	s5 =	sshll.u32 s28, $0x1;
	[dreg:$0x2] =	wrdreg s3  }
0xa9: {  	[dreg:$0x3] =	wrdreg s5  }
0xaa: {  	[dreg:$0x4] =	wrdreg $0xC0  }
0xab: {  	_ =	task [dreg:s7], $0x5FFFF  }
0xac: {  	[dreg:$0x1] =	wrdreg $0xFFFFFFFF  }
0xad: {  	[dreg:$0x0] =	wrdreg $0x60  }
0xae: {  	[dreg:$0x2] =	wrdreg s24  }
0xaf: {  	[dreg:$0x3] =	wrdreg s2  }
0xb0: {  	[dreg:$0x4] =	wrdreg $0x9  }
0xb1: {  	_ =	task.clear_ibuf [dreg:s7], $0x5FFFF;
	_ =	strace $0x90000046  }
0xb2: {  	s29 =	simm.s32 $0x9;
	_ =	strace $0x80000048  }
0xb3: {  	_ =	swait.ge [sflag:s29], $0x1  }
0xb4: {  	[sflag:s29] =	ssyncadd.s32 $0xFFFFFFFF  }
0xb5: {  	_ =	strace $0x90000048  }
0xb6: {  	_ =	sfence  }
0xb7: {  	s30 =	sld [smem:$0x0];
	_ =	sdelay $0x2  }
0xb8: {  	s31 =	sshll.u32 s1, $0xD;
	s1 =	sshrl.u32 s1, $0x2  }
0xb9: {  	s3 =	sand.u32 $0x4000, s31;
	s1 =	sadd.s32 s1, s30  }
0xba: {  	s0 =	sor.u32 s3, s0;
	s1 =	sshll.u32 s1, $0x11  }
0xbb: {  	s0 =	sor.u32 s1, s0  }
0xbc: {  	s0 =	sadd.s32 $0x8F2B, s0  }
0xbd: {  	[sflag:s0] =	ssyncadd.remote.s32 $0x1  }
0xbe: {  	_ =	sfence.sel $0xFFFF  }
0xbf: {  	[dreg:$0x0] =	wrdreg $0xFFFFFFFF;
	(pc) =	sbr.abs _section_cstart, $3  }
0xc0: {  	[dreg:$0x1] =	wrdreg $0xFFFFFFFF  }
0xc1: {  	_ =	task.clear_ibuf [dreg:s7], $0x2FFFF;
	_ =	strace $0x9FFFFFFF  }
0xc2: {  	(tm) =	ssettm $0x7FFFFFFF  }
0xc3: {  	_ =	shalt  }
tec
execute0_lowered:
.L_overlay_start_1:
0x0: {  	(tag) =	ssettag $0x1  }
0x1: {  	s1 =	srdreg.scid;
	s4 =	rddreg [dreg:$0x0]  }
0x2: {  	s0 =	stileid.u32;
	s2 =	rddreg [dreg:$0x1];
	s9 =	simm.s32 $0x5  }
0x3: {  	s10 =	simm.s32 $0x100;
	s11 =	simm.s32 $0x6400;
	s12 =	simm.s32 $0xE400  }
0x4: {  	v0 =	vlaneseq.u32;
	s13 =	simm.s32 $0x1;
	s14 =	simm.s32 $0x400;
	s15 =	simm.s32 $0x8000  }
0x5: {  	s16 =	simm.s32 $0x16400;
	s17 =	simm.s32 $0x18400;
	s18 =	simm.s32 $0x2;
	v0 =	vmul.u32 $0x80, v0  }
0x6: {  	s19 =	simm.s32 $0x4;
	s20 =	simm.s32 $0x1A400;
	s21 =	simm.s32 $0x1C400  }
0x7: {  	s22 =	simm.s32 $0x3;
	s1 =	sand.u32 $0x1, s1;
	s3 =	sshll.u32 s0, $0x1;
	v1 =	vor.u32 $0x800, v0  }
0x8: {  	s23 =	simm.s32 $0x0;
	s6 =	sor.u32 s1, s3;
	s3 =	simm.s32 $0x0;
	v2 =	vor.u32 $0x1000, v0;
	v3 =	vor.u32 $0x1800, v0;
	v4 =	vor.u32 $0x2000, v0  }
0x9: {  	s1 =	ssub.s32 $0x2, s1;
	s5 =	smul.u32 $0xC80, s6;
	[smem:$0x7FF] =	sst s3;
	v5 =	vor.u32 $0x2800, v0;
	v6 =	vor.u32 $0x3000, v0;
	v7 =	vor.u32 $0x3800, v0  }
0xa: {  	s7 =	sshrl.u32 s1, $0x1;
	s6 =	sshll.u32 s6, $0xA;
	v8 =	vor.u32 $0x4000, v0;
	v9 =	vor.u32 $0x4800, v0;
	v10 =	vor.u32 $0x5000, v0;
	_ =	strace $0x80000047  }
0xb: {  	v11 =	vor.u32 $0x5800, v0;
	v12 =	vor.u32 $0x6000, v0;
	v13 =	vor.u32 $0x6800, v0;
	s1 =	ssub.s32 s1, s7;
	s7 =	sadd.s32 $0x8000, s2;
	s5 =	sadd.s32 s5, s4  }
0xc: {  	v14 =	vor.u32 $0x7000, v0;
	v15 =	vor.u32 $0x7800, v0;
	s4 =	sadd.s32 $0xF5BA00, s4;
	s8 =	smax.u32 s1, $0x1;
	s5 =	sadd.s32 $0xF42A00, s5  }
.LBB2_1:
0xd: {  	[tilespmem:s3], [sflag:$0x5] =	stream.linear.gather [hbm4b:s5+s3], $0x6400, $0x38;
	[tilespmem:$0x1E400] =	vst v63  }
0xe: {  	_ =	swait.ge [sflag:s9], $0x6400  }
0xf: {  	[sflag:s9] =	ssyncset.done $0x0  }
0x10: {  	s24 =	simm.s32 $0x0;
	[sflag:s9] =	ssyncadd.s32 $0xFFFF9C00  }
0x11: {  	[tilespmem:s11], [sflag:$0x1] =	stream.indirect.gather [hbm4b:s4+s10], $0x80, s3, s10, $0xb8;
	[tilespmem:$0x1E400] =	vst v63  }
.LBB2_2:
0x12: {  	s25 =	sshllo.u32 s24, $0x1  }
0x13: {  	s1 =	sshll.u32 s25, $0x8  }
0x14: {  	s26 =	simm.s32 $0x0;
	s28 =	simm.s32 $0x7;
	s1 =	sand.u32 $0x3FFFFF00, s1  }
0x15: {  	v16 =	vmov s26;
	[tilespmem:s12], [sflag:$0x2] =	stream.indirect.gather [hbm4b:s4+s10], $0x80, s1, s10, $0xb8;
	[tilespmem:$0x1E400] =	vst v63  }
0x16: {  	p0 =	seq.s32 s24, $0x0;
	s26 =	simm.s32 $0x2;
	v20 =	vmov s28;
	v16 =	vand.u32 $0x78, v16;
	_ =	swait.ge [sflag:s13], $0x8000  }
0x17: {  	v19 =	vmov s26;
	s26 =	simm.s32 $0x4;
	v20 =	vand.u32 $0x7F, v20;
	v16 =	vbroadcast v16, $0x0;
	s1 =	simm.s32 $0x1;
	[sflag:s13] =	ssyncset.done $0x0  }
0x18: {  	s28 =	simm.s32 @!p0 $0x3;
	v24 =	vmov s26;
	s26 =	simm.s32 $0x5;
	v20 =	vbroadcast v20, $0x0;
	v18 =	vmov s1;
	[sflag:s13] =	ssyncadd.s32 $0xFFFF8000  }
0x19: {  	s1 =	simm.s32 $0x3;
	v25 =	vmov s26;
	v17 =	vor.u32 v0, v16;
	v18 =	vand.u32 $0x79, v18;
	_ =	swait.ge @!p0 [sflag:s28], $0x2000  }
0x1a: {  	v21 =	vmov s1;
	v23 =	vbroadcast v18, $0x0;
	v18 =	vand.u32 $0x7A, v19;
	[sflag:s28] =	ssyncset.done @!p0 $0x0  }
0x1b: {  	v27 =	vor.u32 v0, v20;
	v22 =	vbroadcast v18, $0x0;
	v18 =	vand.u32 $0x7B, v21;
	[sflag:s28] =	ssyncadd.s32 @!p0 $0xFFFFE000  }
0x1c: {  	v28 =	vor.u32 v0, v23;
	v21 =	vbroadcast v18, $0x0;
	v18 =	vand.u32 $0x7C, v24;
	_ =	swait.ge @!p0 [sflag:s28], $0x2000  }
0x1d: {  	s26 =	simm.s32 $0x6;
	v24 =	vor.u32 v0, v22;
	v19 =	vbroadcast v18, $0x0;
	v18 =	vand.u32 $0x7D, v25;
	[sflag:s28] =	ssyncset.done @!p0 $0x0  }
0x1e: {  	v26 =	vmov s26;
	v25 =	vor.u32 v0, v21;
	v18 =	vbroadcast v18, $0x0;
	[sflag:s28] =	ssyncadd.s32 @!p0 $0xFFFFE000  }
0x1f: {  	v26 =	vand.u32 $0x7E, v26;
	v30 =	vor.u32 v0, v19;
	v29 =	vld.idx.msk [tilespmem:v17+s11+$0x0], $0xffff  }
0x20: {  	v17 =	vbroadcast v26, $0x0;
	v26 =	vor.u32 v0, v18;
	v27 =	vld.idx.msk [tilespmem:v27+s11+$0x0], $0xffff  }
0x21: {  	v32 =	vor.u32 v1, v20;
	v28 =	vld.idx.msk [tilespmem:v28+s11+$0x0], $0xffff  }
0x22: {  	v33 =	vor.u32 v1, v23;
	v24 =	vld.idx.msk [tilespmem:v24+s11+$0x0], $0xffff  }
0x23: {  	v47 =	vor.u32 v1, v16;
	v25 =	vld.idx.msk [tilespmem:v25+s11+$0x0], $0xffff  }
0x24: {  	s26 =	simm.s32 $0x16600;
	v31 =	vor.u32 v0, v17;
	v30 =	vld.idx.msk [tilespmem:v30+s11+$0x0], $0xffff  }
0x25: {  	v34 =	vor.u32 v1, v22;
	v26 =	vld.idx.msk [tilespmem:v26+s11+$0x0], $0xffff;
	[tilespmem:s26+$0x180] =	vst v27  }
0x26: {  	v35 =	vor.u32 v1, v21;
	[tilespmem:s26+$0xFFFFFE80] =	vst v28;
	v28 =	vld.idx.msk [tilespmem:v32+s11+$0x0], $0xffff  }
0x27: {  	v36 =	vor.u32 v1, v19;
	[tilespmem:s26+$0xFFFFFE00] =	vst v29;
	v45 =	vld.idx.msk [tilespmem:v33+s11+$0x0], $0xffff  }
0x28: {  	v27 =	vor.u32 v1, v18;
	[tilespmem:s26+$0xFFFFFF00] =	vst v24;
	v29 =	vld.idx.msk [tilespmem:v47+s11+$0x0], $0xffff  }
0x29: {  	v31 =	vld.idx.msk [tilespmem:v31+s11+$0x0], $0xffff;
	[tilespmem:s26+$0xFFFFFF80] =	vst v25;
	v25 =	vor.u32 v2, v20  }
0x2a: {  	v51 =	vor.u32 v2, v16;
	v46 =	vld.idx.msk [tilespmem:v34+s11+$0x0], $0xffff;
	[tilespmem:s26+$0x0] =	vst v30  }
0x2b: {  	v24 =	vor.u32 v1, v17;
	v35 =	vld.idx.msk [tilespmem:v35+s11+$0x0], $0xffff;
	[tilespmem:s26+$0x80] =	vst v26  }
0x2c: {  	v30 =	vor.u32 v2, v23;
	v36 =	vld.idx.msk [tilespmem:v36+s11+$0x0], $0xffff;
	[tilespmem:s26+$0x190] =	vst v28  }
0x2d: {  	v26 =	vor.u32 v2, v22;
	v27 =	vld.idx.msk [tilespmem:v27+s11+$0x0], $0xffff;
	[tilespmem:s26+$0xFFFFFE90] =	vst v45  }
0x2e: {  	v28 =	vor.u32 v2, v19;
	[tilespmem:s26+$0xFFFFFE10] =	vst v29;
	v25 =	vld.idx.msk [tilespmem:v25+s11+$0x0], $0xffff  }
0x2f: {  	[tilespmem:s26+$0x100] =	vst v31;
	v31 =	vor.u32 v2, v21;
	v54 =	vld.idx.msk [tilespmem:v51+s11+$0x0], $0xffff  }
0x30: {  	v48 =	vor.u32 v2, v18;
	[tilespmem:s26+$0xFFFFFF10] =	vst v46;
	v24 =	vld.idx.msk [tilespmem:v24+s11+$0x0], $0xffff  }
0x31: {  	v49 =	vor.u32 v3, v20;
	v30 =	vld.idx.msk [tilespmem:v30+s11+$0x0], $0xffff;
	[tilespmem:s26+$0xFFFFFF90] =	vst v35  }
0x32: {  	v56 =	vor.u32 v3, v16;
	[tilespmem:s26+$0x10] =	vst v36;
	v26 =	vld.idx.msk [tilespmem:v26+s11+$0x0], $0xffff  }
0x33: {  	v50 =	vor.u32 v2, v17;
	v28 =	vld.idx.msk [tilespmem:v28+s11+$0x0], $0xffff;
	[tilespmem:s26+$0x90] =	vst v27  }
0x34: {  	v52 =	vor.u32 v3, v23;
	v31 =	vld.idx.msk [tilespmem:v31+s11+$0x0], $0xffff;
	[tilespmem:s26+$0x1A0] =	vst v25  }
0x35: {  	v27 =	vor.u32 v3, v22;
	v32 =	vld.idx.msk [tilespmem:v48+s11+$0x0], $0xffff;
	[tilespmem:s26+$0xFFFFFE20] =	vst v54  }
0x36: {  	v29 =	vor.u32 v3, v19;
	[tilespmem:s26+$0x110] =	vst v24;
	v24 =	vld.idx.msk [tilespmem:v49+s11+$0x0], $0xffff  }
0x37: {  	v25 =	vor.u32 v3, v21;
	[tilespmem:s26+$0xFFFFFEA0] =	vst v30;
	v34 =	vld.idx.msk [tilespmem:v56+s11+$0x0], $0xffff  }
0x38: {  	v30 =	vor.u32 v4, v20;
	v53 =	vld.idx.msk [tilespmem:v50+s11+$0x0], $0xffff;
	[tilespmem:s26+$0xFFFFFF20] =	vst v26  }
0x39: {  	v60 =	vor.u32 v4, v16;
	v55 =	vld.idx.msk [tilespmem:v52+s11+$0x0], $0xffff;
	[tilespmem:s26+$0x20] =	vst v28  }
0x3a: {  	v26 =	vor.u32 v3, v18;
	v27 =	vld.idx.msk [tilespmem:v27+s11+$0x0], $0xffff;
	[tilespmem:s26+$0xFFFFFFA0] =	vst v31  }
0x3b: {  	v28 =	vor.u32 v4, v23;
	v29 =	vld.idx.msk [tilespmem:v29+s11+$0x0], $0xffff;
	[tilespmem:s26+$0xA0] =	vst v32  }
0x3c: {  	v31 =	vor.u32 v3, v17;
	v25 =	vld.idx.msk [tilespmem:v25+s11+$0x0], $0xffff;
	[tilespmem:s26+$0x1B0] =	vst v24  }
0x3d: {  	v24 =	vor.u32 v4, v22;
	[tilespmem:s26+$0xFFFFFE30] =	vst v34;
	v30 =	vld.idx.msk [tilespmem:v30+s11+$0x0], $0xffff  }
0x3e: {  	v59 =	vor.u32 v4, v19;
	[tilespmem:s26+$0x120] =	vst v53;
	v34 =	vld.idx.msk [tilespmem:v60+s11+$0x0], $0xffff  }
0x3f: {  	v58 =	vor.u32 v5, v20;
	[tilespmem:s26+$0xFFFFFEB0] =	vst v55;
	v26 =	vld.idx.msk [tilespmem:v26+s11+$0x0], $0xffff  }
0x40: {  	v28 =	vld.idx.msk [tilespmem:v28+s11+$0x0], $0xffff;
	[tilespmem:s26+$0xFFFFFF30] =	vst v27;
	v27 =	vor.u32 v4, v18  }
0x41: {  	v57 =	vor.u32 v4, v21;
	v31 =	vld.idx.msk [tilespmem:v31+s11+$0x0], $0xffff;
	[tilespmem:s26+$0x30] =	vst v29  }
0x42: {  	v24 =	vld.idx.msk [tilespmem:v24+s11+$0x0], $0xffff;
	[tilespmem:s26+$0xFFFFFFB0] =	vst v25;
	v25 =	vor.u32 v4, v17  }
0x43: {  	v35 =	vld.idx.msk [tilespmem:v59+s11+$0x0], $0xffff;
	[tilespmem:s26+$0x1C0] =	vst v30;
	v30 =	vor.u32 v5, v23  }
0x44: {  	v61 =	vor.u32 v5, v22;
	v29 =	vld.idx.msk [tilespmem:v58+s11+$0x0], $0xffff;
	[tilespmem:s26+$0xB0] =	vst v26  }
0x45: {  	v26 =	vld.idx.msk [tilespmem:v27+s11+$0x0], $0xffff;
	v27 =	vor.u32 v6, v20;
	[tilespmem:s26+$0xFFFFFEC0] =	vst v28  }
0x46: {  	v32 =	vld.idx.msk [tilespmem:v57+s11+$0x0], $0xffff;
	v28 =	vor.u32 v5, v19;
	[tilespmem:s26+$0x130] =	vst v31  }
0x47: {  	[tilespmem:s26+$0xFFFFFE40] =	vst v34;
	v31 =	vor.u32 v5, v21;
	v25 =	vld.idx.msk [tilespmem:v25+s11+$0x0], $0xffff  }
0x48: {  	[tilespmem:s26+$0xFFFFFF40] =	vst v24;
	v24 =	vor.u32 v5, v18;
	v30 =	vld.idx.msk [tilespmem:v30+s11+$0x0], $0xffff  }
0x49: {  	v62 =	vor.u32 v5, v17;
	v33 =	vld.idx.msk [tilespmem:v61+s11+$0x0], $0xffff;
	[tilespmem:s26+$0x1D0] =	vst v29  }
0x4a: {  	[tilespmem:s26+$0x40] =	vst v35;
	v29 =	vor.u32 v5, v16;
	v27 =	vld.idx.msk [tilespmem:v27+s11+$0x0], $0xffff  }
0x4b: {  	v63 =	vor.u32 v6, v23;
	[tilespmem:s26+$0xFFFFFFC0] =	vst v32;
	v35 =	vld.idx.msk [tilespmem:v28+s11+$0x0], $0xffff  }
0x4c: {  	v20 =	vor.u32 v7, v20;
	[tilespmem:s26+$0xC0] =	vst v26;
	v31 =	vld.idx.msk [tilespmem:v31+s11+$0x0], $0xffff  }
0x4d: {  	v26 =	vor.u32 v6, v22;
	v37 =	vld.idx.msk [tilespmem:v24+s11+$0x0], $0xffff;
	[tilespmem:s26+$0x140] =	vst v25  }
0x4e: {  	s28 =	simm.s32 $0x8;
	v25 =	vor.u32 v6, v21;
	v38 =	vld.idx.msk [tilespmem:v62+s11+$0x0], $0xffff;
	[tilespmem:s26+$0xFFFFFED0] =	vst v30  }
0x4f: {  	v28 =	vmov s28;
	v30 =	vor.u32 v6, v18;
	[tilespmem:s26+$0xFFFFFF50] =	vst v33;
	v39 =	vld.idx.msk [tilespmem:v29+s11+$0x0], $0xffff  }
0x50: {  	v29 =	vor.u32 v6, v19;
	v24 =	vld.idx.msk [tilespmem:v63+s11+$0x0], $0xffff;
	[tilespmem:s26+$0x1E0] =	vst v27;
	v27 =	vand.u32 $0x78, v28  }
0x51: {  	v40 =	vor.u32 v6, v17;
	[tilespmem:s26+$0x50] =	vst v35;
	v34 =	vld.idx.msk [tilespmem:v20+s11+$0x0], $0xffff;
	v20 =	vbroadcast v27, $0x0  }
0x52: {  	v36 =	vor.u32 v6, v16;
	v28 =	vld.idx.msk [tilespmem:v26+s11+$0x0], $0xffff;
	[tilespmem:s26+$0xFFFFFFD0] =	vst v31  }
0x53: {  	v25 =	vld.idx.msk [tilespmem:v25+s11+$0x0], $0xffff;
	[tilespmem:s26+$0xD0] =	vst v37;
	v35 =	vor.u32 v0, v20  }
0x54: {  	s29 =	simm.s32 $0xA;
	s1 =	simm.s32 $0x9;
	v31 =	vor.u32 v7, v23;
	v27 =	vld.idx.msk [tilespmem:v30+s11+$0x0], $0xffff  }
0x55: {  	v32 =	vmov s29;
	s29 =	simm.s32 $0xC;
	v22 =	vor.u32 v7, v22;
	v23 =	vmov s1;
	s1 =	simm.s32 $0xB;
	[tilespmem:s26+$0x150] =	vst v38;
	v26 =	vld.idx.msk [tilespmem:v29+s11+$0x0], $0xffff  }
0x56: {  	s31 =	simm.s32 $0xD;
	s30 =	simm.s32 $0xF;
	v21 =	vor.u32 v7, v21;
	v33 =	vmov s1;
	v29 =	vmov s29;
	s29 =	simm.s32 $0x10;
	[tilespmem:s26+$0xFFFFFE50] =	vst v39;
	v30 =	vld.idx.msk [tilespmem:v40+s11+$0x0], $0xffff  }
.LBB2_3:
0x57: {  	p1 =	slt.u32 s29, $0x38;
	v37 =	vmov s31;
	s1 =	sadd.s32 $0x6, s28;
	v38 =	vmov s30;
	v36 =	vld.idx.msk [tilespmem:v36+s11+$0x0], $0xffff;
	v19 =	vor.u32 v7, v19;
	[tilespmem:s26+$0x1F0] =	vst v34;
	s28 =	smov.u32 s29  }
0x58: {  	v18 =	vor.u32 v7, v18;
	v34 =	vld.idx.msk [tilespmem:v35+s11+$0x0], $0xffff;
	v35 =	vmov s1;
	v38 =	vand.u32 $0x7F, v38;
	[tilespmem:s26+$0xFFFFFEE0] =	vst v24  }
0x59: {  	v23 =	vand.u32 $0x79, v23;
	v17 =	vor.u32 v7, v17;
	v24 =	vbroadcast v38, $0x0;
	v31 =	vld.idx.msk [tilespmem:v31+s11+$0x0], $0xffff;
	[tilespmem:s26+$0xFFFFFF60] =	vst v28  }
0x5a: {  	v23 =	vbroadcast v23, $0x0;
	v28 =	vand.u32 $0x7A, v32;
	v32 =	vor.u32 v7, v16;
	v16 =	vmovc v20;
	v38 =	vld.idx.msk [tilespmem:v22+s11+$0x0], $0xffff;
	[tilespmem:s26+$0xFFFFFFE0] =	vst v25  }
0x5b: {  	v20 =	vand.u32 $0x7B, v33;
	v22 =	vbroadcast v28, $0x0;
	v25 =	vor.u32 v0, v24;
	v28 =	vld.idx.msk [tilespmem:v21+s11+$0x0], $0xffff;
	[tilespmem:s26+$0x60] =	vst v26  }
0x5c: {  	v26 =	vor.u32 v0, v23;
	v21 =	vbroadcast v20, $0x0;
	v20 =	vand.u32 $0x7C, v29;
	v29 =	vld.idx.msk [tilespmem:v19+s11+$0x0], $0xffff;
	[tilespmem:s26+$0xE0] =	vst v27  }
0x5d: {  	v27 =	vor.u32 v0, v22;
	v19 =	vbroadcast v20, $0x0;
	v20 =	vand.u32 $0x7D, v37;
	v33 =	vld.idx.msk [tilespmem:v18+s11+$0x0], $0xffff;
	[tilespmem:s26+$0x160] =	vst v30  }
0x5e: {  	v30 =	vor.u32 v0, v21;
	v18 =	vbroadcast v20, $0x0;
	v20 =	vand.u32 $0x7E, v35;
	[tilespmem:s26+$0xFFFFFE60] =	vst v36;
	v35 =	vld.idx.msk [tilespmem:v17+s11+$0x0], $0xffff  }
0x5f: {  	v36 =	vor.u32 v0, v19;
	v17 =	vbroadcast v20, $0x0;
	v20 =	vld.idx.msk [tilespmem:v32+s11+$0x0], $0xffff;
	[tilespmem:s26+$0xFFFFFEF0] =	vst v31  }
0x60: {  	v31 =	vor.u32 v0, v18;
	v25 =	vld.idx.msk [tilespmem:v25+s11+$0x0], $0xffff;
	[tilespmem:s26+$0xFFFFFF70] =	vst v38  }
0x61: {  	v32 =	vor.u32 v0, v17;
	v26 =	vld.idx.msk [tilespmem:v26+s11+$0x0], $0xffff;
	[tilespmem:s26+$0xFFFFFFF0] =	vst v28  }
0x62: {  	v28 =	vor.u32 v1, v24;
	v27 =	vld.idx.msk [tilespmem:v27+s11+$0x0], $0xffff;
	[tilespmem:s26+$0x70] =	vst v29  }
0x63: {  	v29 =	vor.u32 v1, v23;
	v30 =	vld.idx.msk [tilespmem:v30+s11+$0x0], $0xffff;
	[tilespmem:s26+$0xF0] =	vst v33  }
0x64: {  	v33 =	vor.u32 v1, v22;
	v36 =	vld.idx.msk [tilespmem:v36+s11+$0x0], $0xffff;
	[tilespmem:s26+$0x170] =	vst v35  }
0x65: {  	v35 =	vor.u32 v1, v21;
	v31 =	vld.idx.msk [tilespmem:v31+s11+$0x0], $0xffff;
	[tilespmem:s26+$0xFFFFFE70] =	vst v20;
	s26 =	sadd.s32 $0x400, s26  }
0x66: {  	v20 =	vor.u32 v1, v19;
	v32 =	vld.idx.msk [tilespmem:v32+s11+$0x0], $0xffff;
	[tilespmem:s26+$0x180] =	vst v25  }
0x67: {  	v25 =	vor.u32 v1, v18;
	[tilespmem:s26+$0xFFFFFE80] =	vst v26;
	v26 =	vld.idx.msk [tilespmem:v28+s11+$0x0], $0xffff  }
0x68: {  	v28 =	vld.idx.msk [tilespmem:v29+s11+$0x0], $0xffff;
	[tilespmem:s26+$0xFFFFFF00] =	vst v27;
	v27 =	vor.u32 v1, v17  }
0x69: {  	v29 =	vld.idx.msk [tilespmem:v33+s11+$0x0], $0xffff;
	[tilespmem:s26+$0xFFFFFF80] =	vst v30;
	v30 =	vor.u32 v2, v24  }
0x6a: {  	v33 =	vor.u32 v1, v16;
	v35 =	vld.idx.msk [tilespmem:v35+s11+$0x0], $0xffff;
	[tilespmem:s26+$0x0] =	vst v36  }
0x6b: {  	v36 =	vor.u32 v2, v23;
	v20 =	vld.idx.msk [tilespmem:v20+s11+$0x0], $0xffff;
	[tilespmem:s26+$0x80] =	vst v31  }
0x6c: {  	v31 =	vor.u32 v2, v22;
	v25 =	vld.idx.msk [tilespmem:v25+s11+$0x0], $0xffff;
	[tilespmem:s26+$0x100] =	vst v32  }
0x6d: {  	v32 =	vor.u32 v2, v21;
	v27 =	vld.idx.msk [tilespmem:v27+s11+$0x0], $0xffff;
	[tilespmem:s26+$0x190] =	vst v26  }
0x6e: {  	v26 =	vor.u32 v2, v19;
	[tilespmem:s26+$0xFFFFFE00] =	vst v34;
	v30 =	vld.idx.msk [tilespmem:v30+s11+$0x0], $0xffff  }
0x6f: {  	v33 =	vld.idx.msk [tilespmem:v33+s11+$0x0], $0xffff;
	[tilespmem:s26+$0xFFFFFE90] =	vst v28;
	v28 =	vor.u32 v2, v18  }
0x70: {  	v34 =	vld.idx.msk [tilespmem:v36+s11+$0x0], $0xffff;
	[tilespmem:s26+$0xFFFFFF10] =	vst v29;
	v29 =	vor.u32 v3, v24  }
0x71: {  	v31 =	vld.idx.msk [tilespmem:v31+s11+$0x0], $0xffff;
	[tilespmem:s26+$0xFFFFFF90] =	vst v35;
	v35 =	vor.u32 v2, v17  }
0x72: {  	v36 =	vor.u32 v2, v16;
	v32 =	vld.idx.msk [tilespmem:v32+s11+$0x0], $0xffff;
	[tilespmem:s26+$0x10] =	vst v20  }
0x73: {  	v20 =	vor.u32 v3, v23;
	v26 =	vld.idx.msk [tilespmem:v26+s11+$0x0], $0xffff;
	[tilespmem:s26+$0x90] =	vst v25  }
0x74: {  	v25 =	vor.u32 v3, v22;
	v28 =	vld.idx.msk [tilespmem:v28+s11+$0x0], $0xffff;
	[tilespmem:s26+$0x1A0] =	vst v30  }
0x75: {  	v30 =	vor.u32 v3, v21;
	[tilespmem:s26+$0x110] =	vst v27;
	v27 =	vld.idx.msk [tilespmem:v29+s11+$0x0], $0xffff  }
0x76: {  	v29 =	vor.u32 v3, v19;
	[tilespmem:s26+$0xFFFFFE10] =	vst v33;
	v33 =	vld.idx.msk [tilespmem:v35+s11+$0x0], $0xffff  }
0x77: {  	v35 =	vld.idx.msk [tilespmem:v36+s11+$0x0], $0xffff;
	[tilespmem:s26+$0xFFFFFEA0] =	vst v34;
	v34 =	vor.u32 v4, v24  }
0x78: {  	v20 =	vld.idx.msk [tilespmem:v20+s11+$0x0], $0xffff;
	[tilespmem:s26+$0xFFFFFF20] =	vst v31;
	v31 =	vor.u32 v3, v18  }
0x79: {  	v25 =	vld.idx.msk [tilespmem:v25+s11+$0x0], $0xffff;
	[tilespmem:s26+$0xFFFFFFA0] =	vst v32;
	v32 =	vor.u32 v3, v17  }
0x7a: {  	v36 =	vor.u32 v3, v16;
	v30 =	vld.idx.msk [tilespmem:v30+s11+$0x0], $0xffff;
	[tilespmem:s26+$0x20] =	vst v26  }
0x7b: {  	v26 =	vor.u32 v4, v23;
	v29 =	vld.idx.msk [tilespmem:v29+s11+$0x0], $0xffff;
	[tilespmem:s26+$0x1B0] =	vst v27  }
0x7c: {  	v27 =	vor.u32 v4, v22;
	[tilespmem:s26+$0xA0] =	vst v28;
	v28 =	vld.idx.msk [tilespmem:v34+s11+$0x0], $0xffff  }
0x7d: {  	v34 =	vor.u32 v4, v21;
	v31 =	vld.idx.msk [tilespmem:v31+s11+$0x0], $0xffff;
	[tilespmem:s26+$0x120] =	vst v33  }
0x7e: {  	v33 =	vor.u32 v5, v24;
	[tilespmem:s26+$0xFFFFFE20] =	vst v35;
	v32 =	vld.idx.msk [tilespmem:v32+s11+$0x0], $0xffff  }
0x7f: {  	v35 =	vld.idx.msk [tilespmem:v36+s11+$0x0], $0xffff;
	[tilespmem:s26+$0xFFFFFEB0] =	vst v20;
	v20 =	vor.u32 v4, v19  }
0x80: {  	v26 =	vld.idx.msk [tilespmem:v26+s11+$0x0], $0xffff;
	[tilespmem:s26+$0xFFFFFF30] =	vst v25;
	v25 =	vor.u32 v4, v18  }
0x81: {  	v27 =	vld.idx.msk [tilespmem:v27+s11+$0x0], $0xffff;
	[tilespmem:s26+$0xFFFFFFB0] =	vst v30;
	v30 =	vor.u32 v4, v17  }
0x82: {  	v36 =	vor.u32 v4, v16;
	v34 =	vld.idx.msk [tilespmem:v34+s11+$0x0], $0xffff;
	[tilespmem:s26+$0x1C0] =	vst v28  }
0x83: {  	v28 =	vor.u32 v5, v23;
	[tilespmem:s26+$0x30] =	vst v29;
	v29 =	vld.idx.msk [tilespmem:v33+s11+$0x0], $0xffff  }
0x84: {  	v33 =	vor.u32 v5, v22;
	v20 =	vld.idx.msk [tilespmem:v20+s11+$0x0], $0xffff;
	[tilespmem:s26+$0xB0] =	vst v31  }
0x85: {  	v31 =	vor.u32 v6, v24;
	v25 =	vld.idx.msk [tilespmem:v25+s11+$0x0], $0xffff;
	[tilespmem:s26+$0x130] =	vst v32  }
0x86: {  	v32 =	vor.u32 v5, v21;
	[tilespmem:s26+$0xFFFFFE30] =	vst v35;
	v30 =	vld.idx.msk [tilespmem:v30+s11+$0x0], $0xffff  }
0x87: {  	v35 =	vld.idx.msk [tilespmem:v36+s11+$0x0], $0xffff;
	[tilespmem:s26+$0xFFFFFEC0] =	vst v26;
	v26 =	vor.u32 v5, v19  }
0x88: {  	v28 =	vld.idx.msk [tilespmem:v28+s11+$0x0], $0xffff;
	[tilespmem:s26+$0xFFFFFF40] =	vst v27;
	v27 =	vor.u32 v5, v18  }
0x89: {  	v36 =	vor.u32 v5, v17;
	v33 =	vld.idx.msk [tilespmem:v33+s11+$0x0], $0xffff;
	[tilespmem:s26+$0x1D0] =	vst v29  }
0x8a: {  	v29 =	vor.u32 v5, v16;
	[tilespmem:s26+$0xFFFFFFC0] =	vst v34;
	v31 =	vld.idx.msk [tilespmem:v31+s11+$0x0], $0xffff  }
0x8b: {  	v34 =	vor.u32 v6, v23;
	v32 =	vld.idx.msk [tilespmem:v32+s11+$0x0], $0xffff;
	[tilespmem:s26+$0x40] =	vst v20  }
0x8c: {  	v26 =	vld.idx.msk [tilespmem:v26+s11+$0x0], $0xffff;
	[tilespmem:s26+$0xC0] =	vst v25;
	v25 =	vor.u32 v7, v24  }
0x8d: {  	v37 =	vor.u32 v6, v22;
	v27 =	vld.idx.msk [tilespmem:v27+s11+$0x0], $0xffff;
	[tilespmem:s26+$0x140] =	vst v30  }
0x8e: {  	v30 =	vor.u32 v6, v21;
	[tilespmem:s26+$0xFFFFFE40] =	vst v35;
	v38 =	vld.idx.msk [tilespmem:v36+s11+$0x0], $0xffff  }
0x8f: {  	v20 =	vmov s29;
	v39 =	vld.idx.msk [tilespmem:v29+s11+$0x0], $0xffff;
	[tilespmem:s26+$0xFFFFFED0] =	vst v28;
	v29 =	vor.u32 v6, v19  }
0x90: {  	v40 =	vor.u32 v6, v18;
	v20 =	vand.u32 $0x78, v20;
	v24 =	vld.idx.msk [tilespmem:v34+s11+$0x0], $0xffff;
	[tilespmem:s26+$0x1E0] =	vst v31  }
0x91: {  	v41 =	vor.u32 v6, v17;
	v20 =	vbroadcast v20, $0x0;
	[tilespmem:s26+$0xFFFFFF50] =	vst v33;
	v34 =	vld.idx.msk [tilespmem:v25+s11+$0x0], $0xffff  }
.Ltmp0:
0x92: {  	v36 =	vor.u32 v6, v16;
	v28 =	vld.idx.msk [tilespmem:v37+s11+$0x0], $0xffff;
	[tilespmem:s26+$0xFFFFFFD0] =	vst v32;
	(pc) =	sbr.rel @p1 .LBB2_3-.Ltmp0, $4  }
0x93: {  	v35 =	vor.u32 v0, v20;
	v25 =	vld.idx.msk [tilespmem:v30+s11+$0x0], $0xffff;
	[tilespmem:s26+$0x50] =	vst v26  }
0x94: {  	s30 =	sadd.s32 $0x2, s29;
	s1 =	sadd.s32 $0x1, s29;
	v31 =	vor.u32 v7, v23;
	v26 =	vld.idx.msk [tilespmem:v29+s11+$0x0], $0xffff;
	[tilespmem:s26+$0xD0] =	vst v27  }
0x95: {  	v22 =	vor.u32 v7, v22;
	v23 =	vmov s1;
	s1 =	sadd.s32 $0x3, s29;
	v32 =	vmov s30;
	s30 =	sadd.s32 $0x4, s29;
	v27 =	vld.idx.msk [tilespmem:v40+s11+$0x0], $0xffff;
	[tilespmem:s26+$0x150] =	vst v38  }
0x96: {  	s31 =	sadd.s32 $0x5, s28;
	v21 =	vor.u32 v7, v21;
	v33 =	vmov s1;
	s29 =	sadd.s32 $0x8, s29;
	v29 =	vmov s30;
	s30 =	sadd.s32 $0x7, s28;
	[tilespmem:s26+$0xFFFFFE50] =	vst v39;
	v30 =	vld.idx.msk [tilespmem:v41+s11+$0x0], $0xffff  }
0x97: {  	_ =	sdelay $0x2  }
0x98: {  	[tilespmem:s26+$0x1F0] =	vst v34  }
0x99: {  	s1 =	sadd.s32 $0x6, s28;
	v37 =	vmov s30;
	v36 =	vld.idx.msk [tilespmem:v36+s11+$0x0], $0xffff;
	v19 =	vor.u32 v7, v19;
	[tilespmem:s26+$0xFFFFFEE0] =	vst v24;
	v38 =	vor.u32 v7, v18  }
0x9a: {  	v24 =	vld.idx.msk [tilespmem:v35+s11+$0x0], $0xffff;
	[tilespmem:s26+$0xFFFFFF60] =	vst v28;
	v18 =	vand.u32 $0x79, v23;
	v59 =	vmov s1;
	v37 =	vand.u32 $0x7F, v37  }
0x9b: {  	v28 =	vld.idx.msk [tilespmem:v31+s11+$0x0], $0xffff;
	v31 =	vor.u32 v7, v17;
	[tilespmem:s26+$0xFFFFFFE0] =	vst v25;
	v17 =	vbroadcast v18, $0x0;
	v18 =	vand.u32 $0x7A, v32  }
0x9c: {  	v25 =	vor.u32 v7, v16;
	v60 =	vld.idx.msk [tilespmem:v22+s11+$0x0], $0xffff;
	v23 =	vbroadcast v37, $0x0;
	[tilespmem:s26+$0x60] =	vst v26;
	v16 =	vbroadcast v18, $0x0  }
0x9d: {  	v18 =	vand.u32 $0x7B, v33;
	v61 =	vld.idx.msk [tilespmem:v21+s11+$0x0], $0xffff;
	v21 =	vand.u32 $0x7C, v29;
	[tilespmem:s26+$0xE0] =	vst v27;
	v27 =	vor.u32 v0, v17  }
0x9e: {  	v22 =	vand.u32 $0x7E, v59;
	v18 =	vbroadcast v18, $0x0;
	v26 =	vor.u32 v0, v23;
	[tilespmem:s26+$0x160] =	vst v30;
	v29 =	vld.idx.msk [tilespmem:v19+s11+$0x0], $0xffff  }
0x9f: {  	v58 =	vmov s31;
	s28 =	sadd.s32 $0x400, s26;
	v22 =	vbroadcast v22, $0x0;
	v30 =	vor.u32 v0, v16;
	v62 =	vld.idx.msk [tilespmem:v38+s11+$0x0], $0xffff;
	[tilespmem:s26+$0xFFFFFE60] =	vst v36  }
0xa0: {  	v19 =	vbroadcast v21, $0x0;
	v21 =	vand.u32 $0x7D, v58;
	v63 =	vor.u32 v0, v18;
	[tilespmem:s28+$0xFFFFFE00] =	vst v24;
	v31 =	vld.idx.msk [tilespmem:v31+s11+$0x0], $0xffff  }
0xa1: {  	v39 =	vor.u32 v0, v22;
	v21 =	vbroadcast v21, $0x0;
	[tilespmem:s26+$0xFFFFFEF0] =	vst v28;
	v25 =	vld.idx.msk [tilespmem:v25+s11+$0x0], $0xffff  }
0xa2: {  	[tilespmem:s26+$0xFFFFFF70] =	vst v60;
	v28 =	vor.u32 v0, v19;
	v27 =	vld.idx.msk [tilespmem:v27+s11+$0x0], $0xffff  }
0xa3: {  	[tilespmem:s26+$0xFFFFFFF0] =	vst v61;
	v38 =	vor.u32 v0, v21;
	v26 =	vld.idx.msk [tilespmem:v26+s11+$0x0], $0xffff  }
0xa4: {  	[tilespmem:s26+$0x70] =	vst v29;
	v29 =	vld.idx.msk [tilespmem:v30+s11+$0x0], $0xffff;
	v30 =	vor.u32 v1, v23  }
0xa5: {  	v40 =	vor.u32 v1, v17;
	[tilespmem:s26+$0xF0] =	vst v62;
	v41 =	vld.idx.msk [tilespmem:v63+s11+$0x0], $0xffff  }
0xa6: {  	v33 =	vld.idx.msk [tilespmem:v39+s11+$0x0], $0xffff;
	[tilespmem:s26+$0x170] =	vst v31;
	v31 =	vor.u32 v1, v16  }
0xa7: {  	[tilespmem:s26+$0xFFFFFE70] =	vst v25;
	v25 =	vor.u32 v1, v18;
	v28 =	vld.idx.msk [tilespmem:v28+s11+$0x0], $0xffff  }
0xa8: {  	v42 =	vor.u32 v1, v22;
	v32 =	vld.idx.msk [tilespmem:v38+s11+$0x0], $0xffff;
	[tilespmem:s28+$0x180] =	vst v26  }
0xa9: {  	[tilespmem:s28+$0xFFFFFE80] =	vst v27;
	v26 =	vor.u32 v1, v19;
	v30 =	vld.idx.msk [tilespmem:v30+s11+$0x0], $0xffff  }
0xaa: {  	v27 =	vor.u32 v1, v21;
	[tilespmem:s28+$0xFFFFFF00] =	vst v29;
	v29 =	vld.idx.msk [tilespmem:v40+s11+$0x0], $0xffff  }
0xab: {  	v43 =	vor.u32 v2, v23;
	[tilespmem:s28+$0xFFFFFF80] =	vst v41;
	v31 =	vld.idx.msk [tilespmem:v31+s11+$0x0], $0xffff  }
0xac: {  	v44 =	vor.u32 v2, v17;
	[tilespmem:s28+$0x100] =	vst v33;
	v25 =	vld.idx.msk [tilespmem:v25+s11+$0x0], $0xffff  }
0xad: {  	v34 =	vld.idx.msk [tilespmem:v42+s11+$0x0], $0xffff;
	[tilespmem:s28+$0x0] =	vst v28;
	v28 =	vor.u32 v1, v20  }
0xae: {  	v45 =	vor.u32 v2, v16;
	[tilespmem:s28+$0x80] =	vst v32;
	v26 =	vld.idx.msk [tilespmem:v26+s11+$0x0], $0xffff  }
0xaf: {  	v47 =	vor.u32 v2, v22;
	v27 =	vld.idx.msk [tilespmem:v27+s11+$0x0], $0xffff;
	[tilespmem:s28+$0x190] =	vst v30  }
0xb0: {  	v30 =	vor.u32 v2, v18;
	[tilespmem:s28+$0xFFFFFE90] =	vst v29;
	v35 =	vld.idx.msk [tilespmem:v43+s11+$0x0], $0xffff  }
0xb1: {  	v24 =	vor.u32 v2, v19;
	[tilespmem:s28+$0xFFFFFF10] =	vst v31;
	v31 =	vld.idx.msk [tilespmem:v44+s11+$0x0], $0xffff  }
0xb2: {  	v29 =	vor.u32 v2, v21;
	[tilespmem:s28+$0xFFFFFF90] =	vst v25;
	v28 =	vld.idx.msk [tilespmem:v28+s11+$0x0], $0xffff  }
0xb3: {  	v46 =	vor.u32 v3, v23;
	[tilespmem:s28+$0x110] =	vst v34;
	v25 =	vld.idx.msk [tilespmem:v45+s11+$0x0], $0xffff  }
0xb4: {  	v33 =	vld.idx.msk [tilespmem:v47+s11+$0x0], $0xffff;
	[tilespmem:s28+$0x10] =	vst v26;
	v26 =	vor.u32 v2, v20  }
0xb5: {  	[tilespmem:s28+$0x90] =	vst v27;
	v27 =	vor.u32 v3, v17;
	v30 =	vld.idx.msk [tilespmem:v30+s11+$0x0], $0xffff  }
0xb6: {  	v48 =	vor.u32 v3, v16;
	v24 =	vld.idx.msk [tilespmem:v24+s11+$0x0], $0xffff;
	[tilespmem:s28+$0x1A0] =	vst v35  }
0xb7: {  	v49 =	vor.u32 v3, v18;
	v29 =	vld.idx.msk [tilespmem:v29+s11+$0x0], $0xffff;
	[tilespmem:s28+$0xFFFFFEA0] =	vst v31  }
0xb8: {  	v32 =	vld.idx.msk [tilespmem:v46+s11+$0x0], $0xffff;
	[tilespmem:s28+$0xFFFFFE10] =	vst v28;
	v28 =	vor.u32 v3, v19  }
0xb9: {  	v31 =	vor.u32 v4, v23;
	[tilespmem:s28+$0xFFFFFF20] =	vst v25;
	v26 =	vld.idx.msk [tilespmem:v26+s11+$0x0], $0xffff  }
0xba: {  	[tilespmem:s28+$0x120] =	vst v33;
	v25 =	vld.idx.msk [tilespmem:v27+s11+$0x0], $0xffff;
	v27 =	vor.u32 v3, v21  }
0xbb: {  	v50 =	vor.u32 v3, v22;
	[tilespmem:s28+$0xFFFFFFA0] =	vst v30;
	v30 =	vld.idx.msk [tilespmem:v48+s11+$0x0], $0xffff  }
0xbc: {  	[tilespmem:s28+$0x20] =	vst v24;
	v24 =	vor.u32 v3, v20;
	v34 =	vld.idx.msk [tilespmem:v49+s11+$0x0], $0xffff  }
0xbd: {  	v51 =	vor.u32 v4, v17;
	[tilespmem:s28+$0x1B0] =	vst v32;
	v28 =	vld.idx.msk [tilespmem:v28+s11+$0x0], $0xffff  }
0xbe: {  	[tilespmem:s28+$0xA0] =	vst v29;
	v29 =	vor.u32 v4, v16;
	v31 =	vld.idx.msk [tilespmem:v31+s11+$0x0], $0xffff  }
0xbf: {  	v52 =	vor.u32 v4, v18;
	v27 =	vld.idx.msk [tilespmem:v27+s11+$0x0], $0xffff;
	[tilespmem:s28+$0xFFFFFE20] =	vst v26  }
0xc0: {  	v53 =	vor.u32 v5, v23;
	v26 =	vld.idx.msk [tilespmem:v50+s11+$0x0], $0xffff;
	[tilespmem:s28+$0xFFFFFEB0] =	vst v25  }
0xc1: {  	v25 =	vor.u32 v4, v19;
	v24 =	vld.idx.msk [tilespmem:v24+s11+$0x0], $0xffff;
	[tilespmem:s28+$0xFFFFFF30] =	vst v30  }
0xc2: {  	v54 =	vor.u32 v4, v21;
	v30 =	vld.idx.msk [tilespmem:v51+s11+$0x0], $0xffff;
	[tilespmem:s28+$0xFFFFFFB0] =	vst v34  }
0xc3: {  	v55 =	vor.u32 v4, v22;
	v29 =	vld.idx.msk [tilespmem:v29+s11+$0x0], $0xffff;
	[tilespmem:s28+$0x30] =	vst v28  }
0xc4: {  	v33 =	vld.idx.msk [tilespmem:v52+s11+$0x0], $0xffff;
	v28 =	vor.u32 v5, v17;
	[tilespmem:s28+$0x1C0] =	vst v31  }
0xc5: {  	v31 =	vor.u32 v4, v20;
	v35 =	vld.idx.msk [tilespmem:v53+s11+$0x0], $0xffff;
	[tilespmem:s28+$0xB0] =	vst v27  }
0xc6: {  	v27 =	vor.u32 v5, v16;
	v25 =	vld.idx.msk [tilespmem:v25+s11+$0x0], $0xffff;
	[tilespmem:s28+$0x130] =	vst v26  }
0xc7: {  	v56 =	vor.u32 v6, v23;
	v26 =	vld.idx.msk [tilespmem:v54+s11+$0x0], $0xffff;
	[tilespmem:s28+$0xFFFFFE30] =	vst v24  }
0xc8: {  	v24 =	vor.u32 v5, v18;
	v34 =	vld.idx.msk [tilespmem:v55+s11+$0x0], $0xffff;
	[tilespmem:s28+$0xFFFFFEC0] =	vst v30  }
0xc9: {  	[tilespmem:s28+$0xFFFFFF40] =	vst v29;
	v29 =	vor.u32 v5, v21;
	v28 =	vld.idx.msk [tilespmem:v28+s11+$0x0], $0xffff  }
0xca: {  	[tilespmem:s28+$0xFFFFFFC0] =	vst v33;
	v30 =	vld.idx.msk [tilespmem:v31+s11+$0x0], $0xffff;
	v31 =	vor.u32 v5, v19  }
0xcb: {  	v57 =	vor.u32 v5, v22;
	[tilespmem:s28+$0x1D0] =	vst v35;
	v27 =	vld.idx.msk [tilespmem:v27+s11+$0x0], $0xffff  }
0xcc: {  	v58 =	vor.u32 v5, v20;
	[tilespmem:s28+$0x40] =	vst v25;
	v32 =	vld.idx.msk [tilespmem:v56+s11+$0x0], $0xffff  }
0xcd: {  	v25 =	vor.u32 v6, v17;
	v24 =	vld.idx.msk [tilespmem:v24+s11+$0x0], $0xffff;
	[tilespmem:s28+$0xC0] =	vst v26  }
0xce: {  	v23 =	vor.u32 v7, v23;
	[tilespmem:s28+$0x140] =	vst v34;
	v29 =	vld.idx.msk [tilespmem:v29+s11+$0x0], $0xffff  }
0xcf: {  	[tilespmem:s28+$0xFFFFFED0] =	vst v28;
	v26 =	vld.idx.msk [tilespmem:v31+s11+$0x0], $0xffff;
	v31 =	vor.u32 v6, v16  }
0xd0: {  	v34 =	vld.idx.msk [tilespmem:v57+s11+$0x0], $0xffff;
	[tilespmem:s28+$0xFFFFFE40] =	vst v30;
	v30 =	vor.u32 v6, v18  }
0xd1: {  	v60 =	vor.u32 v6, v21;
	v28 =	vld.idx.msk [tilespmem:v58+s11+$0x0], $0xffff;
	[tilespmem:s28+$0xFFFFFF50] =	vst v27  }
0xd2: {  	v59 =	vor.u32 v6, v19;
	v25 =	vld.idx.msk [tilespmem:v25+s11+$0x0], $0xffff;
	[tilespmem:s28+$0x1E0] =	vst v32  }
0xd3: {  	v27 =	vor.u32 v6, v22;
	[tilespmem:s28+$0xFFFFFFD0] =	vst v24;
	v23 =	vld.idx.msk [tilespmem:v23+s11+$0x0], $0xffff  }
0xd4: {  	v17 =	vor.u32 v7, v17;
	[tilespmem:s28+$0xD0] =	vst v29;
	v31 =	vld.idx.msk [tilespmem:v31+s11+$0x0], $0xffff  }
0xd5: {  	v24 =	vor.u32 v6, v20;
	[tilespmem:s28+$0x50] =	vst v26;
	v26 =	vld.idx.msk [tilespmem:v30+s11+$0x0], $0xffff  }
0xd6: {  	v16 =	vor.u32 v7, v16;
	[tilespmem:s28+$0x150] =	vst v34;
	v30 =	vld.idx.msk [tilespmem:v60+s11+$0x0], $0xffff  }
0xd7: {  	v18 =	vor.u32 v7, v18;
	v29 =	vld.idx.msk [tilespmem:v59+s11+$0x0], $0xffff;
	[tilespmem:s28+$0xFFFFFE50] =	vst v28  }
0xd8: {  	v21 =	vor.u32 v7, v21;
	v27 =	vld.idx.msk [tilespmem:v27+s11+$0x0], $0xffff;
	[tilespmem:s28+$0xFFFFFEE0] =	vst v25  }
0xd9: {  	v19 =	vor.u32 v7, v19;
	v17 =	vld.idx.msk [tilespmem:v17+s11+$0x0], $0xffff;
	[tilespmem:s28+$0x1F0] =	vst v23  }
0xda: {  	v22 =	vor.u32 v7, v22;
	v23 =	vld.idx.msk [tilespmem:v24+s11+$0x0], $0xffff;
	[tilespmem:s28+$0xFFFFFF60] =	vst v31  }
0xdb: {  	[tilespmem:s28+$0xFFFFFFE0] =	vst v26;
	v24 =	vld.idx.msk [tilespmem:v16+s11+$0x0], $0xffff  }
0xdc: {  	v20 =	vor.u32 v7, v20;
	[tilespmem:s28+$0xE0] =	vst v30;
	v18 =	vld.idx.msk [tilespmem:v18+s11+$0x0], $0xffff  }
0xdd: {  	s26 =	simm.s32 $0x0;
	[tilespmem:s28+$0x60] =	vst v29;
	v21 =	vld.idx.msk [tilespmem:v21+s11+$0x0], $0xffff  }
0xde: {  	s1 =	simm.s32 $0x1;
	v16 =	vmov s26;
	[tilespmem:s28+$0x160] =	vst v27;
	s26 =	simm.s32 $0x2;
	v19 =	vld.idx.msk [tilespmem:v19+s11+$0x0], $0xffff  }
0xdf: {  	s29 =	simm.s32 $0x7;
	v16 =	vand.u32 $0x78, v16;
	v25 =	vld.idx.msk [tilespmem:v22+s11+$0x0], $0xffff;
	[tilespmem:s28+$0xFFFFFEF0] =	vst v17;
	v17 =	vmov s1;
	v22 =	vmov s26  }
0xe0: {  	s26 =	simm.s32 $0x4;
	v16 =	vbroadcast v16, $0x0;
	[tilespmem:s28+$0xFFFFFE60] =	vst v23;
	v23 =	vmov s29;
	v17 =	vand.u32 $0x79, v17  }
0xe1: {  	v28 =	vmov s26;
	v27 =	vld.idx.msk [tilespmem:v20+s11+$0x0], $0xffff;
	v20 =	vand.u32 $0x7F, v23;
	v23 =	vbroadcast v17, $0x0;
	[tilespmem:s28+$0xFFFFFF70] =	vst v24  }
0xe2: {  	s1 =	simm.s32 $0x3;
	s26 =	simm.s32 $0x5;
	v17 =	vand.u32 $0x7A, v22;
	v26 =	vor.u32 v8, v16;
	v20 =	vbroadcast v20, $0x0;
	[tilespmem:s28+$0xFFFFFFF0] =	vst v18  }
0xe3: {  	v22 =	vbroadcast v17, $0x0;
	v24 =	vmov s1;
	v18 =	vmov s26;
	s1 =	simm.s32 $0x6;
	s26 =	sshll.u32 s24, $0x14;
	[tilespmem:s28+$0xF0] =	vst v21  }
0xe4: {  	[tilespmem:s28+$0x70] =	vst v19;
	v29 =	vmov s1;
	s26 =	sor.u32 s6, s26;
	v17 =	vand.u32 $0x7B, v24;
	v24 =	vor.u32 v8, v20  }
0xe5: {  	[tilespmem:s28+$0x170] =	vst v25;
	v25 =	vor.u32 v8, v23;
	s26 =	sshrl.u32 s26, $0x3;
	v21 =	vbroadcast v17, $0x0;
	v17 =	vand.u32 $0x7C, v28  }
0xe6: {  	[tilespmem:s28+$0xFFFFFE70] =	vst v27;
	s1 =	sadd.s32 s2, s26;
	v27 =	vor.u32 v8, v22;
	v19 =	vbroadcast v17, $0x0;
	v17 =	vand.u32 $0x7D, v18  }
0xe7: {  	[hbm4b:s1+s14] =	stream.strided.scatter [tilespmem:s16], [sflag:$0x3], $0x2000, s15, s14, $0x38;
	v28 =	vor.u32 v8, v21;
	v18 =	vbroadcast v17, $0x0;
	v17 =	vand.u32 $0x7E, v29;
	[tilespmem:$0x1E400] =	vst v63  }
0xe8: {  	v26 =	vld.idx.msk [tilespmem:v26+s11+$0x0], $0xffff;
	v29 =	vor.u32 v8, v19;
	v17 =	vbroadcast v17, $0x0  }
0xe9: {  	v30 =	vor.u32 v8, v18;
	v24 =	vld.idx.msk [tilespmem:v24+s11+$0x0], $0xffff  }
0xea: {  	v25 =	vld.idx.msk [tilespmem:v25+s11+$0x0], $0xffff;
	v31 =	vor.u32 v8, v17  }
0xeb: {  	v61 =	vor.u32 v9, v20;
	v27 =	vld.idx.msk [tilespmem:v27+s11+$0x0], $0xffff  }
0xec: {  	v62 =	vor.u32 v9, v23;
	v28 =	vld.idx.msk [tilespmem:v28+s11+$0x0], $0xffff  }
0xed: {  	v63 =	vor.u32 v9, v22;
	s28 =	simm.s32 $0x187F0;
	v29 =	vld.idx.msk [tilespmem:v29+s11+$0x0], $0xffff  }
0xee: {  	v40 =	vor.u32 v9, v21;
	[tilespmem:s28+$0xFFFFFC10] =	vst v26;
	v30 =	vld.idx.msk [tilespmem:v30+s11+$0x0], $0xffff  }
0xef: {  	v41 =	vor.u32 v9, v19;
	[tilespmem:s28+$0xFFFFFF90] =	vst v24;
	v31 =	vld.idx.msk [tilespmem:v31+s11+$0x0], $0xffff  }
0xf0: {  	[tilespmem:s28+$0xFFFFFC90] =	vst v25;
	v24 =	vor.u32 v9, v18;
	v25 =	vld.idx.msk [tilespmem:v61+s11+$0x0], $0xffff  }
0xf1: {  	v42 =	vld.idx.msk [tilespmem:v62+s11+$0x0], $0xffff;
	[tilespmem:s28+$0xFFFFFD10] =	vst v27;
	v27 =	vor.u32 v9, v17  }
0xf2: {  	v43 =	vld.idx.msk [tilespmem:v63+s11+$0x0], $0xffff;
	[tilespmem:s28+$0xFFFFFD90] =	vst v28;
	v28 =	vor.u32 v10, v20  }
0xf3: {  	v44 =	vor.u32 v9, v16;
	v35 =	vld.idx.msk [tilespmem:v40+s11+$0x0], $0xffff;
	[tilespmem:s28+$0xFFFFFE10] =	vst v29  }
0xf4: {  	v29 =	vor.u32 v10, v23;
	v36 =	vld.idx.msk [tilespmem:v41+s11+$0x0], $0xffff;
	[tilespmem:s28+$0xFFFFFE90] =	vst v30  }
0xf5: {  	v30 =	vor.u32 v10, v22;
	v24 =	vld.idx.msk [tilespmem:v24+s11+$0x0], $0xffff;
	[tilespmem:s28+$0xFFFFFF10] =	vst v31  }
0xf6: {  	v31 =	vor.u32 v10, v21;
	[tilespmem:s28+$0xFFFFFFA0] =	vst v25;
	v27 =	vld.idx.msk [tilespmem:v27+s11+$0x0], $0xffff  }
0xf7: {  	v25 =	vor.u32 v10, v19;
	[tilespmem:s28+$0xFFFFFCA0] =	vst v42;
	v26 =	vld.idx.msk [tilespmem:v28+s11+$0x0], $0xffff  }
0xf8: {  	v45 =	vor.u32 v10, v18;
	v28 =	vld.idx.msk [tilespmem:v44+s11+$0x0], $0xffff;
	[tilespmem:s28+$0xFFFFFD20] =	vst v43  }
0xf9: {  	v47 =	vor.u32 v10, v17;
	v29 =	vld.idx.msk [tilespmem:v29+s11+$0x0], $0xffff;
	[tilespmem:s28+$0xFFFFFDA0] =	vst v35  }
0xfa: {  	v46 =	vor.u32 v11, v20;
	v30 =	vld.idx.msk [tilespmem:v30+s11+$0x0], $0xffff;
	[tilespmem:s28+$0xFFFFFE20] =	vst v36  }
0xfb: {  	v48 =	vor.u32 v10, v16;
	v31 =	vld.idx.msk [tilespmem:v31+s11+$0x0], $0xffff;
	[tilespmem:s28+$0xFFFFFEA0] =	vst v24  }
0xfc: {  	v49 =	vor.u32 v11, v23;
	v25 =	vld.idx.msk [tilespmem:v25+s11+$0x0], $0xffff;
	[tilespmem:s28+$0xFFFFFF20] =	vst v27  }
0xfd: {  	v24 =	vor.u32 v11, v22;
	v32 =	vld.idx.msk [tilespmem:v45+s11+$0x0], $0xffff;
	[tilespmem:s28+$0xFFFFFFB0] =	vst v26  }
0xfe: {  	v26 =	vor.u32 v11, v21;
	[tilespmem:s28+$0xFFFFFC20] =	vst v28;
	v50 =	vld.idx.msk [tilespmem:v47+s11+$0x0], $0xffff  }
0xff: {  	v28 =	vor.u32 v11, v19;
	v27 =	vld.idx.msk [tilespmem:v46+s11+$0x0], $0xffff;
	[tilespmem:s28+$0xFFFFFCB0] =	vst v29  }
0x100: {  	v51 =	vld.idx.msk [tilespmem:v48+s11+$0x0], $0xffff;
	v29 =	vor.u32 v12, v20;
	[tilespmem:s28+$0xFFFFFD30] =	vst v30  }
0x101: {  	v52 =	vld.idx.msk [tilespmem:v49+s11+$0x0], $0xffff;
	v30 =	vor.u32 v11, v18;
	[tilespmem:s28+$0xFFFFFDB0] =	vst v31  }
0x102: {  	v53 =	vor.u32 v11, v16;
	v24 =	vld.idx.msk [tilespmem:v24+s11+$0x0], $0xffff;
	[tilespmem:s28+$0xFFFFFE30] =	vst v25  }
0x103: {  	v31 =	vor.u32 v11, v17;
	[tilespmem:s28+$0xFFFFFEB0] =	vst v32;
	v26 =	vld.idx.msk [tilespmem:v26+s11+$0x0], $0xffff  }
0x104: {  	v25 =	vor.u32 v12, v23;
	v28 =	vld.idx.msk [tilespmem:v28+s11+$0x0], $0xffff;
	[tilespmem:s28+$0xFFFFFFC0] =	vst v27  }
0x105: {  	[tilespmem:s28+$0xFFFFFF30] =	vst v50;
	v27 =	vor.u32 v12, v22;
	v29 =	vld.idx.msk [tilespmem:v29+s11+$0x0], $0xffff  }
0x106: {  	v54 =	vor.u32 v12, v21;
	[tilespmem:s28+$0xFFFFFC30] =	vst v51;
	v30 =	vld.idx.msk [tilespmem:v30+s11+$0x0], $0xffff  }
0x107: {  	v56 =	vor.u32 v12, v19;
	v34 =	vld.idx.msk [tilespmem:v53+s11+$0x0], $0xffff;
	[tilespmem:s28+$0xFFFFFCC0] =	vst v52  }
0x108: {  	v55 =	vor.u32 v13, v20;
	v31 =	vld.idx.msk [tilespmem:v31+s11+$0x0], $0xffff;
	[tilespmem:s28+$0xFFFFFD40] =	vst v24  }
0x109: {  	v25 =	vld.idx.msk [tilespmem:v25+s11+$0x0], $0xffff;
	v24 =	vor.u32 v12, v18;
	[tilespmem:s28+$0xFFFFFDC0] =	vst v26  }
0x10a: {  	v57 =	vor.u32 v12, v16;
	[tilespmem:s28+$0xFFFFFE40] =	vst v28;
	v27 =	vld.idx.msk [tilespmem:v27+s11+$0x0], $0xffff  }
0x10b: {  	v26 =	vor.u32 v12, v17;
	v32 =	vld.idx.msk [tilespmem:v54+s11+$0x0], $0xffff;
	[tilespmem:s28+$0xFFFFFFD0] =	vst v29  }
0x10c: {  	v35 =	vld.idx.msk [tilespmem:v56+s11+$0x0], $0xffff;
	v29 =	vor.u32 v13, v23;
	[tilespmem:s28+$0xFFFFFEC0] =	vst v30  }
0x10d: {  	v58 =	vor.u32 v13, v22;
	[tilespmem:s28+$0xFFFFFC40] =	vst v34;
	v28 =	vld.idx.msk [tilespmem:v55+s11+$0x0], $0xffff  }
0x10e: {  	v24 =	vld.idx.msk [tilespmem:v24+s11+$0x0], $0xffff;
	[tilespmem:s28+$0xFFFFFF40] =	vst v31;
	v31 =	vor.u32 v13, v21  }
0x10f: {  	v30 =	vor.u32 v14, v20;
	v34 =	vld.idx.msk [tilespmem:v57+s11+$0x0], $0xffff  }
0x110: {  	[tilespmem:s28+$0xFFFFFCD0] =	vst v25;
	v25 =	vor.u32 v13, v19;
	v26 =	vld.idx.msk [tilespmem:v26+s11+$0x0], $0xffff  }
0x111: {  	[tilespmem:s28+$0xFFFFFD50] =	vst v27;
	v27 =	vor.u32 v13, v18;
	v29 =	vld.idx.msk [tilespmem:v29+s11+$0x0], $0xffff  }
0x112: {  	v59 =	vor.u32 v13, v17;
	[tilespmem:s28+$0xFFFFFDD0] =	vst v32;
	v33 =	vld.idx.msk [tilespmem:v58+s11+$0x0], $0xffff  }
0x113: {  	[tilespmem:s28+$0xFFFFFFE0] =	vst v28;
	v28 =	vor.u32 v13, v16;
	v31 =	vld.idx.msk [tilespmem:v31+s11+$0x0], $0xffff  }
0x114: {  	v60 =	vor.u32 v14, v23;
	[tilespmem:s28+$0xFFFFFE50] =	vst v35;
	v30 =	vld.idx.msk [tilespmem:v30+s11+$0x0], $0xffff  }
0x115: {  	v20 =	vor.u32 v15, v20;
	v61 =	vld.idx.msk [tilespmem:v25+s11+$0x0], $0xffff;
	[tilespmem:s28+$0xFFFFFED0] =	vst v24  }
0x116: {  	v24 =	vor.u32 v14, v22;
	[tilespmem:s28+$0xFFFFFF50] =	vst v26;
	v62 =	vld.idx.msk [tilespmem:v27+s11+$0x0], $0xffff  }
0x117: {  	s29 =	simm.s32 $0x8;
	[tilespmem:s28+$0xFFFFFC50] =	vst v34;
	v26 =	vor.u32 v14, v21;
	v63 =	vld.idx.msk [tilespmem:v59+s11+$0x0], $0xffff  }
0x118: {  	v27 =	vor.u32 v14, v19;
	[tilespmem:s28+$0xFFFFFCE0] =	vst v29;
	v39 =	vld.idx.msk [tilespmem:v28+s11+$0x0], $0xffff;
	v28 =	vmov s29  }
0x119: {  	v40 =	vor.u32 v14, v18;
	v25 =	vld.idx.msk [tilespmem:v60+s11+$0x0], $0xffff;
	[tilespmem:s28+$0xFFFFFFF0] =	vst v30;
	v28 =	vand.u32 $0x78, v28  }
0x11a: {  	v41 =	vor.u32 v14, v17;
	[tilespmem:s28+$0xFFFFFD60] =	vst v33;
	v35 =	vld.idx.msk [tilespmem:v20+s11+$0x0], $0xffff;
	v20 =	vbroadcast v28, $0x0  }
0x11b: {  	v36 =	vor.u32 v14, v16;
	v29 =	vld.idx.msk [tilespmem:v24+s11+$0x0], $0xffff;
	[tilespmem:s28+$0xFFFFFDE0] =	vst v31  }
0x11c: {  	[tilespmem:s28+$0xFFFFFE60] =	vst v61;
	v26 =	vld.idx.msk [tilespmem:v26+s11+$0x0], $0xffff;
	v24 =	vor.u32 v8, v20  }
0x11d: {  	s30 =	simm.s32 $0xA;
	s1 =	simm.s32 $0x9;
	v32 =	vor.u32 v15, v23;
	v27 =	vld.idx.msk [tilespmem:v27+s11+$0x0], $0xffff;
	[tilespmem:s28+$0xFFFFFEE0] =	vst v62  }
0x11e: {  	v23 =	vmov s1;
	s1 =	simm.s32 $0xB;
	v22 =	vor.u32 v15, v22;
	v33 =	vmov s30;
	s30 =	simm.s32 $0xC;
	[tilespmem:s28+$0xFFFFFF60] =	vst v63;
	v28 =	vld.idx.msk [tilespmem:v40+s11+$0x0], $0xffff  }
0x11f: {  	s31 =	simm.s32 $0xF;
	v34 =	vmov s1;
	s1 =	simm.s32 $0xD;
	v21 =	vor.u32 v15, v21;
	v30 =	vmov s30;
	s30 =	simm.s32 $0x10;
	v31 =	vld.idx.msk [tilespmem:v41+s11+$0x0], $0xffff;
	[tilespmem:s28+$0xFFFFFC60] =	vst v39  }
.LBB2_5:
0x120: {  	p1 =	slt.u32 s30, $0x38;
	v37 =	vmov s1;
	s1 =	sadd.s32 $0x6, s29;
	v38 =	vmov s31;
	v36 =	vld.idx.msk [tilespmem:v36+s11+$0x0], $0xffff;
	v19 =	vor.u32 v15, v19;
	[tilespmem:s28+$0x0] =	vst v35;
	s29 =	smov.u32 s30  }
0x121: {  	v18 =	vor.u32 v15, v18;
	v35 =	vld.idx.msk [tilespmem:v24+s11+$0x0], $0xffff;
	v39 =	vmov s1;
	v24 =	vand.u32 $0x7F, v38;
	[tilespmem:s28+$0xFFFFFCF0] =	vst v25  }
0x122: {  	v23 =	vand.u32 $0x79, v23;
	v17 =	vor.u32 v15, v17;
	v24 =	vbroadcast v24, $0x0;
	v25 =	vld.idx.msk [tilespmem:v32+s11+$0x0], $0xffff;
	[tilespmem:s28+$0xFFFFFD70] =	vst v29  }
0x123: {  	v23 =	vbroadcast v23, $0x0;
	v29 =	vand.u32 $0x7A, v33;
	v32 =	vor.u32 v15, v16;
	v16 =	vmovc v20;
	v33 =	vld.idx.msk [tilespmem:v22+s11+$0x0], $0xffff;
	[tilespmem:s28+$0xFFFFFDF0] =	vst v26  }
0x124: {  	v20 =	vand.u32 $0x7B, v34;
	v22 =	vbroadcast v29, $0x0;
	v26 =	vor.u32 v8, v24;
	v29 =	vld.idx.msk [tilespmem:v21+s11+$0x0], $0xffff;
	[tilespmem:s28+$0xFFFFFE70] =	vst v27  }
0x125: {  	v27 =	vor.u32 v8, v23;
	v21 =	vbroadcast v20, $0x0;
	v20 =	vand.u32 $0x7C, v30;
	v30 =	vld.idx.msk [tilespmem:v19+s11+$0x0], $0xffff;
	[tilespmem:s28+$0xFFFFFEF0] =	vst v28  }
0x126: {  	v28 =	vor.u32 v8, v22;
	v19 =	vbroadcast v20, $0x0;
	v20 =	vand.u32 $0x7D, v37;
	v34 =	vld.idx.msk [tilespmem:v18+s11+$0x0], $0xffff;
	[tilespmem:s28+$0xFFFFFF70] =	vst v31  }
0x127: {  	v31 =	vor.u32 v8, v21;
	v18 =	vbroadcast v20, $0x0;
	v20 =	vand.u32 $0x7E, v39;
	[tilespmem:s28+$0xFFFFFC70] =	vst v36;
	v36 =	vld.idx.msk [tilespmem:v17+s11+$0x0], $0xffff  }
0x128: {  	v37 =	vor.u32 v8, v19;
	v17 =	vbroadcast v20, $0x0;
	v20 =	vld.idx.msk [tilespmem:v32+s11+$0x0], $0xffff;
	[tilespmem:s28+$0xFFFFFD00] =	vst v25  }
0x129: {  	v25 =	vor.u32 v8, v18;
	v26 =	vld.idx.msk [tilespmem:v26+s11+$0x0], $0xffff;
	[tilespmem:s28+$0xFFFFFD80] =	vst v33  }
0x12a: {  	v32 =	vor.u32 v8, v17;
	v27 =	vld.idx.msk [tilespmem:v27+s11+$0x0], $0xffff;
	[tilespmem:s28+$0xFFFFFE00] =	vst v29  }
0x12b: {  	v29 =	vor.u32 v9, v24;
	v28 =	vld.idx.msk [tilespmem:v28+s11+$0x0], $0xffff;
	[tilespmem:s28+$0xFFFFFE80] =	vst v30  }
0x12c: {  	v30 =	vor.u32 v9, v23;
	v31 =	vld.idx.msk [tilespmem:v31+s11+$0x0], $0xffff;
	[tilespmem:s28+$0xFFFFFF00] =	vst v34  }
0x12d: {  	v33 =	vor.u32 v9, v22;
	v34 =	vld.idx.msk [tilespmem:v37+s11+$0x0], $0xffff;
	[tilespmem:s28+$0xFFFFFF80] =	vst v36  }
0x12e: {  	v36 =	vor.u32 v9, v21;
	v25 =	vld.idx.msk [tilespmem:v25+s11+$0x0], $0xffff;
	[tilespmem:s28+$0xFFFFFC80] =	vst v20;
	s28 =	sadd.s32 $0x400, s28  }
0x12f: {  	v20 =	vor.u32 v9, v19;
	v32 =	vld.idx.msk [tilespmem:v32+s11+$0x0], $0xffff;
	[tilespmem:s28+$0xFFFFFF90] =	vst v26  }
0x130: {  	v26 =	vor.u32 v9, v18;
	[tilespmem:s28+$0xFFFFFC90] =	vst v27;
	v27 =	vld.idx.msk [tilespmem:v29+s11+$0x0], $0xffff  }
0x131: {  	v29 =	vld.idx.msk [tilespmem:v30+s11+$0x0], $0xffff;
	[tilespmem:s28+$0xFFFFFD10] =	vst v28;
	v28 =	vor.u32 v9, v17  }
0x132: {  	v30 =	vld.idx.msk [tilespmem:v33+s11+$0x0], $0xffff;
	[tilespmem:s28+$0xFFFFFD90] =	vst v31;
	v31 =	vor.u32 v10, v24  }
0x133: {  	v33 =	vor.u32 v9, v16;
	v36 =	vld.idx.msk [tilespmem:v36+s11+$0x0], $0xffff;
	[tilespmem:s28+$0xFFFFFE10] =	vst v34  }
0x134: {  	v34 =	vor.u32 v10, v23;
	v20 =	vld.idx.msk [tilespmem:v20+s11+$0x0], $0xffff;
	[tilespmem:s28+$0xFFFFFE90] =	vst v25  }
0x135: {  	v25 =	vor.u32 v10, v22;
	v26 =	vld.idx.msk [tilespmem:v26+s11+$0x0], $0xffff;
	[tilespmem:s28+$0xFFFFFF10] =	vst v32  }
0x136: {  	v32 =	vor.u32 v10, v21;
	v28 =	vld.idx.msk [tilespmem:v28+s11+$0x0], $0xffff;
	[tilespmem:s28+$0xFFFFFFA0] =	vst v27  }
0x137: {  	v27 =	vor.u32 v10, v19;
	[tilespmem:s28+$0xFFFFFC10] =	vst v35;
	v31 =	vld.idx.msk [tilespmem:v31+s11+$0x0], $0xffff  }
0x138: {  	v33 =	vld.idx.msk [tilespmem:v33+s11+$0x0], $0xffff;
	[tilespmem:s28+$0xFFFFFCA0] =	vst v29;
	v29 =	vor.u32 v10, v18  }
0x139: {  	v34 =	vld.idx.msk [tilespmem:v34+s11+$0x0], $0xffff;
	[tilespmem:s28+$0xFFFFFD20] =	vst v30;
	v30 =	vor.u32 v11, v24  }
0x13a: {  	v35 =	vor.u32 v10, v17;
	v25 =	vld.idx.msk [tilespmem:v25+s11+$0x0], $0xffff;
	[tilespmem:s28+$0xFFFFFDA0] =	vst v36  }
0x13b: {  	v36 =	vor.u32 v10, v16;
	v32 =	vld.idx.msk [tilespmem:v32+s11+$0x0], $0xffff;
	[tilespmem:s28+$0xFFFFFE20] =	vst v20  }
0x13c: {  	v20 =	vor.u32 v11, v23;
	v27 =	vld.idx.msk [tilespmem:v27+s11+$0x0], $0xffff;
	[tilespmem:s28+$0xFFFFFEA0] =	vst v26  }
0x13d: {  	v26 =	vor.u32 v11, v22;
	v29 =	vld.idx.msk [tilespmem:v29+s11+$0x0], $0xffff;
	[tilespmem:s28+$0xFFFFFFB0] =	vst v31  }
0x13e: {  	v31 =	vor.u32 v11, v21;
	[tilespmem:s28+$0xFFFFFF20] =	vst v28;
	v28 =	vld.idx.msk [tilespmem:v30+s11+$0x0], $0xffff  }
0x13f: {  	v30 =	vor.u32 v11, v19;
	[tilespmem:s28+$0xFFFFFC20] =	vst v33;
	v33 =	vld.idx.msk [tilespmem:v35+s11+$0x0], $0xffff  }
0x140: {  	v35 =	vld.idx.msk [tilespmem:v36+s11+$0x0], $0xffff;
	[tilespmem:s28+$0xFFFFFCB0] =	vst v34;
	v34 =	vor.u32 v12, v24  }
0x141: {  	v20 =	vld.idx.msk [tilespmem:v20+s11+$0x0], $0xffff;
	[tilespmem:s28+$0xFFFFFD30] =	vst v25;
	v25 =	vor.u32 v11, v18  }
0x142: {  	v26 =	vld.idx.msk [tilespmem:v26+s11+$0x0], $0xffff;
	[tilespmem:s28+$0xFFFFFDB0] =	vst v32;
	v32 =	vor.u32 v11, v17  }
0x143: {  	v36 =	vor.u32 v11, v16;
	v31 =	vld.idx.msk [tilespmem:v31+s11+$0x0], $0xffff;
	[tilespmem:s28+$0xFFFFFE30] =	vst v27  }
0x144: {  	v27 =	vor.u32 v12, v23;
	v30 =	vld.idx.msk [tilespmem:v30+s11+$0x0], $0xffff;
	[tilespmem:s28+$0xFFFFFFC0] =	vst v28  }
0x145: {  	v28 =	vor.u32 v12, v22;
	[tilespmem:s28+$0xFFFFFEB0] =	vst v29;
	v29 =	vld.idx.msk [tilespmem:v34+s11+$0x0], $0xffff  }
0x146: {  	v34 =	vor.u32 v12, v21;
	v25 =	vld.idx.msk [tilespmem:v25+s11+$0x0], $0xffff;
	[tilespmem:s28+$0xFFFFFF30] =	vst v33  }
0x147: {  	v33 =	vor.u32 v13, v24;
	[tilespmem:s28+$0xFFFFFC30] =	vst v35;
	v32 =	vld.idx.msk [tilespmem:v32+s11+$0x0], $0xffff  }
0x148: {  	v35 =	vld.idx.msk [tilespmem:v36+s11+$0x0], $0xffff;
	[tilespmem:s28+$0xFFFFFCC0] =	vst v20;
	v20 =	vor.u32 v12, v19  }
0x149: {  	v27 =	vld.idx.msk [tilespmem:v27+s11+$0x0], $0xffff;
	[tilespmem:s28+$0xFFFFFD40] =	vst v26;
	v26 =	vor.u32 v12, v18  }
0x14a: {  	v28 =	vld.idx.msk [tilespmem:v28+s11+$0x0], $0xffff;
	[tilespmem:s28+$0xFFFFFDC0] =	vst v31;
	v31 =	vor.u32 v12, v17  }
0x14b: {  	v36 =	vor.u32 v12, v16;
	v34 =	vld.idx.msk [tilespmem:v34+s11+$0x0], $0xffff;
	[tilespmem:s28+$0xFFFFFFD0] =	vst v29  }
0x14c: {  	v29 =	vor.u32 v13, v23;
	[tilespmem:s28+$0xFFFFFE40] =	vst v30;
	v30 =	vld.idx.msk [tilespmem:v33+s11+$0x0], $0xffff  }
0x14d: {  	v33 =	vor.u32 v13, v22;
	v20 =	vld.idx.msk [tilespmem:v20+s11+$0x0], $0xffff;
	[tilespmem:s28+$0xFFFFFEC0] =	vst v25  }
0x14e: {  	v25 =	vld.idx.msk [tilespmem:v26+s11+$0x0], $0xffff;
	[tilespmem:s28+$0xFFFFFF40] =	vst v32;
	v26 =	vor.u32 v14, v24  }
0x14f: {  	v32 =	vor.u32 v13, v21;
	[tilespmem:s28+$0xFFFFFC40] =	vst v35;
	v31 =	vld.idx.msk [tilespmem:v31+s11+$0x0], $0xffff  }
0x150: {  	v35 =	vld.idx.msk [tilespmem:v36+s11+$0x0], $0xffff;
	[tilespmem:s28+$0xFFFFFCD0] =	vst v27;
	v27 =	vor.u32 v13, v19  }
0x151: {  	v29 =	vld.idx.msk [tilespmem:v29+s11+$0x0], $0xffff;
	[tilespmem:s28+$0xFFFFFD50] =	vst v28;
	v28 =	vor.u32 v13, v18  }
0x152: {  	v36 =	vor.u32 v13, v17;
	v33 =	vld.idx.msk [tilespmem:v33+s11+$0x0], $0xffff;
	[tilespmem:s28+$0xFFFFFFE0] =	vst v30  }
0x153: {  	v30 =	vor.u32 v13, v16;
	[tilespmem:s28+$0xFFFFFDD0] =	vst v34;
	v26 =	vld.idx.msk [tilespmem:v26+s11+$0x0], $0xffff  }
0x154: {  	v34 =	vor.u32 v14, v23;
	v32 =	vld.idx.msk [tilespmem:v32+s11+$0x0], $0xffff;
	[tilespmem:s28+$0xFFFFFE50] =	vst v20  }
0x155: {  	v24 =	vor.u32 v15, v24;
	v27 =	vld.idx.msk [tilespmem:v27+s11+$0x0], $0xffff;
	[tilespmem:s28+$0xFFFFFED0] =	vst v25  }
0x156: {  	v37 =	vor.u32 v14, v22;
	v28 =	vld.idx.msk [tilespmem:v28+s11+$0x0], $0xffff;
	[tilespmem:s28+$0xFFFFFF50] =	vst v31  }
0x157: {  	v31 =	vor.u32 v14, v21;
	[tilespmem:s28+$0xFFFFFC50] =	vst v35;
	v38 =	vld.idx.msk [tilespmem:v36+s11+$0x0], $0xffff  }
0x158: {  	v20 =	vmov s30;
	v39 =	vld.idx.msk [tilespmem:v30+s11+$0x0], $0xffff;
	[tilespmem:s28+$0xFFFFFCE0] =	vst v29;
	v30 =	vor.u32 v14, v19  }
0x159: {  	v20 =	vand.u32 $0x78, v20;
	v25 =	vld.idx.msk [tilespmem:v34+s11+$0x0], $0xffff;
	v34 =	vor.u32 v14, v18;
	[tilespmem:s28+$0xFFFFFFF0] =	vst v26  }
0x15a: {  	v40 =	vor.u32 v14, v17;
	v20 =	vbroadcast v20, $0x0;
	[tilespmem:s28+$0xFFFFFD60] =	vst v33;
	v35 =	vld.idx.msk [tilespmem:v24+s11+$0x0], $0xffff  }
.Ltmp1:
0x15b: {  	v36 =	vor.u32 v14, v16;
	v29 =	vld.idx.msk [tilespmem:v37+s11+$0x0], $0xffff;
	[tilespmem:s28+$0xFFFFFDE0] =	vst v32;
	(pc) =	sbr.rel @p1 .LBB2_5-.Ltmp1, $4  }
0x15c: {  	v24 =	vor.u32 v8, v20;
	v26 =	vld.idx.msk [tilespmem:v31+s11+$0x0], $0xffff;
	[tilespmem:s28+$0xFFFFFE60] =	vst v27  }
0x15d: {  	s31 =	sadd.s32 $0x2, s30;
	s1 =	sadd.s32 $0x1, s30;
	v32 =	vor.u32 v15, v23;
	v27 =	vld.idx.msk [tilespmem:v30+s11+$0x0], $0xffff;
	[tilespmem:s28+$0xFFFFFEE0] =	vst v28  }
0x15e: {  	v22 =	vor.u32 v15, v22;
	v33 =	vmov s31;
	s31 =	sadd.s32 $0x4, s30;
	v23 =	vmov s1;
	s1 =	sadd.s32 $0x3, s30;
	v28 =	vld.idx.msk [tilespmem:v34+s11+$0x0], $0xffff;
	[tilespmem:s28+$0xFFFFFF60] =	vst v38  }
0x15f: {  	v21 =	vor.u32 v15, v21;
	s30 =	sadd.s32 $0x8, s30;
	v30 =	vmov s31;
	s31 =	sadd.s32 $0x7, s29;
	v34 =	vmov s1;
	s1 =	sadd.s32 $0x5, s29;
	[tilespmem:s28+$0xFFFFFC60] =	vst v39;
	v31 =	vld.idx.msk [tilespmem:v40+s11+$0x0], $0xffff  }
0x160: {  	_ =	sdelay $0x1  }
0x161: {  	[tilespmem:s28+$0x0] =	vst v35  }
0x162: {  	[tilespmem:s28+$0xFFFFFCF0] =	vst v25  }
0x163: {  	v37 =	vmov s31;
	v19 =	vor.u32 v15, v19;
	v61 =	vld.idx.msk [tilespmem:v36+s11+$0x0], $0xffff;
	v38 =	vor.u32 v15, v18;
	[tilespmem:s28+$0xFFFFFD70] =	vst v29  }
0x164: {  	v63 =	vand.u32 $0x79, v23;
	v39 =	vor.u32 v15, v17;
	v40 =	vand.u32 $0x7A, v33;
	v24 =	vld.idx.msk [tilespmem:v24+s11+$0x0], $0xffff;
	[tilespmem:s28+$0xFFFFFDF0] =	vst v26  }
0x165: {  	v41 =	vor.u32 v15, v16;
	v37 =	vand.u32 $0x7F, v37;
	v17 =	vbroadcast v63, $0x0;
	v42 =	vld.idx.msk [tilespmem:v22+s11+$0x0], $0xffff;
	[tilespmem:s28+$0xFFFFFE70] =	vst v27  }
0x166: {  	v43 =	vand.u32 $0x7B, v34;
	v16 =	vbroadcast v40, $0x0;
	v23 =	vbroadcast v37, $0x0;
	v37 =	vld.idx.msk [tilespmem:v32+s11+$0x0], $0xffff;
	[tilespmem:s28+$0xFFFFFEF0] =	vst v28  }
0x167: {  	v60 =	vmov s1;
	s29 =	sadd.s32 $0x6, s29;
	v18 =	vbroadcast v43, $0x0;
	v45 =	vld.idx.msk [tilespmem:v21+s11+$0x0], $0xffff;
	v46 =	vor.u32 v8, v17;
	[tilespmem:s28+$0xFFFFFF70] =	vst v31  }
0x168: {  	s30 =	sadd.s32 $0x400, s28;
	v62 =	vmov s29;
	v50 =	vand.u32 $0x7D, v60;
	v49 =	vor.u32 v8, v16;
	v48 =	vld.idx.msk [tilespmem:v19+s11+$0x0], $0xffff;
	[tilespmem:s28+$0xFFFFFC70] =	vst v61  }
0x169: {  	v21 =	vbroadcast v50, $0x0;
	v53 =	vand.u32 $0x7E, v62;
	v52 =	vor.u32 v8, v18;
	v51 =	vld.idx.msk [tilespmem:v38+s11+$0x0], $0xffff;
	[tilespmem:s30+$0xFFFFFC10] =	vst v24  }
0x16a: {  	v22 =	vbroadcast v53, $0x0;
	v44 =	vor.u32 v8, v23;
	v32 =	vld.idx.msk [tilespmem:v39+s11+$0x0], $0xffff;
	[tilespmem:s28+$0xFFFFFD80] =	vst v42  }
0x16b: {  	v47 =	vand.u32 $0x7C, v30;
	v55 =	vor.u32 v8, v21;
	v26 =	vld.idx.msk [tilespmem:v41+s11+$0x0], $0xffff;
	[tilespmem:s28+$0xFFFFFD00] =	vst v37  }
0x16c: {  	v19 =	vbroadcast v47, $0x0;
	v56 =	vor.u32 v8, v22;
	[tilespmem:s28+$0xFFFFFE00] =	vst v45;
	v28 =	vld.idx.msk [tilespmem:v46+s11+$0x0], $0xffff  }
0x16d: {  	v39 =	vor.u32 v9, v20;
	v57 =	vld.idx.msk [tilespmem:v49+s11+$0x0], $0xffff;
	[tilespmem:s28+$0xFFFFFE80] =	vst v48  }
0x16e: {  	v54 =	vor.u32 v8, v19;
	v25 =	vld.idx.msk [tilespmem:v52+s11+$0x0], $0xffff;
	[tilespmem:s28+$0xFFFFFF00] =	vst v51  }
0x16f: {  	v59 =	vor.u32 v9, v17;
	v27 =	vld.idx.msk [tilespmem:v44+s11+$0x0], $0xffff;
	[tilespmem:s28+$0xFFFFFF80] =	vst v32  }
0x170: {  	v60 =	vor.u32 v9, v16;
	v33 =	vld.idx.msk [tilespmem:v55+s11+$0x0], $0xffff;
	[tilespmem:s28+$0xFFFFFC80] =	vst v26  }
0x171: {  	v61 =	vor.u32 v9, v18;
	v34 =	vld.idx.msk [tilespmem:v56+s11+$0x0], $0xffff;
	[tilespmem:s30+$0xFFFFFC90] =	vst v28  }
0x172: {  	v58 =	vor.u32 v9, v23;
	v45 =	vld.idx.msk [tilespmem:v39+s11+$0x0], $0xffff;
	[tilespmem:s30+$0xFFFFFD10] =	vst v57  }
0x173: {  	v63 =	vor.u32 v9, v21;
	v29 =	vld.idx.msk [tilespmem:v54+s11+$0x0], $0xffff;
	[tilespmem:s30+$0xFFFFFD90] =	vst v25  }
0x174: {  	v38 =	vor.u32 v9, v22;
	[tilespmem:s30+$0xFFFFFF90] =	vst v27;
	v36 =	vld.idx.msk [tilespmem:v59+s11+$0x0], $0xffff  }
0x175: {  	v62 =	vor.u32 v9, v19;
	v26 =	vld.idx.msk [tilespmem:v60+s11+$0x0], $0xffff;
	[tilespmem:s30+$0xFFFFFE90] =	vst v33  }
0x176: {  	v40 =	vor.u32 v10, v17;
	v27 =	vld.idx.msk [tilespmem:v61+s11+$0x0], $0xffff;
	[tilespmem:s30+$0xFFFFFF10] =	vst v34  }
0x177: {  	v41 =	vor.u32 v10, v16;
	v31 =	vld.idx.msk [tilespmem:v58+s11+$0x0], $0xffff;
	[tilespmem:s30+$0xFFFFFC20] =	vst v45  }
0x178: {  	v42 =	vor.u32 v10, v18;
	v30 =	vld.idx.msk [tilespmem:v63+s11+$0x0], $0xffff;
	[tilespmem:s30+$0xFFFFFE10] =	vst v29  }
0x179: {  	v50 =	vor.u32 v10, v20;
	v43 =	vld.idx.msk [tilespmem:v38+s11+$0x0], $0xffff;
	[tilespmem:s30+$0xFFFFFCA0] =	vst v36  }
0x17a: {  	v37 =	vor.u32 v10, v23;
	v28 =	vld.idx.msk [tilespmem:v62+s11+$0x0], $0xffff;
	[tilespmem:s30+$0xFFFFFD20] =	vst v26  }
0x17b: {  	v47 =	vor.u32 v10, v21;
	[tilespmem:s30+$0xFFFFFDA0] =	vst v27;
	v34 =	vld.idx.msk [tilespmem:v40+s11+$0x0], $0xffff  }
0x17c: {  	v49 =	vor.u32 v10, v22;
	[tilespmem:s30+$0xFFFFFFA0] =	vst v31;
	v48 =	vld.idx.msk [tilespmem:v41+s11+$0x0], $0xffff  }
0x17d: {  	v44 =	vor.u32 v10, v19;
	[tilespmem:s30+$0xFFFFFEA0] =	vst v30;
	v24 =	vld.idx.msk [tilespmem:v42+s11+$0x0], $0xffff  }
0x17e: {  	v51 =	vor.u32 v11, v17;
	v30 =	vld.idx.msk [tilespmem:v50+s11+$0x0], $0xffff;
	[tilespmem:s30+$0xFFFFFF20] =	vst v43  }
0x17f: {  	v52 =	vor.u32 v11, v16;
	v32 =	vld.idx.msk [tilespmem:v37+s11+$0x0], $0xffff;
	[tilespmem:s30+$0xFFFFFE20] =	vst v28  }
0x180: {  	v54 =	vor.u32 v11, v18;
	v53 =	vld.idx.msk [tilespmem:v47+s11+$0x0], $0xffff;
	[tilespmem:s30+$0xFFFFFCB0] =	vst v34  }
0x181: {  	v60 =	vor.u32 v11, v20;
	v31 =	vld.idx.msk [tilespmem:v49+s11+$0x0], $0xffff;
	[tilespmem:s30+$0xFFFFFD30] =	vst v48  }
0x182: {  	v46 =	vor.u32 v11, v23;
	v29 =	vld.idx.msk [tilespmem:v44+s11+$0x0], $0xffff;
	[tilespmem:s30+$0xFFFFFDB0] =	vst v24  }
0x183: {  	v58 =	vor.u32 v11, v21;
	[tilespmem:s30+$0xFFFFFC30] =	vst v30;
	v57 =	vld.idx.msk [tilespmem:v51+s11+$0x0], $0xffff  }
0x184: {  	v59 =	vor.u32 v11, v22;
	[tilespmem:s30+$0xFFFFFFB0] =	vst v32;
	v25 =	vld.idx.msk [tilespmem:v52+s11+$0x0], $0xffff  }
0x185: {  	v56 =	vor.u32 v11, v19;
	v27 =	vld.idx.msk [tilespmem:v54+s11+$0x0], $0xffff;
	[tilespmem:s30+$0xFFFFFEB0] =	vst v53  }
0x186: {  	v61 =	vor.u32 v12, v17;
	v38 =	vld.idx.msk [tilespmem:v60+s11+$0x0], $0xffff;
	[tilespmem:s30+$0xFFFFFF30] =	vst v31  }
0x187: {  	v62 =	vor.u32 v12, v16;
	v33 =	vld.idx.msk [tilespmem:v46+s11+$0x0], $0xffff;
	[tilespmem:s30+$0xFFFFFE30] =	vst v29  }
0x188: {  	v55 =	vor.u32 v12, v23;
	v63 =	vld.idx.msk [tilespmem:v58+s11+$0x0], $0xffff;
	[tilespmem:s30+$0xFFFFFCC0] =	vst v57  }
0x189: {  	v37 =	vor.u32 v12, v18;
	v29 =	vld.idx.msk [tilespmem:v59+s11+$0x0], $0xffff;
	[tilespmem:s30+$0xFFFFFD40] =	vst v25  }
0x18a: {  	v40 =	vor.u32 v12, v21;
	v28 =	vld.idx.msk [tilespmem:v56+s11+$0x0], $0xffff;
	[tilespmem:s30+$0xFFFFFDC0] =	vst v27  }
0x18b: {  	v42 =	vor.u32 v12, v20;
	[tilespmem:s30+$0xFFFFFC40] =	vst v38;
	v26 =	vld.idx.msk [tilespmem:v61+s11+$0x0], $0xffff  }
0x18c: {  	v39 =	vor.u32 v12, v19;
	[tilespmem:s30+$0xFFFFFFC0] =	vst v33;
	v31 =	vld.idx.msk [tilespmem:v62+s11+$0x0], $0xffff  }
0x18d: {  	v41 =	vor.u32 v12, v22;
	[tilespmem:s30+$0xFFFFFEC0] =	vst v63;
	v34 =	vld.idx.msk [tilespmem:v55+s11+$0x0], $0xffff  }
0x18e: {  	v43 =	vor.u32 v13, v17;
	v24 =	vld.idx.msk [tilespmem:v37+s11+$0x0], $0xffff;
	[tilespmem:s30+$0xFFFFFF40] =	vst v29  }
0x18f: {  	v36 =	vor.u32 v13, v23;
	v27 =	vld.idx.msk [tilespmem:v40+s11+$0x0], $0xffff;
	[tilespmem:s30+$0xFFFFFE40] =	vst v28  }
0x190: {  	v46 =	vor.u32 v13, v16;
	v28 =	vld.idx.msk [tilespmem:v42+s11+$0x0], $0xffff;
	[tilespmem:s30+$0xFFFFFCD0] =	vst v26  }
0x191: {  	v47 =	vor.u32 v13, v18;
	v44 =	vld.idx.msk [tilespmem:v39+s11+$0x0], $0xffff;
	[tilespmem:s30+$0xFFFFFD50] =	vst v31  }
0x192: {  	v51 =	vor.u32 v13, v20;
	[tilespmem:s30+$0xFFFFFFD0] =	vst v34;
	v34 =	vld.idx.msk [tilespmem:v41+s11+$0x0], $0xffff  }
0x193: {  	v48 =	vor.u32 v13, v19;
	[tilespmem:s30+$0xFFFFFDD0] =	vst v24;
	v30 =	vld.idx.msk [tilespmem:v43+s11+$0x0], $0xffff  }
0x194: {  	v49 =	vor.u32 v13, v21;
	[tilespmem:s30+$0xFFFFFED0] =	vst v27;
	v32 =	vld.idx.msk [tilespmem:v36+s11+$0x0], $0xffff  }
0x195: {  	v50 =	vor.u32 v13, v22;
	v25 =	vld.idx.msk [tilespmem:v46+s11+$0x0], $0xffff;
	[tilespmem:s30+$0xFFFFFC50] =	vst v28  }
0x196: {  	v52 =	vor.u32 v14, v17;
	v26 =	vld.idx.msk [tilespmem:v47+s11+$0x0], $0xffff;
	[tilespmem:s30+$0xFFFFFE50] =	vst v44  }
0x197: {  	v53 =	vor.u32 v14, v16;
	v29 =	vld.idx.msk [tilespmem:v51+s11+$0x0], $0xffff;
	[tilespmem:s30+$0xFFFFFF50] =	vst v34  }
0x198: {  	v54 =	vor.u32 v14, v18;
	v31 =	vld.idx.msk [tilespmem:v48+s11+$0x0], $0xffff;
	[tilespmem:s30+$0xFFFFFCE0] =	vst v30  }
0x199: {  	v45 =	vor.u32 v14, v23;
	[tilespmem:s30+$0xFFFFFFE0] =	vst v32;
	v32 =	vld.idx.msk [tilespmem:v49+s11+$0x0], $0xffff  }
0x19a: {  	v59 =	vor.u32 v14, v20;
	[tilespmem:s30+$0xFFFFFD60] =	vst v25;
	v24 =	vld.idx.msk [tilespmem:v50+s11+$0x0], $0xffff  }
0x19b: {  	v55 =	vor.u32 v14, v19;
	[tilespmem:s30+$0xFFFFFDE0] =	vst v26;
	v57 =	vld.idx.msk [tilespmem:v52+s11+$0x0], $0xffff  }
0x19c: {  	v56 =	vor.u32 v14, v21;
	v28 =	vld.idx.msk [tilespmem:v53+s11+$0x0], $0xffff;
	[tilespmem:s30+$0xFFFFFC60] =	vst v29  }
0x19d: {  	v58 =	vor.u32 v14, v22;
	v30 =	vld.idx.msk [tilespmem:v54+s11+$0x0], $0xffff;
	[tilespmem:s30+$0xFFFFFE60] =	vst v31  }
0x19e: {  	v17 =	vor.u32 v15, v17;
	v33 =	vld.idx.msk [tilespmem:v45+s11+$0x0], $0xffff;
	[tilespmem:s30+$0xFFFFFEE0] =	vst v32  }
0x19f: {  	v16 =	vor.u32 v15, v16;
	v62 =	vld.idx.msk [tilespmem:v59+s11+$0x0], $0xffff;
	[tilespmem:s30+$0xFFFFFF60] =	vst v24  }
0x1a0: {  	v18 =	vor.u32 v15, v18;
	v60 =	vld.idx.msk [tilespmem:v55+s11+$0x0], $0xffff;
	[tilespmem:s30+$0xFFFFFCF0] =	vst v57  }
0x1a1: {  	v23 =	vor.u32 v15, v23;
	[tilespmem:s30+$0xFFFFFD70] =	vst v28;
	v25 =	vld.idx.msk [tilespmem:v56+s11+$0x0], $0xffff  }
0x1a2: {  	v19 =	vor.u32 v15, v19;
	[tilespmem:s30+$0xFFFFFDF0] =	vst v30;
	v61 =	vld.idx.msk [tilespmem:v58+s11+$0x0], $0xffff  }
0x1a3: {  	v63 =	vor.u32 v15, v20;
	[tilespmem:s30+$0xFFFFFFF0] =	vst v33;
	v17 =	vld.idx.msk [tilespmem:v17+s11+$0x0], $0xffff  }
0x1a4: {  	v21 =	vor.u32 v15, v21;
	v16 =	vld.idx.msk [tilespmem:v16+s11+$0x0], $0xffff;
	[tilespmem:s30+$0xFFFFFC70] =	vst v62  }
0x1a5: {  	v22 =	vor.u32 v15, v22;
	v18 =	vld.idx.msk [tilespmem:v18+s11+$0x0], $0xffff;
	[tilespmem:s30+$0xFFFFFE70] =	vst v60  }
0x1a6: {  	v23 =	vld.idx.msk [tilespmem:v23+s11+$0x0], $0xffff;
	[tilespmem:s30+$0xFFFFFEF0] =	vst v25  }
0x1a7: {  	v19 =	vld.idx.msk [tilespmem:v19+s11+$0x0], $0xffff;
	[tilespmem:s30+$0xFFFFFF70] =	vst v61  }
0x1a8: {  	[tilespmem:s30+$0xFFFFFD00] =	vst v17;
	v17 =	vld.idx.msk [tilespmem:v63+s11+$0x0], $0xffff  }
0x1a9: {  	[tilespmem:s30+$0xFFFFFD80] =	vst v16;
	v21 =	vld.idx.msk [tilespmem:v21+s11+$0x0], $0xffff  }
0x1aa: {  	[tilespmem:s30+$0xFFFFFE00] =	vst v18;
	v22 =	vld.idx.msk [tilespmem:v22+s11+$0x0], $0xffff  }
0x1ab: {  	p1 =	sne.s32 s24, $0x31;
	[tilespmem:s30+$0x0] =	vst v23  }
.Ltmp2:
0x1ac: {  	[tilespmem:s30+$0xFFFFFE80] =	vst v19;
	(pc) =	sbr.rel @p1 .LBB2_8-.Ltmp2, $4  }
0x1ad: {  	[tilespmem:s30+$0xFFFFFC80] =	vst v17  }
0x1ae: {  	[tilespmem:s30+$0xFFFFFF00] =	vst v21  }
0x1af: {  	s31 =	sadd.s32 s26, s7;
	[tilespmem:s30+$0xFFFFFF80] =	vst v22  }
0x1b0: {  	[hbm4b:s31+s14] =	stream.strided.scatter [tilespmem:s17], [sflag:$0x3], $0x2000, s15, s14, $0x38;
	[tilespmem:$0x1E400] =	vst v63  }
.Ltmp3:
0x1b1: {  	(pc) =	sbr.rel .LBB2_9-.Ltmp3, $4  }
0x1b2: {  	_ = 	snop  }
0x1b3: {  	_ =	swait.ge [sflag:s18], $0x8000  }
0x1b4: {  	[sflag:s18] =	ssyncset.done $0x0  }
0x1b5: {  	[sflag:s18] =	ssyncadd.s32 $0xFFFF8000  }
.LBB2_8:
0x1b6: {  	s1 =	sshll.u32 s24, $0x9  }
0x1b7: {  	s1 =	sand.u32 $0x3FFFFE00, s1  }
.Ltmp4:
0x1b8: {  	s1 =	sadd.s32 $0x200, s1;
	(pc) =	sbr.rel @p0 .LBB2_10-.Ltmp4, $4  }
0x1b9: {  	[tilespmem:s11], [sflag:$0x1] =	stream.indirect.gather [hbm4b:s4+s10], $0x80, s1, s10, $0xb8;
	[tilespmem:$0x1E400] =	vst v63  }
0x1ba: {  	_ =	swait.ge [sflag:s18], $0x8000  }
0x1bb: {  	[sflag:s18] =	ssyncset.done $0x0  }
0x1bc: {  	[sflag:s18] =	ssyncadd.s32 $0xFFFF8000  }
.LBB2_9:
0x1bd: {  	_ =	swait.ge [sflag:s19], $0x2000  }
0x1be: {  	[sflag:s19] =	ssyncset.done $0x0  }
0x1bf: {  	[sflag:s19] =	ssyncadd.s32 $0xFFFFE000  }
0x1c0: {  	_ =	swait.ge [sflag:s19], $0x2000  }
0x1c1: {  	[sflag:s19] =	ssyncset.done $0x0  }
0x1c2: {  	[sflag:s19] =	ssyncadd.s32 $0xFFFFE000  }
.LBB2_10:
0x1c3: {  	s1 =	simm.s32 $0x0;
	s31 =	simm.s32 $0x1;
	s26 =	simm.s32 $0x2  }
0x1c4: {  	s28 =	simm.s32 $0x7;
	v16 =	vmov s1;
	v18 =	vmov s31;
	v19 =	vmov s26;
	s26 =	simm.s32 $0x3  }
0x1c5: {  	s31 =	simm.s32 $0x4;
	v20 =	vmov s28;
	v16 =	vand.u32 $0x78, v16;
	v21 =	vmov s26  }
0x1c6: {  	v24 =	vmov s31;
	s31 =	simm.s32 $0x5;
	v20 =	vand.u32 $0x7F, v20;
	v16 =	vbroadcast v16, $0x0  }
0x1c7: {  	v18 =	vand.u32 $0x79, v18;
	v25 =	vmov s31;
	v20 =	vbroadcast v20, $0x0  }
0x1c8: {  	v23 =	vbroadcast v18, $0x0;
	v18 =	vand.u32 $0x7A, v19;
	v17 =	vor.u32 v0, v16  }
0x1c9: {  	v22 =	vbroadcast v18, $0x0;
	v18 =	vand.u32 $0x7B, v21;
	v27 =	vor.u32 v0, v20  }
0x1ca: {  	v28 =	vor.u32 v0, v23;
	v21 =	vbroadcast v18, $0x0;
	v18 =	vand.u32 $0x7C, v24  }
0x1cb: {  	s26 =	simm.s32 $0x6;
	v24 =	vor.u32 v0, v22;
	v19 =	vbroadcast v18, $0x0;
	v18 =	vand.u32 $0x7D, v25  }
0x1cc: {  	v26 =	vmov s26;
	v25 =	vor.u32 v0, v21;
	v18 =	vbroadcast v18, $0x0  }
0x1cd: {  	v26 =	vand.u32 $0x7E, v26;
	v30 =	vor.u32 v0, v19;
	v29 =	vld.idx.msk [tilespmem:v17+s12+$0x0], $0xffff  }
0x1ce: {  	v17 =	vbroadcast v26, $0x0;
	v26 =	vor.u32 v0, v18;
	v27 =	vld.idx.msk [tilespmem:v27+s12+$0x0], $0xffff  }
0x1cf: {  	v32 =	vor.u32 v1, v20;
	v28 =	vld.idx.msk [tilespmem:v28+s12+$0x0], $0xffff  }
0x1d0: {  	v33 =	vor.u32 v1, v23;
	v24 =	vld.idx.msk [tilespmem:v24+s12+$0x0], $0xffff  }
0x1d1: {  	v47 =	vor.u32 v1, v16;
	v25 =	vld.idx.msk [tilespmem:v25+s12+$0x0], $0xffff  }
0x1d2: {  	s26 =	simm.s32 $0x1A600;
	v31 =	vor.u32 v0, v17;
	v30 =	vld.idx.msk [tilespmem:v30+s12+$0x0], $0xffff  }
0x1d3: {  	v34 =	vor.u32 v1, v22;
	v26 =	vld.idx.msk [tilespmem:v26+s12+$0x0], $0xffff;
	[tilespmem:s26+$0x180] =	vst v27  }
0x1d4: {  	v35 =	vor.u32 v1, v21;
	[tilespmem:s26+$0xFFFFFE80] =	vst v28;
	v28 =	vld.idx.msk [tilespmem:v32+s12+$0x0], $0xffff  }
0x1d5: {  	v36 =	vor.u32 v1, v19;
	[tilespmem:s26+$0xFFFFFE00] =	vst v29;
	v45 =	vld.idx.msk [tilespmem:v33+s12+$0x0], $0xffff  }
0x1d6: {  	v27 =	vor.u32 v1, v18;
	[tilespmem:s26+$0xFFFFFF00] =	vst v24;
	v29 =	vld.idx.msk [tilespmem:v47+s12+$0x0], $0xffff  }
0x1d7: {  	v31 =	vld.idx.msk [tilespmem:v31+s12+$0x0], $0xffff;
	[tilespmem:s26+$0xFFFFFF80] =	vst v25;
	v25 =	vor.u32 v2, v20  }
0x1d8: {  	v51 =	vor.u32 v2, v16;
	v46 =	vld.idx.msk [tilespmem:v34+s12+$0x0], $0xffff;
	[tilespmem:s26+$0x0] =	vst v30  }
0x1d9: {  	v24 =	vor.u32 v1, v17;
	v35 =	vld.idx.msk [tilespmem:v35+s12+$0x0], $0xffff;
	[tilespmem:s26+$0x80] =	vst v26  }
0x1da: {  	v30 =	vor.u32 v2, v23;
	v36 =	vld.idx.msk [tilespmem:v36+s12+$0x0], $0xffff;
	[tilespmem:s26+$0x190] =	vst v28  }
0x1db: {  	v26 =	vor.u32 v2, v22;
	v27 =	vld.idx.msk [tilespmem:v27+s12+$0x0], $0xffff;
	[tilespmem:s26+$0xFFFFFE90] =	vst v45  }
0x1dc: {  	v28 =	vor.u32 v2, v19;
	[tilespmem:s26+$0xFFFFFE10] =	vst v29;
	v25 =	vld.idx.msk [tilespmem:v25+s12+$0x0], $0xffff  }
0x1dd: {  	[tilespmem:s26+$0x100] =	vst v31;
	v31 =	vor.u32 v2, v21;
	v54 =	vld.idx.msk [tilespmem:v51+s12+$0x0], $0xffff  }
0x1de: {  	v48 =	vor.u32 v2, v18;
	[tilespmem:s26+$0xFFFFFF10] =	vst v46;
	v24 =	vld.idx.msk [tilespmem:v24+s12+$0x0], $0xffff  }
0x1df: {  	v49 =	vor.u32 v3, v20;
	v30 =	vld.idx.msk [tilespmem:v30+s12+$0x0], $0xffff;
	[tilespmem:s26+$0xFFFFFF90] =	vst v35  }
0x1e0: {  	v56 =	vor.u32 v3, v16;
	[tilespmem:s26+$0x10] =	vst v36;
	v26 =	vld.idx.msk [tilespmem:v26+s12+$0x0], $0xffff  }
0x1e1: {  	v50 =	vor.u32 v2, v17;
	v28 =	vld.idx.msk [tilespmem:v28+s12+$0x0], $0xffff;
	[tilespmem:s26+$0x90] =	vst v27  }
0x1e2: {  	v52 =	vor.u32 v3, v23;
	v31 =	vld.idx.msk [tilespmem:v31+s12+$0x0], $0xffff;
	[tilespmem:s26+$0x1A0] =	vst v25  }
0x1e3: {  	v27 =	vor.u32 v3, v22;
	v32 =	vld.idx.msk [tilespmem:v48+s12+$0x0], $0xffff;
	[tilespmem:s26+$0xFFFFFE20] =	vst v54  }
0x1e4: {  	v29 =	vor.u32 v3, v19;
	[tilespmem:s26+$0x110] =	vst v24;
	v24 =	vld.idx.msk [tilespmem:v49+s12+$0x0], $0xffff  }
0x1e5: {  	v25 =	vor.u32 v3, v21;
	[tilespmem:s26+$0xFFFFFEA0] =	vst v30;
	v34 =	vld.idx.msk [tilespmem:v56+s12+$0x0], $0xffff  }
0x1e6: {  	v30 =	vor.u32 v4, v20;
	v53 =	vld.idx.msk [tilespmem:v50+s12+$0x0], $0xffff;
	[tilespmem:s26+$0xFFFFFF20] =	vst v26  }
0x1e7: {  	v60 =	vor.u32 v4, v16;
	v55 =	vld.idx.msk [tilespmem:v52+s12+$0x0], $0xffff;
	[tilespmem:s26+$0x20] =	vst v28  }
0x1e8: {  	v26 =	vor.u32 v3, v18;
	v27 =	vld.idx.msk [tilespmem:v27+s12+$0x0], $0xffff;
	[tilespmem:s26+$0xFFFFFFA0] =	vst v31  }
0x1e9: {  	v28 =	vor.u32 v4, v23;
	v29 =	vld.idx.msk [tilespmem:v29+s12+$0x0], $0xffff;
	[tilespmem:s26+$0xA0] =	vst v32  }
0x1ea: {  	v31 =	vor.u32 v3, v17;
	v25 =	vld.idx.msk [tilespmem:v25+s12+$0x0], $0xffff;
	[tilespmem:s26+$0x1B0] =	vst v24  }
0x1eb: {  	v24 =	vor.u32 v4, v22;
	[tilespmem:s26+$0xFFFFFE30] =	vst v34;
	v30 =	vld.idx.msk [tilespmem:v30+s12+$0x0], $0xffff  }
0x1ec: {  	v59 =	vor.u32 v4, v19;
	[tilespmem:s26+$0x120] =	vst v53;
	v34 =	vld.idx.msk [tilespmem:v60+s12+$0x0], $0xffff  }
0x1ed: {  	v58 =	vor.u32 v5, v20;
	[tilespmem:s26+$0xFFFFFEB0] =	vst v55;
	v26 =	vld.idx.msk [tilespmem:v26+s12+$0x0], $0xffff  }
0x1ee: {  	v28 =	vld.idx.msk [tilespmem:v28+s12+$0x0], $0xffff;
	[tilespmem:s26+$0xFFFFFF30] =	vst v27;
	v27 =	vor.u32 v4, v18  }
0x1ef: {  	v57 =	vor.u32 v4, v21;
	v31 =	vld.idx.msk [tilespmem:v31+s12+$0x0], $0xffff;
	[tilespmem:s26+$0x30] =	vst v29  }
0x1f0: {  	v24 =	vld.idx.msk [tilespmem:v24+s12+$0x0], $0xffff;
	[tilespmem:s26+$0xFFFFFFB0] =	vst v25;
	v25 =	vor.u32 v4, v17  }
0x1f1: {  	v35 =	vld.idx.msk [tilespmem:v59+s12+$0x0], $0xffff;
	[tilespmem:s26+$0x1C0] =	vst v30;
	v30 =	vor.u32 v5, v23  }
0x1f2: {  	v61 =	vor.u32 v5, v22;
	v29 =	vld.idx.msk [tilespmem:v58+s12+$0x0], $0xffff;
	[tilespmem:s26+$0xB0] =	vst v26  }
0x1f3: {  	v26 =	vld.idx.msk [tilespmem:v27+s12+$0x0], $0xffff;
	v27 =	vor.u32 v6, v20;
	[tilespmem:s26+$0xFFFFFEC0] =	vst v28  }
0x1f4: {  	v32 =	vld.idx.msk [tilespmem:v57+s12+$0x0], $0xffff;
	v28 =	vor.u32 v5, v19;
	[tilespmem:s26+$0x130] =	vst v31  }
0x1f5: {  	[tilespmem:s26+$0xFFFFFE40] =	vst v34;
	v31 =	vor.u32 v5, v21;
	v25 =	vld.idx.msk [tilespmem:v25+s12+$0x0], $0xffff  }
0x1f6: {  	[tilespmem:s26+$0xFFFFFF40] =	vst v24;
	v24 =	vor.u32 v5, v18;
	v30 =	vld.idx.msk [tilespmem:v30+s12+$0x0], $0xffff  }
0x1f7: {  	v62 =	vor.u32 v5, v17;
	v33 =	vld.idx.msk [tilespmem:v61+s12+$0x0], $0xffff;
	[tilespmem:s26+$0x1D0] =	vst v29  }
0x1f8: {  	[tilespmem:s26+$0x40] =	vst v35;
	v29 =	vor.u32 v5, v16;
	v27 =	vld.idx.msk [tilespmem:v27+s12+$0x0], $0xffff  }
0x1f9: {  	v63 =	vor.u32 v6, v23;
	[tilespmem:s26+$0xFFFFFFC0] =	vst v32;
	v35 =	vld.idx.msk [tilespmem:v28+s12+$0x0], $0xffff  }
0x1fa: {  	v20 =	vor.u32 v7, v20;
	[tilespmem:s26+$0xC0] =	vst v26;
	v31 =	vld.idx.msk [tilespmem:v31+s12+$0x0], $0xffff  }
0x1fb: {  	v26 =	vor.u32 v6, v22;
	v37 =	vld.idx.msk [tilespmem:v24+s12+$0x0], $0xffff;
	[tilespmem:s26+$0x140] =	vst v25  }
0x1fc: {  	s28 =	simm.s32 $0x8;
	v25 =	vor.u32 v6, v21;
	v38 =	vld.idx.msk [tilespmem:v62+s12+$0x0], $0xffff;
	[tilespmem:s26+$0xFFFFFED0] =	vst v30  }
0x1fd: {  	v28 =	vmov s28;
	v30 =	vor.u32 v6, v18;
	[tilespmem:s26+$0xFFFFFF50] =	vst v33;
	v39 =	vld.idx.msk [tilespmem:v29+s12+$0x0], $0xffff  }
0x1fe: {  	v29 =	vor.u32 v6, v19;
	v24 =	vld.idx.msk [tilespmem:v63+s12+$0x0], $0xffff;
	[tilespmem:s26+$0x1E0] =	vst v27;
	v27 =	vand.u32 $0x78, v28  }
0x1ff: {  	v40 =	vor.u32 v6, v17;
	[tilespmem:s26+$0x50] =	vst v35;
	v34 =	vld.idx.msk [tilespmem:v20+s12+$0x0], $0xffff;
	v20 =	vbroadcast v27, $0x0  }
0x200: {  	v36 =	vor.u32 v6, v16;
	v28 =	vld.idx.msk [tilespmem:v26+s12+$0x0], $0xffff;
	[tilespmem:s26+$0xFFFFFFD0] =	vst v31  }
0x201: {  	v25 =	vld.idx.msk [tilespmem:v25+s12+$0x0], $0xffff;
	[tilespmem:s26+$0xD0] =	vst v37;
	v35 =	vor.u32 v0, v20  }
0x202: {  	s29 =	simm.s32 $0xA;
	s31 =	simm.s32 $0x9;
	v31 =	vor.u32 v7, v23;
	v27 =	vld.idx.msk [tilespmem:v30+s12+$0x0], $0xffff  }
0x203: {  	v32 =	vmov s29;
	s29 =	simm.s32 $0xC;
	v22 =	vor.u32 v7, v22;
	v23 =	vmov s31;
	s31 =	simm.s32 $0xB;
	[tilespmem:s26+$0x150] =	vst v38;
	v26 =	vld.idx.msk [tilespmem:v29+s12+$0x0], $0xffff  }
0x204: {  	s30 =	simm.s32 $0xF;
	s1 =	simm.s32 $0xD;
	v21 =	vor.u32 v7, v21;
	v33 =	vmov s31;
	v29 =	vmov s29;
	s29 =	simm.s32 $0x10;
	[tilespmem:s26+$0xFFFFFE50] =	vst v39;
	v30 =	vld.idx.msk [tilespmem:v40+s12+$0x0], $0xffff  }
.LBB2_11:
0x205: {  	p0 =	slt.u32 s29, $0x38;
	v37 =	vmov s1;
	s1 =	sadd.s32 $0x6, s28;
	v38 =	vmov s30;
	v36 =	vld.idx.msk [tilespmem:v36+s12+$0x0], $0xffff;
	v19 =	vor.u32 v7, v19;
	[tilespmem:s26+$0x1F0] =	vst v34;
	s28 =	smov.u32 s29  }
0x206: {  	v18 =	vor.u32 v7, v18;
	v34 =	vld.idx.msk [tilespmem:v35+s12+$0x0], $0xffff;
	v35 =	vmov s1;
	v38 =	vand.u32 $0x7F, v38;
	[tilespmem:s26+$0xFFFFFEE0] =	vst v24  }
0x207: {  	v23 =	vand.u32 $0x79, v23;
	v17 =	vor.u32 v7, v17;
	v24 =	vbroadcast v38, $0x0;
	v31 =	vld.idx.msk [tilespmem:v31+s12+$0x0], $0xffff;
	[tilespmem:s26+$0xFFFFFF60] =	vst v28  }
0x208: {  	v23 =	vbroadcast v23, $0x0;
	v28 =	vand.u32 $0x7A, v32;
	v32 =	vor.u32 v7, v16;
	v16 =	vmovc v20;
	v38 =	vld.idx.msk [tilespmem:v22+s12+$0x0], $0xffff;
	[tilespmem:s26+$0xFFFFFFE0] =	vst v25  }
0x209: {  	v20 =	vand.u32 $0x7B, v33;
	v22 =	vbroadcast v28, $0x0;
	v25 =	vor.u32 v0, v24;
	v28 =	vld.idx.msk [tilespmem:v21+s12+$0x0], $0xffff;
	[tilespmem:s26+$0x60] =	vst v26  }
0x20a: {  	v26 =	vor.u32 v0, v23;
	v21 =	vbroadcast v20, $0x0;
	v20 =	vand.u32 $0x7C, v29;
	v29 =	vld.idx.msk [tilespmem:v19+s12+$0x0], $0xffff;
	[tilespmem:s26+$0xE0] =	vst v27  }
0x20b: {  	v27 =	vor.u32 v0, v22;
	v19 =	vbroadcast v20, $0x0;
	v20 =	vand.u32 $0x7D, v37;
	v33 =	vld.idx.msk [tilespmem:v18+s12+$0x0], $0xffff;
	[tilespmem:s26+$0x160] =	vst v30  }
0x20c: {  	v30 =	vor.u32 v0, v21;
	v18 =	vbroadcast v20, $0x0;
	v20 =	vand.u32 $0x7E, v35;
	[tilespmem:s26+$0xFFFFFE60] =	vst v36;
	v35 =	vld.idx.msk [tilespmem:v17+s12+$0x0], $0xffff  }
0x20d: {  	v36 =	vor.u32 v0, v19;
	v17 =	vbroadcast v20, $0x0;
	v20 =	vld.idx.msk [tilespmem:v32+s12+$0x0], $0xffff;
	[tilespmem:s26+$0xFFFFFEF0] =	vst v31  }
0x20e: {  	v31 =	vor.u32 v0, v18;
	v25 =	vld.idx.msk [tilespmem:v25+s12+$0x0], $0xffff;
	[tilespmem:s26+$0xFFFFFF70] =	vst v38  }
0x20f: {  	v32 =	vor.u32 v0, v17;
	v26 =	vld.idx.msk [tilespmem:v26+s12+$0x0], $0xffff;
	[tilespmem:s26+$0xFFFFFFF0] =	vst v28  }
0x210: {  	v28 =	vor.u32 v1, v24;
	v27 =	vld.idx.msk [tilespmem:v27+s12+$0x0], $0xffff;
	[tilespmem:s26+$0x70] =	vst v29  }
0x211: {  	v29 =	vor.u32 v1, v23;
	v30 =	vld.idx.msk [tilespmem:v30+s12+$0x0], $0xffff;
	[tilespmem:s26+$0xF0] =	vst v33  }
0x212: {  	v33 =	vor.u32 v1, v22;
	v36 =	vld.idx.msk [tilespmem:v36+s12+$0x0], $0xffff;
	[tilespmem:s26+$0x170] =	vst v35  }
0x213: {  	v35 =	vor.u32 v1, v21;
	v31 =	vld.idx.msk [tilespmem:v31+s12+$0x0], $0xffff;
	[tilespmem:s26+$0xFFFFFE70] =	vst v20;
	s26 =	sadd.s32 $0x400, s26  }
0x214: {  	v20 =	vor.u32 v1, v19;
	v32 =	vld.idx.msk [tilespmem:v32+s12+$0x0], $0xffff;
	[tilespmem:s26+$0x180] =	vst v25  }
0x215: {  	v25 =	vor.u32 v1, v18;
	[tilespmem:s26+$0xFFFFFE80] =	vst v26;
	v26 =	vld.idx.msk [tilespmem:v28+s12+$0x0], $0xffff  }
0x216: {  	v28 =	vld.idx.msk [tilespmem:v29+s12+$0x0], $0xffff;
	[tilespmem:s26+$0xFFFFFF00] =	vst v27;
	v27 =	vor.u32 v1, v17  }
0x217: {  	v29 =	vld.idx.msk [tilespmem:v33+s12+$0x0], $0xffff;
	[tilespmem:s26+$0xFFFFFF80] =	vst v30;
	v30 =	vor.u32 v2, v24  }
0x218: {  	v33 =	vor.u32 v1, v16;
	v35 =	vld.idx.msk [tilespmem:v35+s12+$0x0], $0xffff;
	[tilespmem:s26+$0x0] =	vst v36  }
0x219: {  	v36 =	vor.u32 v2, v23;
	v20 =	vld.idx.msk [tilespmem:v20+s12+$0x0], $0xffff;
	[tilespmem:s26+$0x80] =	vst v31  }
0x21a: {  	v31 =	vor.u32 v2, v22;
	v25 =	vld.idx.msk [tilespmem:v25+s12+$0x0], $0xffff;
	[tilespmem:s26+$0x100] =	vst v32  }
0x21b: {  	v32 =	vor.u32 v2, v21;
	v27 =	vld.idx.msk [tilespmem:v27+s12+$0x0], $0xffff;
	[tilespmem:s26+$0x190] =	vst v26  }
0x21c: {  	v26 =	vor.u32 v2, v19;
	[tilespmem:s26+$0xFFFFFE00] =	vst v34;
	v30 =	vld.idx.msk [tilespmem:v30+s12+$0x0], $0xffff  }
0x21d: {  	v33 =	vld.idx.msk [tilespmem:v33+s12+$0x0], $0xffff;
	[tilespmem:s26+$0xFFFFFE90] =	vst v28;
	v28 =	vor.u32 v2, v18  }
0x21e: {  	v34 =	vld.idx.msk [tilespmem:v36+s12+$0x0], $0xffff;
	[tilespmem:s26+$0xFFFFFF10] =	vst v29;
	v29 =	vor.u32 v3, v24  }
0x21f: {  	v31 =	vld.idx.msk [tilespmem:v31+s12+$0x0], $0xffff;
	[tilespmem:s26+$0xFFFFFF90] =	vst v35;
	v35 =	vor.u32 v2, v17  }
0x220: {  	v36 =	vor.u32 v2, v16;
	v32 =	vld.idx.msk [tilespmem:v32+s12+$0x0], $0xffff;
	[tilespmem:s26+$0x10] =	vst v20  }
0x221: {  	v20 =	vor.u32 v3, v23;
	v26 =	vld.idx.msk [tilespmem:v26+s12+$0x0], $0xffff;
	[tilespmem:s26+$0x90] =	vst v25  }
0x222: {  	v25 =	vor.u32 v3, v22;
	v28 =	vld.idx.msk [tilespmem:v28+s12+$0x0], $0xffff;
	[tilespmem:s26+$0x1A0] =	vst v30  }
0x223: {  	v30 =	vor.u32 v3, v21;
	[tilespmem:s26+$0x110] =	vst v27;
	v27 =	vld.idx.msk [tilespmem:v29+s12+$0x0], $0xffff  }
0x224: {  	v29 =	vor.u32 v3, v19;
	[tilespmem:s26+$0xFFFFFE10] =	vst v33;
	v33 =	vld.idx.msk [tilespmem:v35+s12+$0x0], $0xffff  }
0x225: {  	v35 =	vld.idx.msk [tilespmem:v36+s12+$0x0], $0xffff;
	[tilespmem:s26+$0xFFFFFEA0] =	vst v34;
	v34 =	vor.u32 v4, v24  }
0x226: {  	v20 =	vld.idx.msk [tilespmem:v20+s12+$0x0], $0xffff;
	[tilespmem:s26+$0xFFFFFF20] =	vst v31;
	v31 =	vor.u32 v3, v18  }
0x227: {  	v25 =	vld.idx.msk [tilespmem:v25+s12+$0x0], $0xffff;
	[tilespmem:s26+$0xFFFFFFA0] =	vst v32;
	v32 =	vor.u32 v3, v17  }
0x228: {  	v36 =	vor.u32 v3, v16;
	v30 =	vld.idx.msk [tilespmem:v30+s12+$0x0], $0xffff;
	[tilespmem:s26+$0x20] =	vst v26  }
0x229: {  	v26 =	vor.u32 v4, v23;
	v29 =	vld.idx.msk [tilespmem:v29+s12+$0x0], $0xffff;
	[tilespmem:s26+$0x1B0] =	vst v27  }
0x22a: {  	v27 =	vor.u32 v4, v22;
	[tilespmem:s26+$0xA0] =	vst v28;
	v28 =	vld.idx.msk [tilespmem:v34+s12+$0x0], $0xffff  }
0x22b: {  	v34 =	vor.u32 v4, v21;
	v31 =	vld.idx.msk [tilespmem:v31+s12+$0x0], $0xffff;
	[tilespmem:s26+$0x120] =	vst v33  }
0x22c: {  	v33 =	vor.u32 v5, v24;
	[tilespmem:s26+$0xFFFFFE20] =	vst v35;
	v32 =	vld.idx.msk [tilespmem:v32+s12+$0x0], $0xffff  }
0x22d: {  	v35 =	vld.idx.msk [tilespmem:v36+s12+$0x0], $0xffff;
	[tilespmem:s26+$0xFFFFFEB0] =	vst v20;
	v20 =	vor.u32 v4, v19  }
0x22e: {  	v26 =	vld.idx.msk [tilespmem:v26+s12+$0x0], $0xffff;
	[tilespmem:s26+$0xFFFFFF30] =	vst v25;
	v25 =	vor.u32 v4, v18  }
0x22f: {  	v27 =	vld.idx.msk [tilespmem:v27+s12+$0x0], $0xffff;
	[tilespmem:s26+$0xFFFFFFB0] =	vst v30;
	v30 =	vor.u32 v4, v17  }
0x230: {  	v36 =	vor.u32 v4, v16;
	v34 =	vld.idx.msk [tilespmem:v34+s12+$0x0], $0xffff;
	[tilespmem:s26+$0x1C0] =	vst v28  }
0x231: {  	v28 =	vor.u32 v5, v23;
	[tilespmem:s26+$0x30] =	vst v29;
	v29 =	vld.idx.msk [tilespmem:v33+s12+$0x0], $0xffff  }
0x232: {  	v33 =	vor.u32 v5, v22;
	v20 =	vld.idx.msk [tilespmem:v20+s12+$0x0], $0xffff;
	[tilespmem:s26+$0xB0] =	vst v31  }
0x233: {  	v31 =	vor.u32 v6, v24;
	v25 =	vld.idx.msk [tilespmem:v25+s12+$0x0], $0xffff;
	[tilespmem:s26+$0x130] =	vst v32  }
0x234: {  	v32 =	vor.u32 v5, v21;
	[tilespmem:s26+$0xFFFFFE30] =	vst v35;
	v30 =	vld.idx.msk [tilespmem:v30+s12+$0x0], $0xffff  }
0x235: {  	v35 =	vld.idx.msk [tilespmem:v36+s12+$0x0], $0xffff;
	[tilespmem:s26+$0xFFFFFEC0] =	vst v26;
	v26 =	vor.u32 v5, v19  }
0x236: {  	v28 =	vld.idx.msk [tilespmem:v28+s12+$0x0], $0xffff;
	[tilespmem:s26+$0xFFFFFF40] =	vst v27;
	v27 =	vor.u32 v5, v18  }
0x237: {  	v36 =	vor.u32 v5, v17;
	v33 =	vld.idx.msk [tilespmem:v33+s12+$0x0], $0xffff;
	[tilespmem:s26+$0x1D0] =	vst v29  }
0x238: {  	v29 =	vor.u32 v5, v16;
	[tilespmem:s26+$0xFFFFFFC0] =	vst v34;
	v31 =	vld.idx.msk [tilespmem:v31+s12+$0x0], $0xffff  }
0x239: {  	v34 =	vor.u32 v6, v23;
	v32 =	vld.idx.msk [tilespmem:v32+s12+$0x0], $0xffff;
	[tilespmem:s26+$0x40] =	vst v20  }
0x23a: {  	v26 =	vld.idx.msk [tilespmem:v26+s12+$0x0], $0xffff;
	[tilespmem:s26+$0xC0] =	vst v25;
	v25 =	vor.u32 v7, v24  }
0x23b: {  	v37 =	vor.u32 v6, v22;
	v27 =	vld.idx.msk [tilespmem:v27+s12+$0x0], $0xffff;
	[tilespmem:s26+$0x140] =	vst v30  }
0x23c: {  	v30 =	vor.u32 v6, v21;
	[tilespmem:s26+$0xFFFFFE40] =	vst v35;
	v38 =	vld.idx.msk [tilespmem:v36+s12+$0x0], $0xffff  }
0x23d: {  	v20 =	vmov s29;
	v39 =	vld.idx.msk [tilespmem:v29+s12+$0x0], $0xffff;
	[tilespmem:s26+$0xFFFFFED0] =	vst v28;
	v29 =	vor.u32 v6, v19  }
0x23e: {  	v40 =	vor.u32 v6, v18;
	v20 =	vand.u32 $0x78, v20;
	v24 =	vld.idx.msk [tilespmem:v34+s12+$0x0], $0xffff;
	[tilespmem:s26+$0x1E0] =	vst v31  }
0x23f: {  	v41 =	vor.u32 v6, v17;
	v20 =	vbroadcast v20, $0x0;
	[tilespmem:s26+$0xFFFFFF50] =	vst v33;
	v34 =	vld.idx.msk [tilespmem:v25+s12+$0x0], $0xffff  }
.Ltmp5:
0x240: {  	v36 =	vor.u32 v6, v16;
	v28 =	vld.idx.msk [tilespmem:v37+s12+$0x0], $0xffff;
	[tilespmem:s26+$0xFFFFFFD0] =	vst v32;
	(pc) =	sbr.rel @p0 .LBB2_11-.Ltmp5, $4  }
0x241: {  	v35 =	vor.u32 v0, v20;
	v25 =	vld.idx.msk [tilespmem:v30+s12+$0x0], $0xffff;
	[tilespmem:s26+$0x50] =	vst v26  }
0x242: {  	s30 =	sadd.s32 $0x2, s29;
	s1 =	sadd.s32 $0x1, s29;
	v31 =	vor.u32 v7, v23;
	v26 =	vld.idx.msk [tilespmem:v29+s12+$0x0], $0xffff;
	[tilespmem:s26+$0xD0] =	vst v27  }
0x243: {  	v22 =	vor.u32 v7, v22;
	v23 =	vmov s1;
	s1 =	sadd.s32 $0x3, s29;
	v32 =	vmov s30;
	s30 =	sadd.s32 $0x4, s29;
	v27 =	vld.idx.msk [tilespmem:v40+s12+$0x0], $0xffff;
	[tilespmem:s26+$0x150] =	vst v38  }
0x244: {  	v21 =	vor.u32 v7, v21;
	v33 =	vmov s1;
	s1 =	sadd.s32 $0x5, s28;
	s29 =	sadd.s32 $0x8, s29;
	v29 =	vmov s30;
	s30 =	sadd.s32 $0x7, s28;
	[tilespmem:s26+$0xFFFFFE50] =	vst v39;
	v30 =	vld.idx.msk [tilespmem:v41+s12+$0x0], $0xffff  }
0x245: {  	_ =	sdelay $0x2  }
0x246: {  	[tilespmem:s26+$0x1F0] =	vst v34  }
0x247: {  	s31 =	sadd.s32 $0x6, s28;
	v37 =	vmov s30;
	v36 =	vld.idx.msk [tilespmem:v36+s12+$0x0], $0xffff;
	v19 =	vor.u32 v7, v19;
	[tilespmem:s26+$0xFFFFFEE0] =	vst v24;
	v38 =	vor.u32 v7, v18  }
0x248: {  	v24 =	vld.idx.msk [tilespmem:v35+s12+$0x0], $0xffff;
	[tilespmem:s26+$0xFFFFFF60] =	vst v28;
	v18 =	vand.u32 $0x79, v23;
	v59 =	vmov s31;
	v37 =	vand.u32 $0x7F, v37  }
0x249: {  	v28 =	vld.idx.msk [tilespmem:v31+s12+$0x0], $0xffff;
	v31 =	vor.u32 v7, v17;
	[tilespmem:s26+$0xFFFFFFE0] =	vst v25;
	v17 =	vbroadcast v18, $0x0;
	v18 =	vand.u32 $0x7A, v32  }
0x24a: {  	v25 =	vor.u32 v7, v16;
	v60 =	vld.idx.msk [tilespmem:v22+s12+$0x0], $0xffff;
	v23 =	vbroadcast v37, $0x0;
	[tilespmem:s26+$0x60] =	vst v26;
	v16 =	vbroadcast v18, $0x0  }
0x24b: {  	v18 =	vand.u32 $0x7B, v33;
	v61 =	vld.idx.msk [tilespmem:v21+s12+$0x0], $0xffff;
	v21 =	vand.u32 $0x7C, v29;
	[tilespmem:s26+$0xE0] =	vst v27;
	v27 =	vor.u32 v0, v17  }
0x24c: {  	v22 =	vand.u32 $0x7E, v59;
	v18 =	vbroadcast v18, $0x0;
	v26 =	vor.u32 v0, v23;
	[tilespmem:s26+$0x160] =	vst v30;
	v29 =	vld.idx.msk [tilespmem:v19+s12+$0x0], $0xffff  }
0x24d: {  	v58 =	vmov s1;
	v22 =	vbroadcast v22, $0x0;
	v30 =	vor.u32 v0, v16;
	v62 =	vld.idx.msk [tilespmem:v38+s12+$0x0], $0xffff;
	[tilespmem:s26+$0xFFFFFE60] =	vst v36  }
0x24e: {  	v19 =	vbroadcast v21, $0x0;
	v21 =	vand.u32 $0x7D, v58;
	v63 =	vor.u32 v0, v18;
	v31 =	vld.idx.msk [tilespmem:v31+s12+$0x0], $0xffff;
	[tilespmem:s26+$0xFFFFFEF0] =	vst v28  }
0x24f: {  	v39 =	vor.u32 v0, v22;
	v21 =	vbroadcast v21, $0x0;
	v25 =	vld.idx.msk [tilespmem:v25+s12+$0x0], $0xffff;
	[tilespmem:s26+$0xFFFFFF70] =	vst v60  }
0x250: {  	v28 =	vor.u32 v0, v19;
	[tilespmem:s26+$0xFFFFFFF0] =	vst v61;
	v27 =	vld.idx.msk [tilespmem:v27+s12+$0x0], $0xffff  }
0x251: {  	v38 =	vor.u32 v0, v21;
	v26 =	vld.idx.msk [tilespmem:v26+s12+$0x0], $0xffff;
	[tilespmem:s26+$0x70] =	vst v29  }
0x252: {  	v29 =	vld.idx.msk [tilespmem:v30+s12+$0x0], $0xffff;
	v30 =	vor.u32 v1, v23;
	[tilespmem:s26+$0xF0] =	vst v62  }
0x253: {  	v40 =	vor.u32 v1, v17;
	v41 =	vld.idx.msk [tilespmem:v63+s12+$0x0], $0xffff;
	[tilespmem:s26+$0x170] =	vst v31  }
0x254: {  	v33 =	vld.idx.msk [tilespmem:v39+s12+$0x0], $0xffff;
	v31 =	vor.u32 v1, v16;
	[tilespmem:s26+$0xFFFFFE70] =	vst v25;
	s26 =	sadd.s32 $0x400, s26  }
0x255: {  	v25 =	vor.u32 v1, v18;
	v28 =	vld.idx.msk [tilespmem:v28+s12+$0x0], $0xffff;
	[tilespmem:s26+$0xFFFFFE00] =	vst v24  }
0x256: {  	v42 =	vor.u32 v1, v22;
	v32 =	vld.idx.msk [tilespmem:v38+s12+$0x0], $0xffff;
	[tilespmem:s26+$0x180] =	vst v26  }
0x257: {  	[tilespmem:s26+$0xFFFFFE80] =	vst v27;
	v26 =	vor.u32 v1, v19;
	v30 =	vld.idx.msk [tilespmem:v30+s12+$0x0], $0xffff  }
0x258: {  	v27 =	vor.u32 v1, v21;
	[tilespmem:s26+$0xFFFFFF00] =	vst v29;
	v29 =	vld.idx.msk [tilespmem:v40+s12+$0x0], $0xffff  }
0x259: {  	v43 =	vor.u32 v2, v23;
	[tilespmem:s26+$0xFFFFFF80] =	vst v41;
	v31 =	vld.idx.msk [tilespmem:v31+s12+$0x0], $0xffff  }
0x25a: {  	v44 =	vor.u32 v2, v17;
	[tilespmem:s26+$0x100] =	vst v33;
	v25 =	vld.idx.msk [tilespmem:v25+s12+$0x0], $0xffff  }
0x25b: {  	v34 =	vld.idx.msk [tilespmem:v42+s12+$0x0], $0xffff;
	[tilespmem:s26+$0x0] =	vst v28;
	v28 =	vor.u32 v1, v20  }
0x25c: {  	v45 =	vor.u32 v2, v16;
	[tilespmem:s26+$0x80] =	vst v32;
	v26 =	vld.idx.msk [tilespmem:v26+s12+$0x0], $0xffff  }
0x25d: {  	v47 =	vor.u32 v2, v22;
	v27 =	vld.idx.msk [tilespmem:v27+s12+$0x0], $0xffff;
	[tilespmem:s26+$0x190] =	vst v30  }
0x25e: {  	v30 =	vor.u32 v2, v18;
	[tilespmem:s26+$0xFFFFFE90] =	vst v29;
	v35 =	vld.idx.msk [tilespmem:v43+s12+$0x0], $0xffff  }
0x25f: {  	v24 =	vor.u32 v2, v19;
	[tilespmem:s26+$0xFFFFFF10] =	vst v31;
	v31 =	vld.idx.msk [tilespmem:v44+s12+$0x0], $0xffff  }
0x260: {  	v29 =	vor.u32 v2, v21;
	[tilespmem:s26+$0xFFFFFF90] =	vst v25;
	v28 =	vld.idx.msk [tilespmem:v28+s12+$0x0], $0xffff  }
0x261: {  	v46 =	vor.u32 v3, v23;
	[tilespmem:s26+$0x110] =	vst v34;
	v25 =	vld.idx.msk [tilespmem:v45+s12+$0x0], $0xffff  }
0x262: {  	v33 =	vld.idx.msk [tilespmem:v47+s12+$0x0], $0xffff;
	[tilespmem:s26+$0x10] =	vst v26;
	v26 =	vor.u32 v2, v20  }
0x263: {  	[tilespmem:s26+$0x90] =	vst v27;
	v27 =	vor.u32 v3, v17;
	v30 =	vld.idx.msk [tilespmem:v30+s12+$0x0], $0xffff  }
0x264: {  	v48 =	vor.u32 v3, v16;
	v24 =	vld.idx.msk [tilespmem:v24+s12+$0x0], $0xffff;
	[tilespmem:s26+$0x1A0] =	vst v35  }
0x265: {  	v49 =	vor.u32 v3, v18;
	v29 =	vld.idx.msk [tilespmem:v29+s12+$0x0], $0xffff;
	[tilespmem:s26+$0xFFFFFEA0] =	vst v31  }
0x266: {  	v32 =	vld.idx.msk [tilespmem:v46+s12+$0x0], $0xffff;
	[tilespmem:s26+$0xFFFFFE10] =	vst v28;
	v28 =	vor.u32 v3, v19  }
0x267: {  	v31 =	vor.u32 v4, v23;
	[tilespmem:s26+$0xFFFFFF20] =	vst v25;
	v26 =	vld.idx.msk [tilespmem:v26+s12+$0x0], $0xffff  }
0x268: {  	[tilespmem:s26+$0x120] =	vst v33;
	v25 =	vld.idx.msk [tilespmem:v27+s12+$0x0], $0xffff;
	v27 =	vor.u32 v3, v21  }
0x269: {  	v50 =	vor.u32 v3, v22;
	[tilespmem:s26+$0xFFFFFFA0] =	vst v30;
	v30 =	vld.idx.msk [tilespmem:v48+s12+$0x0], $0xffff  }
0x26a: {  	[tilespmem:s26+$0x20] =	vst v24;
	v24 =	vor.u32 v3, v20;
	v34 =	vld.idx.msk [tilespmem:v49+s12+$0x0], $0xffff  }
0x26b: {  	v51 =	vor.u32 v4, v17;
	[tilespmem:s26+$0x1B0] =	vst v32;
	v28 =	vld.idx.msk [tilespmem:v28+s12+$0x0], $0xffff  }
0x26c: {  	[tilespmem:s26+$0xA0] =	vst v29;
	v29 =	vor.u32 v4, v16;
	v31 =	vld.idx.msk [tilespmem:v31+s12+$0x0], $0xffff  }
0x26d: {  	v52 =	vor.u32 v4, v18;
	v27 =	vld.idx.msk [tilespmem:v27+s12+$0x0], $0xffff;
	[tilespmem:s26+$0xFFFFFE20] =	vst v26  }
0x26e: {  	v53 =	vor.u32 v5, v23;
	v26 =	vld.idx.msk [tilespmem:v50+s12+$0x0], $0xffff;
	[tilespmem:s26+$0xFFFFFEB0] =	vst v25  }
0x26f: {  	v25 =	vor.u32 v4, v19;
	v24 =	vld.idx.msk [tilespmem:v24+s12+$0x0], $0xffff;
	[tilespmem:s26+$0xFFFFFF30] =	vst v30  }
0x270: {  	v54 =	vor.u32 v4, v21;
	v30 =	vld.idx.msk [tilespmem:v51+s12+$0x0], $0xffff;
	[tilespmem:s26+$0xFFFFFFB0] =	vst v34  }
0x271: {  	v55 =	vor.u32 v4, v22;
	v29 =	vld.idx.msk [tilespmem:v29+s12+$0x0], $0xffff;
	[tilespmem:s26+$0x30] =	vst v28  }
0x272: {  	v33 =	vld.idx.msk [tilespmem:v52+s12+$0x0], $0xffff;
	v28 =	vor.u32 v5, v17;
	[tilespmem:s26+$0x1C0] =	vst v31  }
0x273: {  	v31 =	vor.u32 v4, v20;
	v35 =	vld.idx.msk [tilespmem:v53+s12+$0x0], $0xffff;
	[tilespmem:s26+$0xB0] =	vst v27  }
0x274: {  	v27 =	vor.u32 v5, v16;
	v25 =	vld.idx.msk [tilespmem:v25+s12+$0x0], $0xffff;
	[tilespmem:s26+$0x130] =	vst v26  }
0x275: {  	v56 =	vor.u32 v6, v23;
	v26 =	vld.idx.msk [tilespmem:v54+s12+$0x0], $0xffff;
	[tilespmem:s26+$0xFFFFFE30] =	vst v24  }
0x276: {  	v24 =	vor.u32 v5, v18;
	v34 =	vld.idx.msk [tilespmem:v55+s12+$0x0], $0xffff;
	[tilespmem:s26+$0xFFFFFEC0] =	vst v30  }
0x277: {  	[tilespmem:s26+$0xFFFFFF40] =	vst v29;
	v29 =	vor.u32 v5, v21;
	v28 =	vld.idx.msk [tilespmem:v28+s12+$0x0], $0xffff  }
0x278: {  	v57 =	vor.u32 v5, v22;
	[tilespmem:s26+$0xFFFFFFC0] =	vst v33;
	v30 =	vld.idx.msk [tilespmem:v31+s12+$0x0], $0xffff  }
0x279: {  	v31 =	vor.u32 v5, v19;
	[tilespmem:s26+$0x1D0] =	vst v35;
	v27 =	vld.idx.msk [tilespmem:v27+s12+$0x0], $0xffff  }
0x27a: {  	[tilespmem:s26+$0x40] =	vst v25;
	v32 =	vld.idx.msk [tilespmem:v56+s12+$0x0], $0xffff  }
0x27b: {  	v58 =	vor.u32 v5, v20;
	v24 =	vld.idx.msk [tilespmem:v24+s12+$0x0], $0xffff;
	[tilespmem:s26+$0xC0] =	vst v26  }
0x27c: {  	v25 =	vor.u32 v6, v17;
	[tilespmem:s26+$0x140] =	vst v34;
	v29 =	vld.idx.msk [tilespmem:v29+s12+$0x0], $0xffff  }
0x27d: {  	v23 =	vor.u32 v7, v23;
	v34 =	vld.idx.msk [tilespmem:v57+s12+$0x0], $0xffff;
	[tilespmem:s26+$0xFFFFFED0] =	vst v28  }
0x27e: {  	v26 =	vld.idx.msk [tilespmem:v31+s12+$0x0], $0xffff;
	v31 =	vor.u32 v6, v16;
	[tilespmem:s26+$0xFFFFFE40] =	vst v30  }
0x27f: {  	v30 =	vor.u32 v6, v18;
	[tilespmem:s26+$0xFFFFFF50] =	vst v27  }
0x280: {  	v60 =	vor.u32 v6, v21;
	v28 =	vld.idx.msk [tilespmem:v58+s12+$0x0], $0xffff;
	[tilespmem:s26+$0x1E0] =	vst v32  }
0x281: {  	v59 =	vor.u32 v6, v19;
	v25 =	vld.idx.msk [tilespmem:v25+s12+$0x0], $0xffff;
	[tilespmem:s26+$0xFFFFFFD0] =	vst v24  }
0x282: {  	v27 =	vor.u32 v6, v22;
	v23 =	vld.idx.msk [tilespmem:v23+s12+$0x0], $0xffff;
	[tilespmem:s26+$0xD0] =	vst v29  }
0x283: {  	v17 =	vor.u32 v7, v17;
	[tilespmem:s26+$0x150] =	vst v34;
	v31 =	vld.idx.msk [tilespmem:v31+s12+$0x0], $0xffff  }
0x284: {  	v24 =	vor.u32 v6, v20;
	[tilespmem:s26+$0x50] =	vst v26;
	v26 =	vld.idx.msk [tilespmem:v30+s12+$0x0], $0xffff  }
0x285: {  	v16 =	vor.u32 v7, v16;
	v30 =	vld.idx.msk [tilespmem:v60+s12+$0x0], $0xffff;
	[tilespmem:s26+$0xFFFFFE50] =	vst v28  }
0x286: {  	v18 =	vor.u32 v7, v18;
	v29 =	vld.idx.msk [tilespmem:v59+s12+$0x0], $0xffff;
	[tilespmem:s26+$0xFFFFFEE0] =	vst v25  }
0x287: {  	v21 =	vor.u32 v7, v21;
	v27 =	vld.idx.msk [tilespmem:v27+s12+$0x0], $0xffff;
	[tilespmem:s26+$0x1F0] =	vst v23  }
0x288: {  	v22 =	vor.u32 v7, v22;
	v17 =	vld.idx.msk [tilespmem:v17+s12+$0x0], $0xffff;
	[tilespmem:s26+$0xFFFFFF60] =	vst v31  }
0x289: {  	v19 =	vor.u32 v7, v19;
	v23 =	vld.idx.msk [tilespmem:v24+s12+$0x0], $0xffff;
	[tilespmem:s26+$0xFFFFFFE0] =	vst v26  }
0x28a: {  	v20 =	vor.u32 v7, v20;
	[tilespmem:s26+$0xE0] =	vst v30;
	v24 =	vld.idx.msk [tilespmem:v16+s12+$0x0], $0xffff  }
0x28b: {  	s31 =	simm.s32 $0x0;
	v18 =	vld.idx.msk [tilespmem:v18+s12+$0x0], $0xffff;
	[tilespmem:s26+$0x60] =	vst v29  }
0x28c: {  	s28 =	simm.s32 $0x2;
	v16 =	vmov s31;
	v21 =	vld.idx.msk [tilespmem:v21+s12+$0x0], $0xffff;
	[tilespmem:s26+$0x160] =	vst v27;
	s31 =	simm.s32 $0x1  }
0x28d: {  	s29 =	simm.s32 $0x7;
	v16 =	vand.u32 $0x78, v16;
	v25 =	vld.idx.msk [tilespmem:v22+s12+$0x0], $0xffff;
	[tilespmem:s26+$0xFFFFFEF0] =	vst v17;
	v17 =	vmov s31;
	v22 =	vmov s28  }
0x28e: {  	v19 =	vld.idx.msk [tilespmem:v19+s12+$0x0], $0xffff;
	s28 =	simm.s32 $0x4;
	v16 =	vbroadcast v16, $0x0;
	[tilespmem:s26+$0xFFFFFE60] =	vst v23;
	v23 =	vmov s29;
	v17 =	vand.u32 $0x79, v17  }
0x28f: {  	s31 =	simm.s32 $0x3;
	v28 =	vmov s28;
	v27 =	vld.idx.msk [tilespmem:v20+s12+$0x0], $0xffff;
	v20 =	vand.u32 $0x7F, v23;
	v23 =	vbroadcast v17, $0x0;
	[tilespmem:s26+$0xFFFFFF70] =	vst v24  }
0x290: {  	v17 =	vand.u32 $0x7A, v22;
	v20 =	vbroadcast v20, $0x0;
	v24 =	vmov s31;
	s31 =	simm.s32 $0x5;
	[tilespmem:s26+$0xFFFFFFF0] =	vst v18  }
0x291: {  	s25 =	sshll.u32 s25, $0x13;
	v26 =	vor.u32 v8, v16;
	v22 =	vbroadcast v17, $0x0;
	[tilespmem:s26+$0xF0] =	vst v21;
	v18 =	vmov s31  }
0x292: {  	s25 =	sor.u32 s6, s25;
	s31 =	simm.s32 $0x6;
	v17 =	vand.u32 $0x7B, v24;
	v24 =	vor.u32 v8, v20;
	[tilespmem:s26+$0x170] =	vst v25;
	v25 =	vor.u32 v8, v23  }
0x293: {  	s25 =	sshrl.u32 s25, $0x3;
	[tilespmem:s26+$0x70] =	vst v19;
	v29 =	vmov s31;
	v21 =	vbroadcast v17, $0x0;
	v17 =	vand.u32 $0x7C, v28  }
0x294: {  	s1 =	sadd.s32 s2, s25;
	[tilespmem:s26+$0xFFFFFE70] =	vst v27;
	v27 =	vor.u32 v8, v22;
	v19 =	vbroadcast v17, $0x0;
	v17 =	vand.u32 $0x7D, v18  }
0x295: {  	[hbm4b:s1+s14] =	stream.strided.scatter [tilespmem:s20], [sflag:$0x4], $0x2000, s15, s14, $0x38;
	v28 =	vor.u32 v8, v21;
	v18 =	vbroadcast v17, $0x0;
	v17 =	vand.u32 $0x7E, v29;
	[tilespmem:$0x1E400] =	vst v63  }
0x296: {  	v26 =	vld.idx.msk [tilespmem:v26+s12+$0x0], $0xffff;
	v29 =	vor.u32 v8, v19;
	v17 =	vbroadcast v17, $0x0  }
0x297: {  	v30 =	vor.u32 v8, v18;
	v24 =	vld.idx.msk [tilespmem:v24+s12+$0x0], $0xffff  }
0x298: {  	v25 =	vld.idx.msk [tilespmem:v25+s12+$0x0], $0xffff;
	v31 =	vor.u32 v8, v17  }
0x299: {  	v61 =	vor.u32 v9, v20;
	v27 =	vld.idx.msk [tilespmem:v27+s12+$0x0], $0xffff  }
0x29a: {  	v62 =	vor.u32 v9, v23;
	v28 =	vld.idx.msk [tilespmem:v28+s12+$0x0], $0xffff  }
0x29b: {  	v63 =	vor.u32 v9, v22;
	s26 =	simm.s32 $0x1C7F0;
	v29 =	vld.idx.msk [tilespmem:v29+s12+$0x0], $0xffff  }
0x29c: {  	v40 =	vor.u32 v9, v21;
	[tilespmem:s26+$0xFFFFFC10] =	vst v26;
	v30 =	vld.idx.msk [tilespmem:v30+s12+$0x0], $0xffff  }
0x29d: {  	v41 =	vor.u32 v9, v19;
	[tilespmem:s26+$0xFFFFFF90] =	vst v24;
	v31 =	vld.idx.msk [tilespmem:v31+s12+$0x0], $0xffff  }
0x29e: {  	[tilespmem:s26+$0xFFFFFC90] =	vst v25;
	v24 =	vor.u32 v9, v18;
	v25 =	vld.idx.msk [tilespmem:v61+s12+$0x0], $0xffff  }
0x29f: {  	v42 =	vld.idx.msk [tilespmem:v62+s12+$0x0], $0xffff;
	[tilespmem:s26+$0xFFFFFD10] =	vst v27;
	v27 =	vor.u32 v9, v17  }
0x2a0: {  	v43 =	vld.idx.msk [tilespmem:v63+s12+$0x0], $0xffff;
	[tilespmem:s26+$0xFFFFFD90] =	vst v28;
	v28 =	vor.u32 v10, v20  }
0x2a1: {  	v44 =	vor.u32 v9, v16;
	v35 =	vld.idx.msk [tilespmem:v40+s12+$0x0], $0xffff;
	[tilespmem:s26+$0xFFFFFE10] =	vst v29  }
0x2a2: {  	v29 =	vor.u32 v10, v23;
	v36 =	vld.idx.msk [tilespmem:v41+s12+$0x0], $0xffff;
	[tilespmem:s26+$0xFFFFFE90] =	vst v30  }
0x2a3: {  	v30 =	vor.u32 v10, v22;
	v24 =	vld.idx.msk [tilespmem:v24+s12+$0x0], $0xffff;
	[tilespmem:s26+$0xFFFFFF10] =	vst v31  }
0x2a4: {  	v31 =	vor.u32 v10, v21;
	[tilespmem:s26+$0xFFFFFFA0] =	vst v25;
	v27 =	vld.idx.msk [tilespmem:v27+s12+$0x0], $0xffff  }
0x2a5: {  	v25 =	vor.u32 v10, v19;
	[tilespmem:s26+$0xFFFFFCA0] =	vst v42;
	v26 =	vld.idx.msk [tilespmem:v28+s12+$0x0], $0xffff  }
0x2a6: {  	v45 =	vor.u32 v10, v18;
	v28 =	vld.idx.msk [tilespmem:v44+s12+$0x0], $0xffff;
	[tilespmem:s26+$0xFFFFFD20] =	vst v43  }
0x2a7: {  	v47 =	vor.u32 v10, v17;
	v29 =	vld.idx.msk [tilespmem:v29+s12+$0x0], $0xffff;
	[tilespmem:s26+$0xFFFFFDA0] =	vst v35  }
0x2a8: {  	v46 =	vor.u32 v11, v20;
	v30 =	vld.idx.msk [tilespmem:v30+s12+$0x0], $0xffff;
	[tilespmem:s26+$0xFFFFFE20] =	vst v36  }
0x2a9: {  	v48 =	vor.u32 v10, v16;
	v31 =	vld.idx.msk [tilespmem:v31+s12+$0x0], $0xffff;
	[tilespmem:s26+$0xFFFFFEA0] =	vst v24  }
0x2aa: {  	v49 =	vor.u32 v11, v23;
	v25 =	vld.idx.msk [tilespmem:v25+s12+$0x0], $0xffff;
	[tilespmem:s26+$0xFFFFFF20] =	vst v27  }
0x2ab: {  	v24 =	vor.u32 v11, v22;
	v32 =	vld.idx.msk [tilespmem:v45+s12+$0x0], $0xffff;
	[tilespmem:s26+$0xFFFFFFB0] =	vst v26  }
0x2ac: {  	v26 =	vor.u32 v11, v21;
	[tilespmem:s26+$0xFFFFFC20] =	vst v28;
	v50 =	vld.idx.msk [tilespmem:v47+s12+$0x0], $0xffff  }
0x2ad: {  	v28 =	vor.u32 v11, v19;
	v27 =	vld.idx.msk [tilespmem:v46+s12+$0x0], $0xffff;
	[tilespmem:s26+$0xFFFFFCB0] =	vst v29  }
0x2ae: {  	v51 =	vld.idx.msk [tilespmem:v48+s12+$0x0], $0xffff;
	v29 =	vor.u32 v12, v20;
	[tilespmem:s26+$0xFFFFFD30] =	vst v30  }
0x2af: {  	v52 =	vld.idx.msk [tilespmem:v49+s12+$0x0], $0xffff;
	v30 =	vor.u32 v11, v18;
	[tilespmem:s26+$0xFFFFFDB0] =	vst v31  }
0x2b0: {  	v53 =	vor.u32 v11, v16;
	v24 =	vld.idx.msk [tilespmem:v24+s12+$0x0], $0xffff;
	[tilespmem:s26+$0xFFFFFE30] =	vst v25  }
0x2b1: {  	v31 =	vor.u32 v11, v17;
	[tilespmem:s26+$0xFFFFFEB0] =	vst v32;
	v26 =	vld.idx.msk [tilespmem:v26+s12+$0x0], $0xffff  }
0x2b2: {  	v25 =	vor.u32 v12, v23;
	v28 =	vld.idx.msk [tilespmem:v28+s12+$0x0], $0xffff;
	[tilespmem:s26+$0xFFFFFFC0] =	vst v27  }
0x2b3: {  	[tilespmem:s26+$0xFFFFFF30] =	vst v50;
	v27 =	vor.u32 v12, v22;
	v29 =	vld.idx.msk [tilespmem:v29+s12+$0x0], $0xffff  }
0x2b4: {  	v54 =	vor.u32 v12, v21;
	[tilespmem:s26+$0xFFFFFC30] =	vst v51;
	v30 =	vld.idx.msk [tilespmem:v30+s12+$0x0], $0xffff  }
0x2b5: {  	v56 =	vor.u32 v12, v19;
	v34 =	vld.idx.msk [tilespmem:v53+s12+$0x0], $0xffff;
	[tilespmem:s26+$0xFFFFFCC0] =	vst v52  }
0x2b6: {  	v55 =	vor.u32 v13, v20;
	v31 =	vld.idx.msk [tilespmem:v31+s12+$0x0], $0xffff;
	[tilespmem:s26+$0xFFFFFD40] =	vst v24  }
0x2b7: {  	v25 =	vld.idx.msk [tilespmem:v25+s12+$0x0], $0xffff;
	v24 =	vor.u32 v12, v18;
	[tilespmem:s26+$0xFFFFFDC0] =	vst v26  }
0x2b8: {  	v57 =	vor.u32 v12, v16;
	[tilespmem:s26+$0xFFFFFE40] =	vst v28;
	v27 =	vld.idx.msk [tilespmem:v27+s12+$0x0], $0xffff  }
0x2b9: {  	v26 =	vor.u32 v12, v17;
	v32 =	vld.idx.msk [tilespmem:v54+s12+$0x0], $0xffff;
	[tilespmem:s26+$0xFFFFFFD0] =	vst v29  }
0x2ba: {  	v35 =	vld.idx.msk [tilespmem:v56+s12+$0x0], $0xffff;
	v29 =	vor.u32 v13, v23;
	[tilespmem:s26+$0xFFFFFEC0] =	vst v30  }
0x2bb: {  	v58 =	vor.u32 v13, v22;
	[tilespmem:s26+$0xFFFFFC40] =	vst v34;
	v28 =	vld.idx.msk [tilespmem:v55+s12+$0x0], $0xffff  }
0x2bc: {  	v24 =	vld.idx.msk [tilespmem:v24+s12+$0x0], $0xffff;
	[tilespmem:s26+$0xFFFFFF40] =	vst v31;
	v31 =	vor.u32 v13, v21  }
0x2bd: {  	v30 =	vor.u32 v14, v20;
	v34 =	vld.idx.msk [tilespmem:v57+s12+$0x0], $0xffff  }
0x2be: {  	[tilespmem:s26+$0xFFFFFCD0] =	vst v25;
	v25 =	vor.u32 v13, v19;
	v26 =	vld.idx.msk [tilespmem:v26+s12+$0x0], $0xffff  }
0x2bf: {  	[tilespmem:s26+$0xFFFFFD50] =	vst v27;
	v27 =	vor.u32 v13, v18;
	v29 =	vld.idx.msk [tilespmem:v29+s12+$0x0], $0xffff  }
0x2c0: {  	v59 =	vor.u32 v13, v17;
	[tilespmem:s26+$0xFFFFFDD0] =	vst v32;
	v33 =	vld.idx.msk [tilespmem:v58+s12+$0x0], $0xffff  }
0x2c1: {  	[tilespmem:s26+$0xFFFFFFE0] =	vst v28;
	v28 =	vor.u32 v13, v16;
	v31 =	vld.idx.msk [tilespmem:v31+s12+$0x0], $0xffff  }
0x2c2: {  	v60 =	vor.u32 v14, v23;
	[tilespmem:s26+$0xFFFFFE50] =	vst v35;
	v30 =	vld.idx.msk [tilespmem:v30+s12+$0x0], $0xffff  }
0x2c3: {  	v20 =	vor.u32 v15, v20;
	v61 =	vld.idx.msk [tilespmem:v25+s12+$0x0], $0xffff;
	[tilespmem:s26+$0xFFFFFED0] =	vst v24  }
0x2c4: {  	v24 =	vor.u32 v14, v22;
	[tilespmem:s26+$0xFFFFFF50] =	vst v26;
	v62 =	vld.idx.msk [tilespmem:v27+s12+$0x0], $0xffff  }
0x2c5: {  	s28 =	simm.s32 $0x8;
	[tilespmem:s26+$0xFFFFFC50] =	vst v34;
	v26 =	vor.u32 v14, v21;
	v63 =	vld.idx.msk [tilespmem:v59+s12+$0x0], $0xffff  }
0x2c6: {  	v27 =	vor.u32 v14, v19;
	[tilespmem:s26+$0xFFFFFCE0] =	vst v29;
	v39 =	vld.idx.msk [tilespmem:v28+s12+$0x0], $0xffff;
	v28 =	vmov s28  }
0x2c7: {  	v40 =	vor.u32 v14, v18;
	v25 =	vld.idx.msk [tilespmem:v60+s12+$0x0], $0xffff;
	[tilespmem:s26+$0xFFFFFFF0] =	vst v30;
	v28 =	vand.u32 $0x78, v28  }
0x2c8: {  	v41 =	vor.u32 v14, v17;
	[tilespmem:s26+$0xFFFFFD60] =	vst v33;
	v35 =	vld.idx.msk [tilespmem:v20+s12+$0x0], $0xffff;
	v20 =	vbroadcast v28, $0x0  }
0x2c9: {  	v36 =	vor.u32 v14, v16;
	v29 =	vld.idx.msk [tilespmem:v24+s12+$0x0], $0xffff;
	[tilespmem:s26+$0xFFFFFDE0] =	vst v31  }
0x2ca: {  	[tilespmem:s26+$0xFFFFFE60] =	vst v61;
	v26 =	vld.idx.msk [tilespmem:v26+s12+$0x0], $0xffff;
	v24 =	vor.u32 v8, v20  }
0x2cb: {  	s29 =	simm.s32 $0xA;
	s31 =	simm.s32 $0x9;
	v32 =	vor.u32 v15, v23;
	v27 =	vld.idx.msk [tilespmem:v27+s12+$0x0], $0xffff;
	[tilespmem:s26+$0xFFFFFEE0] =	vst v62  }
0x2cc: {  	v23 =	vmov s31;
	s31 =	simm.s32 $0xB;
	v22 =	vor.u32 v15, v22;
	v33 =	vmov s29;
	s29 =	simm.s32 $0xC;
	[tilespmem:s26+$0xFFFFFF60] =	vst v63;
	v28 =	vld.idx.msk [tilespmem:v40+s12+$0x0], $0xffff  }
0x2cd: {  	s30 =	simm.s32 $0xF;
	s1 =	simm.s32 $0xD;
	v34 =	vmov s31;
	v21 =	vor.u32 v15, v21;
	v30 =	vmov s29;
	s29 =	simm.s32 $0x10;
	v31 =	vld.idx.msk [tilespmem:v41+s12+$0x0], $0xffff;
	[tilespmem:s26+$0xFFFFFC60] =	vst v39  }
.LBB2_13:
0x2ce: {  	p0 =	slt.u32 s29, $0x38;
	v37 =	vmov s1;
	s1 =	sadd.s32 $0x6, s28;
	v38 =	vmov s30;
	v36 =	vld.idx.msk [tilespmem:v36+s12+$0x0], $0xffff;
	v19 =	vor.u32 v15, v19;
	[tilespmem:s26+$0x0] =	vst v35;
	s28 =	smov.u32 s29  }
0x2cf: {  	v18 =	vor.u32 v15, v18;
	v35 =	vld.idx.msk [tilespmem:v24+s12+$0x0], $0xffff;
	v39 =	vmov s1;
	v24 =	vand.u32 $0x7F, v38;
	[tilespmem:s26+$0xFFFFFCF0] =	vst v25  }
0x2d0: {  	v23 =	vand.u32 $0x79, v23;
	v17 =	vor.u32 v15, v17;
	v24 =	vbroadcast v24, $0x0;
	v25 =	vld.idx.msk [tilespmem:v32+s12+$0x0], $0xffff;
	[tilespmem:s26+$0xFFFFFD70] =	vst v29  }
0x2d1: {  	v23 =	vbroadcast v23, $0x0;
	v29 =	vand.u32 $0x7A, v33;
	v32 =	vor.u32 v15, v16;
	v16 =	vmovc v20;
	v33 =	vld.idx.msk [tilespmem:v22+s12+$0x0], $0xffff;
	[tilespmem:s26+$0xFFFFFDF0] =	vst v26  }
0x2d2: {  	v20 =	vand.u32 $0x7B, v34;
	v22 =	vbroadcast v29, $0x0;
	v26 =	vor.u32 v8, v24;
	v29 =	vld.idx.msk [tilespmem:v21+s12+$0x0], $0xffff;
	[tilespmem:s26+$0xFFFFFE70] =	vst v27  }
0x2d3: {  	v27 =	vor.u32 v8, v23;
	v21 =	vbroadcast v20, $0x0;
	v20 =	vand.u32 $0x7C, v30;
	v30 =	vld.idx.msk [tilespmem:v19+s12+$0x0], $0xffff;
	[tilespmem:s26+$0xFFFFFEF0] =	vst v28  }
0x2d4: {  	v28 =	vor.u32 v8, v22;
	v19 =	vbroadcast v20, $0x0;
	v20 =	vand.u32 $0x7D, v37;
	v34 =	vld.idx.msk [tilespmem:v18+s12+$0x0], $0xffff;
	[tilespmem:s26+$0xFFFFFF70] =	vst v31  }
0x2d5: {  	v31 =	vor.u32 v8, v21;
	v18 =	vbroadcast v20, $0x0;
	v20 =	vand.u32 $0x7E, v39;
	[tilespmem:s26+$0xFFFFFC70] =	vst v36;
	v36 =	vld.idx.msk [tilespmem:v17+s12+$0x0], $0xffff  }
0x2d6: {  	v37 =	vor.u32 v8, v19;
	v17 =	vbroadcast v20, $0x0;
	v20 =	vld.idx.msk [tilespmem:v32+s12+$0x0], $0xffff;
	[tilespmem:s26+$0xFFFFFD00] =	vst v25  }
0x2d7: {  	v25 =	vor.u32 v8, v18;
	v26 =	vld.idx.msk [tilespmem:v26+s12+$0x0], $0xffff;
	[tilespmem:s26+$0xFFFFFD80] =	vst v33  }
0x2d8: {  	v32 =	vor.u32 v8, v17;
	v27 =	vld.idx.msk [tilespmem:v27+s12+$0x0], $0xffff;
	[tilespmem:s26+$0xFFFFFE00] =	vst v29  }
0x2d9: {  	v29 =	vor.u32 v9, v24;
	v28 =	vld.idx.msk [tilespmem:v28+s12+$0x0], $0xffff;
	[tilespmem:s26+$0xFFFFFE80] =	vst v30  }
0x2da: {  	v30 =	vor.u32 v9, v23;
	v31 =	vld.idx.msk [tilespmem:v31+s12+$0x0], $0xffff;
	[tilespmem:s26+$0xFFFFFF00] =	vst v34  }
0x2db: {  	v33 =	vor.u32 v9, v22;
	v34 =	vld.idx.msk [tilespmem:v37+s12+$0x0], $0xffff;
	[tilespmem:s26+$0xFFFFFF80] =	vst v36  }
0x2dc: {  	v36 =	vor.u32 v9, v21;
	v25 =	vld.idx.msk [tilespmem:v25+s12+$0x0], $0xffff;
	[tilespmem:s26+$0xFFFFFC80] =	vst v20;
	s26 =	sadd.s32 $0x400, s26  }
0x2dd: {  	v20 =	vor.u32 v9, v19;
	v32 =	vld.idx.msk [tilespmem:v32+s12+$0x0], $0xffff;
	[tilespmem:s26+$0xFFFFFF90] =	vst v26  }
0x2de: {  	v26 =	vor.u32 v9, v18;
	[tilespmem:s26+$0xFFFFFC90] =	vst v27;
	v27 =	vld.idx.msk [tilespmem:v29+s12+$0x0], $0xffff  }
0x2df: {  	v29 =	vld.idx.msk [tilespmem:v30+s12+$0x0], $0xffff;
	[tilespmem:s26+$0xFFFFFD10] =	vst v28;
	v28 =	vor.u32 v9, v17  }
0x2e0: {  	v30 =	vld.idx.msk [tilespmem:v33+s12+$0x0], $0xffff;
	[tilespmem:s26+$0xFFFFFD90] =	vst v31;
	v31 =	vor.u32 v10, v24  }
0x2e1: {  	v33 =	vor.u32 v9, v16;
	v36 =	vld.idx.msk [tilespmem:v36+s12+$0x0], $0xffff;
	[tilespmem:s26+$0xFFFFFE10] =	vst v34  }
0x2e2: {  	v34 =	vor.u32 v10, v23;
	v20 =	vld.idx.msk [tilespmem:v20+s12+$0x0], $0xffff;
	[tilespmem:s26+$0xFFFFFE90] =	vst v25  }
0x2e3: {  	v25 =	vor.u32 v10, v22;
	v26 =	vld.idx.msk [tilespmem:v26+s12+$0x0], $0xffff;
	[tilespmem:s26+$0xFFFFFF10] =	vst v32  }
0x2e4: {  	v32 =	vor.u32 v10, v21;
	v28 =	vld.idx.msk [tilespmem:v28+s12+$0x0], $0xffff;
	[tilespmem:s26+$0xFFFFFFA0] =	vst v27  }
0x2e5: {  	v27 =	vor.u32 v10, v19;
	[tilespmem:s26+$0xFFFFFC10] =	vst v35;
	v31 =	vld.idx.msk [tilespmem:v31+s12+$0x0], $0xffff  }
0x2e6: {  	v33 =	vld.idx.msk [tilespmem:v33+s12+$0x0], $0xffff;
	[tilespmem:s26+$0xFFFFFCA0] =	vst v29;
	v29 =	vor.u32 v10, v18  }
0x2e7: {  	v34 =	vld.idx.msk [tilespmem:v34+s12+$0x0], $0xffff;
	[tilespmem:s26+$0xFFFFFD20] =	vst v30;
	v30 =	vor.u32 v11, v24  }
0x2e8: {  	v35 =	vor.u32 v10, v17;
	v25 =	vld.idx.msk [tilespmem:v25+s12+$0x0], $0xffff;
	[tilespmem:s26+$0xFFFFFDA0] =	vst v36  }
0x2e9: {  	v36 =	vor.u32 v10, v16;
	v32 =	vld.idx.msk [tilespmem:v32+s12+$0x0], $0xffff;
	[tilespmem:s26+$0xFFFFFE20] =	vst v20  }
0x2ea: {  	v20 =	vor.u32 v11, v23;
	v27 =	vld.idx.msk [tilespmem:v27+s12+$0x0], $0xffff;
	[tilespmem:s26+$0xFFFFFEA0] =	vst v26  }
0x2eb: {  	v26 =	vor.u32 v11, v22;
	v29 =	vld.idx.msk [tilespmem:v29+s12+$0x0], $0xffff;
	[tilespmem:s26+$0xFFFFFFB0] =	vst v31  }
0x2ec: {  	v31 =	vor.u32 v11, v21;
	[tilespmem:s26+$0xFFFFFF20] =	vst v28;
	v28 =	vld.idx.msk [tilespmem:v30+s12+$0x0], $0xffff  }
0x2ed: {  	v30 =	vor.u32 v11, v19;
	[tilespmem:s26+$0xFFFFFC20] =	vst v33;
	v33 =	vld.idx.msk [tilespmem:v35+s12+$0x0], $0xffff  }
0x2ee: {  	v35 =	vld.idx.msk [tilespmem:v36+s12+$0x0], $0xffff;
	[tilespmem:s26+$0xFFFFFCB0] =	vst v34;
	v34 =	vor.u32 v12, v24  }
0x2ef: {  	v20 =	vld.idx.msk [tilespmem:v20+s12+$0x0], $0xffff;
	[tilespmem:s26+$0xFFFFFD30] =	vst v25;
	v25 =	vor.u32 v11, v18  }
0x2f0: {  	v26 =	vld.idx.msk [tilespmem:v26+s12+$0x0], $0xffff;
	[tilespmem:s26+$0xFFFFFDB0] =	vst v32;
	v32 =	vor.u32 v11, v17  }
0x2f1: {  	v36 =	vor.u32 v11, v16;
	v31 =	vld.idx.msk [tilespmem:v31+s12+$0x0], $0xffff;
	[tilespmem:s26+$0xFFFFFE30] =	vst v27  }
0x2f2: {  	v27 =	vor.u32 v12, v23;
	v30 =	vld.idx.msk [tilespmem:v30+s12+$0x0], $0xffff;
	[tilespmem:s26+$0xFFFFFFC0] =	vst v28  }
0x2f3: {  	v28 =	vor.u32 v12, v22;
	[tilespmem:s26+$0xFFFFFEB0] =	vst v29;
	v29 =	vld.idx.msk [tilespmem:v34+s12+$0x0], $0xffff  }
0x2f4: {  	v34 =	vor.u32 v12, v21;
	v25 =	vld.idx.msk [tilespmem:v25+s12+$0x0], $0xffff;
	[tilespmem:s26+$0xFFFFFF30] =	vst v33  }
0x2f5: {  	v33 =	vor.u32 v13, v24;
	[tilespmem:s26+$0xFFFFFC30] =	vst v35;
	v32 =	vld.idx.msk [tilespmem:v32+s12+$0x0], $0xffff  }
0x2f6: {  	v35 =	vld.idx.msk [tilespmem:v36+s12+$0x0], $0xffff;
	[tilespmem:s26+$0xFFFFFCC0] =	vst v20;
	v20 =	vor.u32 v12, v19  }
0x2f7: {  	v27 =	vld.idx.msk [tilespmem:v27+s12+$0x0], $0xffff;
	[tilespmem:s26+$0xFFFFFD40] =	vst v26;
	v26 =	vor.u32 v12, v18  }
0x2f8: {  	v28 =	vld.idx.msk [tilespmem:v28+s12+$0x0], $0xffff;
	[tilespmem:s26+$0xFFFFFDC0] =	vst v31;
	v31 =	vor.u32 v12, v17  }
0x2f9: {  	v36 =	vor.u32 v12, v16;
	v34 =	vld.idx.msk [tilespmem:v34+s12+$0x0], $0xffff;
	[tilespmem:s26+$0xFFFFFFD0] =	vst v29  }
0x2fa: {  	v29 =	vor.u32 v13, v23;
	[tilespmem:s26+$0xFFFFFE40] =	vst v30;
	v30 =	vld.idx.msk [tilespmem:v33+s12+$0x0], $0xffff  }
0x2fb: {  	v33 =	vor.u32 v13, v22;
	v20 =	vld.idx.msk [tilespmem:v20+s12+$0x0], $0xffff;
	[tilespmem:s26+$0xFFFFFEC0] =	vst v25  }
0x2fc: {  	v25 =	vld.idx.msk [tilespmem:v26+s12+$0x0], $0xffff;
	[tilespmem:s26+$0xFFFFFF40] =	vst v32;
	v26 =	vor.u32 v14, v24  }
0x2fd: {  	v32 =	vor.u32 v13, v21;
	[tilespmem:s26+$0xFFFFFC40] =	vst v35;
	v31 =	vld.idx.msk [tilespmem:v31+s12+$0x0], $0xffff  }
0x2fe: {  	v35 =	vld.idx.msk [tilespmem:v36+s12+$0x0], $0xffff;
	[tilespmem:s26+$0xFFFFFCD0] =	vst v27;
	v27 =	vor.u32 v13, v19  }
0x2ff: {  	v29 =	vld.idx.msk [tilespmem:v29+s12+$0x0], $0xffff;
	[tilespmem:s26+$0xFFFFFD50] =	vst v28;
	v28 =	vor.u32 v13, v18  }
0x300: {  	v36 =	vor.u32 v13, v17;
	v33 =	vld.idx.msk [tilespmem:v33+s12+$0x0], $0xffff;
	[tilespmem:s26+$0xFFFFFFE0] =	vst v30  }
0x301: {  	v30 =	vor.u32 v13, v16;
	[tilespmem:s26+$0xFFFFFDD0] =	vst v34;
	v26 =	vld.idx.msk [tilespmem:v26+s12+$0x0], $0xffff  }
0x302: {  	v34 =	vor.u32 v14, v23;
	v32 =	vld.idx.msk [tilespmem:v32+s12+$0x0], $0xffff;
	[tilespmem:s26+$0xFFFFFE50] =	vst v20  }
0x303: {  	v24 =	vor.u32 v15, v24;
	v27 =	vld.idx.msk [tilespmem:v27+s12+$0x0], $0xffff;
	[tilespmem:s26+$0xFFFFFED0] =	vst v25  }
0x304: {  	v37 =	vor.u32 v14, v22;
	v28 =	vld.idx.msk [tilespmem:v28+s12+$0x0], $0xffff;
	[tilespmem:s26+$0xFFFFFF50] =	vst v31  }
0x305: {  	v31 =	vor.u32 v14, v21;
	[tilespmem:s26+$0xFFFFFC50] =	vst v35;
	v38 =	vld.idx.msk [tilespmem:v36+s12+$0x0], $0xffff  }
0x306: {  	v20 =	vmov s29;
	v39 =	vld.idx.msk [tilespmem:v30+s12+$0x0], $0xffff;
	[tilespmem:s26+$0xFFFFFCE0] =	vst v29;
	v30 =	vor.u32 v14, v19  }
0x307: {  	v20 =	vand.u32 $0x78, v20;
	v25 =	vld.idx.msk [tilespmem:v34+s12+$0x0], $0xffff;
	v34 =	vor.u32 v14, v18;
	[tilespmem:s26+$0xFFFFFFF0] =	vst v26  }
0x308: {  	v40 =	vor.u32 v14, v17;
	v20 =	vbroadcast v20, $0x0;
	[tilespmem:s26+$0xFFFFFD60] =	vst v33;
	v35 =	vld.idx.msk [tilespmem:v24+s12+$0x0], $0xffff  }
.Ltmp6:
0x309: {  	v36 =	vor.u32 v14, v16;
	v29 =	vld.idx.msk [tilespmem:v37+s12+$0x0], $0xffff;
	[tilespmem:s26+$0xFFFFFDE0] =	vst v32;
	(pc) =	sbr.rel @p0 .LBB2_13-.Ltmp6, $4  }
0x30a: {  	v24 =	vor.u32 v8, v20;
	v26 =	vld.idx.msk [tilespmem:v31+s12+$0x0], $0xffff;
	[tilespmem:s26+$0xFFFFFE60] =	vst v27  }
0x30b: {  	s30 =	sadd.s32 $0x2, s29;
	s1 =	sadd.s32 $0x1, s29;
	v32 =	vor.u32 v15, v23;
	v27 =	vld.idx.msk [tilespmem:v30+s12+$0x0], $0xffff;
	[tilespmem:s26+$0xFFFFFEE0] =	vst v28  }
0x30c: {  	v22 =	vor.u32 v15, v22;
	v33 =	vmov s30;
	s30 =	sadd.s32 $0x4, s29;
	v23 =	vmov s1;
	s1 =	sadd.s32 $0x3, s29;
	v28 =	vld.idx.msk [tilespmem:v34+s12+$0x0], $0xffff;
	[tilespmem:s26+$0xFFFFFF60] =	vst v38  }
0x30d: {  	v21 =	vor.u32 v15, v21;
	s29 =	sadd.s32 $0x8, s29;
	v30 =	vmov s30;
	s30 =	sadd.s32 $0x7, s28;
	v34 =	vmov s1;
	s1 =	sadd.s32 $0x5, s28;
	[tilespmem:s26+$0xFFFFFC60] =	vst v39;
	v31 =	vld.idx.msk [tilespmem:v40+s12+$0x0], $0xffff  }
0x30e: {  	_ =	sdelay $0x1  }
0x30f: {  	[tilespmem:s26+$0x0] =	vst v35  }
0x310: {  	[tilespmem:s26+$0xFFFFFCF0] =	vst v25  }
0x311: {  	v37 =	vmov s30;
	v19 =	vor.u32 v15, v19;
	v61 =	vld.idx.msk [tilespmem:v36+s12+$0x0], $0xffff;
	v38 =	vor.u32 v15, v18;
	[tilespmem:s26+$0xFFFFFD70] =	vst v29  }
0x312: {  	v63 =	vand.u32 $0x79, v23;
	v39 =	vor.u32 v15, v17;
	v40 =	vand.u32 $0x7A, v33;
	v24 =	vld.idx.msk [tilespmem:v24+s12+$0x0], $0xffff;
	[tilespmem:s26+$0xFFFFFDF0] =	vst v26  }
0x313: {  	v41 =	vor.u32 v15, v16;
	v37 =	vand.u32 $0x7F, v37;
	v17 =	vbroadcast v63, $0x0;
	v42 =	vld.idx.msk [tilespmem:v22+s12+$0x0], $0xffff;
	[tilespmem:s26+$0xFFFFFE70] =	vst v27  }
0x314: {  	v43 =	vand.u32 $0x7B, v34;
	v16 =	vbroadcast v40, $0x0;
	v23 =	vbroadcast v37, $0x0;
	v37 =	vld.idx.msk [tilespmem:v32+s12+$0x0], $0xffff;
	[tilespmem:s26+$0xFFFFFEF0] =	vst v28  }
0x315: {  	v60 =	vmov s1;
	s29 =	sadd.s32 $0x6, s28;
	v18 =	vbroadcast v43, $0x0;
	v45 =	vld.idx.msk [tilespmem:v21+s12+$0x0], $0xffff;
	v46 =	vor.u32 v8, v17;
	[tilespmem:s26+$0xFFFFFF70] =	vst v31  }
0x316: {  	s30 =	sadd.s32 $0x400, s26;
	v62 =	vmov s29;
	v50 =	vand.u32 $0x7D, v60;
	v49 =	vor.u32 v8, v16;
	v48 =	vld.idx.msk [tilespmem:v19+s12+$0x0], $0xffff;
	[tilespmem:s26+$0xFFFFFC70] =	vst v61  }
0x317: {  	v21 =	vbroadcast v50, $0x0;
	v53 =	vand.u32 $0x7E, v62;
	v52 =	vor.u32 v8, v18;
	v51 =	vld.idx.msk [tilespmem:v38+s12+$0x0], $0xffff;
	[tilespmem:s30+$0xFFFFFC10] =	vst v24  }
0x318: {  	v22 =	vbroadcast v53, $0x0;
	v44 =	vor.u32 v8, v23;
	v32 =	vld.idx.msk [tilespmem:v39+s12+$0x0], $0xffff;
	[tilespmem:s26+$0xFFFFFD80] =	vst v42  }
0x319: {  	v47 =	vand.u32 $0x7C, v30;
	v55 =	vor.u32 v8, v21;
	v26 =	vld.idx.msk [tilespmem:v41+s12+$0x0], $0xffff;
	[tilespmem:s26+$0xFFFFFD00] =	vst v37  }
0x31a: {  	v19 =	vbroadcast v47, $0x0;
	v56 =	vor.u32 v8, v22;
	[tilespmem:s26+$0xFFFFFE00] =	vst v45;
	v28 =	vld.idx.msk [tilespmem:v46+s12+$0x0], $0xffff  }
0x31b: {  	v39 =	vor.u32 v9, v20;
	v57 =	vld.idx.msk [tilespmem:v49+s12+$0x0], $0xffff;
	[tilespmem:s26+$0xFFFFFE80] =	vst v48  }
0x31c: {  	v54 =	vor.u32 v8, v19;
	v25 =	vld.idx.msk [tilespmem:v52+s12+$0x0], $0xffff;
	[tilespmem:s26+$0xFFFFFF00] =	vst v51  }
0x31d: {  	v59 =	vor.u32 v9, v17;
	v27 =	vld.idx.msk [tilespmem:v44+s12+$0x0], $0xffff;
	[tilespmem:s26+$0xFFFFFF80] =	vst v32  }
0x31e: {  	v60 =	vor.u32 v9, v16;
	v33 =	vld.idx.msk [tilespmem:v55+s12+$0x0], $0xffff;
	[tilespmem:s26+$0xFFFFFC80] =	vst v26  }
0x31f: {  	v61 =	vor.u32 v9, v18;
	v34 =	vld.idx.msk [tilespmem:v56+s12+$0x0], $0xffff;
	[tilespmem:s30+$0xFFFFFC90] =	vst v28  }
0x320: {  	v58 =	vor.u32 v9, v23;
	v45 =	vld.idx.msk [tilespmem:v39+s12+$0x0], $0xffff;
	[tilespmem:s30+$0xFFFFFD10] =	vst v57  }
0x321: {  	v63 =	vor.u32 v9, v21;
	v29 =	vld.idx.msk [tilespmem:v54+s12+$0x0], $0xffff;
	[tilespmem:s30+$0xFFFFFD90] =	vst v25  }
0x322: {  	v38 =	vor.u32 v9, v22;
	[tilespmem:s30+$0xFFFFFF90] =	vst v27;
	v36 =	vld.idx.msk [tilespmem:v59+s12+$0x0], $0xffff  }
0x323: {  	v62 =	vor.u32 v9, v19;
	v26 =	vld.idx.msk [tilespmem:v60+s12+$0x0], $0xffff;
	[tilespmem:s30+$0xFFFFFE90] =	vst v33  }
0x324: {  	v40 =	vor.u32 v10, v17;
	v27 =	vld.idx.msk [tilespmem:v61+s12+$0x0], $0xffff;
	[tilespmem:s30+$0xFFFFFF10] =	vst v34  }
0x325: {  	v41 =	vor.u32 v10, v16;
	v31 =	vld.idx.msk [tilespmem:v58+s12+$0x0], $0xffff;
	[tilespmem:s30+$0xFFFFFC20] =	vst v45  }
0x326: {  	v42 =	vor.u32 v10, v18;
	v30 =	vld.idx.msk [tilespmem:v63+s12+$0x0], $0xffff;
	[tilespmem:s30+$0xFFFFFE10] =	vst v29  }
0x327: {  	v50 =	vor.u32 v10, v20;
	v43 =	vld.idx.msk [tilespmem:v38+s12+$0x0], $0xffff;
	[tilespmem:s30+$0xFFFFFCA0] =	vst v36  }
0x328: {  	v37 =	vor.u32 v10, v23;
	v28 =	vld.idx.msk [tilespmem:v62+s12+$0x0], $0xffff;
	[tilespmem:s30+$0xFFFFFD20] =	vst v26  }
0x329: {  	v47 =	vor.u32 v10, v21;
	[tilespmem:s30+$0xFFFFFDA0] =	vst v27;
	v34 =	vld.idx.msk [tilespmem:v40+s12+$0x0], $0xffff  }
0x32a: {  	v49 =	vor.u32 v10, v22;
	[tilespmem:s30+$0xFFFFFFA0] =	vst v31;
	v48 =	vld.idx.msk [tilespmem:v41+s12+$0x0], $0xffff  }
0x32b: {  	v44 =	vor.u32 v10, v19;
	[tilespmem:s30+$0xFFFFFEA0] =	vst v30;
	v24 =	vld.idx.msk [tilespmem:v42+s12+$0x0], $0xffff  }
0x32c: {  	v51 =	vor.u32 v11, v17;
	v30 =	vld.idx.msk [tilespmem:v50+s12+$0x0], $0xffff;
	[tilespmem:s30+$0xFFFFFF20] =	vst v43  }
0x32d: {  	v52 =	vor.u32 v11, v16;
	v32 =	vld.idx.msk [tilespmem:v37+s12+$0x0], $0xffff;
	[tilespmem:s30+$0xFFFFFE20] =	vst v28  }
0x32e: {  	v54 =	vor.u32 v11, v18;
	v53 =	vld.idx.msk [tilespmem:v47+s12+$0x0], $0xffff;
	[tilespmem:s30+$0xFFFFFCB0] =	vst v34  }
0x32f: {  	v60 =	vor.u32 v11, v20;
	v31 =	vld.idx.msk [tilespmem:v49+s12+$0x0], $0xffff;
	[tilespmem:s30+$0xFFFFFD30] =	vst v48  }
0x330: {  	v46 =	vor.u32 v11, v23;
	v29 =	vld.idx.msk [tilespmem:v44+s12+$0x0], $0xffff;
	[tilespmem:s30+$0xFFFFFDB0] =	vst v24  }
0x331: {  	v58 =	vor.u32 v11, v21;
	[tilespmem:s30+$0xFFFFFC30] =	vst v30;
	v57 =	vld.idx.msk [tilespmem:v51+s12+$0x0], $0xffff  }
0x332: {  	v59 =	vor.u32 v11, v22;
	[tilespmem:s30+$0xFFFFFFB0] =	vst v32;
	v25 =	vld.idx.msk [tilespmem:v52+s12+$0x0], $0xffff  }
0x333: {  	v56 =	vor.u32 v11, v19;
	v27 =	vld.idx.msk [tilespmem:v54+s12+$0x0], $0xffff;
	[tilespmem:s30+$0xFFFFFEB0] =	vst v53  }
0x334: {  	v61 =	vor.u32 v12, v17;
	v38 =	vld.idx.msk [tilespmem:v60+s12+$0x0], $0xffff;
	[tilespmem:s30+$0xFFFFFF30] =	vst v31  }
0x335: {  	v62 =	vor.u32 v12, v16;
	v33 =	vld.idx.msk [tilespmem:v46+s12+$0x0], $0xffff;
	[tilespmem:s30+$0xFFFFFE30] =	vst v29  }
0x336: {  	v55 =	vor.u32 v12, v23;
	v63 =	vld.idx.msk [tilespmem:v58+s12+$0x0], $0xffff;
	[tilespmem:s30+$0xFFFFFCC0] =	vst v57  }
0x337: {  	v37 =	vor.u32 v12, v18;
	v29 =	vld.idx.msk [tilespmem:v59+s12+$0x0], $0xffff;
	[tilespmem:s30+$0xFFFFFD40] =	vst v25  }
0x338: {  	v40 =	vor.u32 v12, v21;
	v28 =	vld.idx.msk [tilespmem:v56+s12+$0x0], $0xffff;
	[tilespmem:s30+$0xFFFFFDC0] =	vst v27  }
0x339: {  	v42 =	vor.u32 v12, v20;
	[tilespmem:s30+$0xFFFFFC40] =	vst v38;
	v26 =	vld.idx.msk [tilespmem:v61+s12+$0x0], $0xffff  }
0x33a: {  	v39 =	vor.u32 v12, v19;
	[tilespmem:s30+$0xFFFFFFC0] =	vst v33;
	v31 =	vld.idx.msk [tilespmem:v62+s12+$0x0], $0xffff  }
0x33b: {  	v41 =	vor.u32 v12, v22;
	[tilespmem:s30+$0xFFFFFEC0] =	vst v63;
	v34 =	vld.idx.msk [tilespmem:v55+s12+$0x0], $0xffff  }
0x33c: {  	v43 =	vor.u32 v13, v17;
	v24 =	vld.idx.msk [tilespmem:v37+s12+$0x0], $0xffff;
	[tilespmem:s30+$0xFFFFFF40] =	vst v29  }
0x33d: {  	v36 =	vor.u32 v13, v23;
	v27 =	vld.idx.msk [tilespmem:v40+s12+$0x0], $0xffff;
	[tilespmem:s30+$0xFFFFFE40] =	vst v28  }
0x33e: {  	v46 =	vor.u32 v13, v16;
	v28 =	vld.idx.msk [tilespmem:v42+s12+$0x0], $0xffff;
	[tilespmem:s30+$0xFFFFFCD0] =	vst v26  }
0x33f: {  	v47 =	vor.u32 v13, v18;
	v44 =	vld.idx.msk [tilespmem:v39+s12+$0x0], $0xffff;
	[tilespmem:s30+$0xFFFFFD50] =	vst v31  }
0x340: {  	v51 =	vor.u32 v13, v20;
	[tilespmem:s30+$0xFFFFFFD0] =	vst v34;
	v34 =	vld.idx.msk [tilespmem:v41+s12+$0x0], $0xffff  }
0x341: {  	v48 =	vor.u32 v13, v19;
	[tilespmem:s30+$0xFFFFFDD0] =	vst v24;
	v30 =	vld.idx.msk [tilespmem:v43+s12+$0x0], $0xffff  }
0x342: {  	v49 =	vor.u32 v13, v21;
	[tilespmem:s30+$0xFFFFFED0] =	vst v27;
	v32 =	vld.idx.msk [tilespmem:v36+s12+$0x0], $0xffff  }
0x343: {  	v50 =	vor.u32 v13, v22;
	v25 =	vld.idx.msk [tilespmem:v46+s12+$0x0], $0xffff;
	[tilespmem:s30+$0xFFFFFC50] =	vst v28  }
0x344: {  	v52 =	vor.u32 v14, v17;
	v26 =	vld.idx.msk [tilespmem:v47+s12+$0x0], $0xffff;
	[tilespmem:s30+$0xFFFFFE50] =	vst v44  }
0x345: {  	v53 =	vor.u32 v14, v16;
	v29 =	vld.idx.msk [tilespmem:v51+s12+$0x0], $0xffff;
	[tilespmem:s30+$0xFFFFFF50] =	vst v34  }
0x346: {  	v54 =	vor.u32 v14, v18;
	v31 =	vld.idx.msk [tilespmem:v48+s12+$0x0], $0xffff;
	[tilespmem:s30+$0xFFFFFCE0] =	vst v30  }
0x347: {  	v45 =	vor.u32 v14, v23;
	[tilespmem:s30+$0xFFFFFFE0] =	vst v32;
	v32 =	vld.idx.msk [tilespmem:v49+s12+$0x0], $0xffff  }
0x348: {  	v59 =	vor.u32 v14, v20;
	[tilespmem:s30+$0xFFFFFD60] =	vst v25;
	v24 =	vld.idx.msk [tilespmem:v50+s12+$0x0], $0xffff  }
0x349: {  	v55 =	vor.u32 v14, v19;
	[tilespmem:s30+$0xFFFFFDE0] =	vst v26;
	v57 =	vld.idx.msk [tilespmem:v52+s12+$0x0], $0xffff  }
0x34a: {  	v56 =	vor.u32 v14, v21;
	v28 =	vld.idx.msk [tilespmem:v53+s12+$0x0], $0xffff;
	[tilespmem:s30+$0xFFFFFC60] =	vst v29  }
0x34b: {  	v58 =	vor.u32 v14, v22;
	v30 =	vld.idx.msk [tilespmem:v54+s12+$0x0], $0xffff;
	[tilespmem:s30+$0xFFFFFE60] =	vst v31  }
0x34c: {  	v17 =	vor.u32 v15, v17;
	v33 =	vld.idx.msk [tilespmem:v45+s12+$0x0], $0xffff;
	[tilespmem:s30+$0xFFFFFEE0] =	vst v32  }
0x34d: {  	v16 =	vor.u32 v15, v16;
	v62 =	vld.idx.msk [tilespmem:v59+s12+$0x0], $0xffff;
	[tilespmem:s30+$0xFFFFFF60] =	vst v24  }
0x34e: {  	v18 =	vor.u32 v15, v18;
	v60 =	vld.idx.msk [tilespmem:v55+s12+$0x0], $0xffff;
	[tilespmem:s30+$0xFFFFFCF0] =	vst v57  }
0x34f: {  	v23 =	vor.u32 v15, v23;
	[tilespmem:s30+$0xFFFFFD70] =	vst v28;
	v25 =	vld.idx.msk [tilespmem:v56+s12+$0x0], $0xffff  }
0x350: {  	v19 =	vor.u32 v15, v19;
	[tilespmem:s30+$0xFFFFFDF0] =	vst v30;
	v61 =	vld.idx.msk [tilespmem:v58+s12+$0x0], $0xffff  }
0x351: {  	v63 =	vor.u32 v15, v20;
	[tilespmem:s30+$0xFFFFFFF0] =	vst v33;
	v17 =	vld.idx.msk [tilespmem:v17+s12+$0x0], $0xffff  }
0x352: {  	v21 =	vor.u32 v15, v21;
	v16 =	vld.idx.msk [tilespmem:v16+s12+$0x0], $0xffff;
	[tilespmem:s30+$0xFFFFFC70] =	vst v62  }
0x353: {  	v22 =	vor.u32 v15, v22;
	v18 =	vld.idx.msk [tilespmem:v18+s12+$0x0], $0xffff;
	[tilespmem:s30+$0xFFFFFE70] =	vst v60  }
0x354: {  	v23 =	vld.idx.msk [tilespmem:v23+s12+$0x0], $0xffff;
	[tilespmem:s30+$0xFFFFFEF0] =	vst v25  }
0x355: {  	v19 =	vld.idx.msk [tilespmem:v19+s12+$0x0], $0xffff;
	[tilespmem:s30+$0xFFFFFF70] =	vst v61  }
0x356: {  	[tilespmem:s30+$0xFFFFFD00] =	vst v17;
	v17 =	vld.idx.msk [tilespmem:v63+s12+$0x0], $0xffff  }
0x357: {  	[tilespmem:s30+$0xFFFFFD80] =	vst v16;
	v21 =	vld.idx.msk [tilespmem:v21+s12+$0x0], $0xffff  }
0x358: {  	s24 =	sadd.s32 $0x1, s24;
	[tilespmem:s30+$0xFFFFFE00] =	vst v18;
	v22 =	vld.idx.msk [tilespmem:v22+s12+$0x0], $0xffff  }
0x359: {  	p0 =	sne.s32 s24, $0x32;
	[tilespmem:s30+$0x0] =	vst v23  }
.Ltmp7:
0x35a: {  	[tilespmem:s30+$0xFFFFFE80] =	vst v19;
	(pc) =	sbr.rel @p0 .LBB2_2-.Ltmp7, $4  }
0x35b: {  	[tilespmem:s30+$0xFFFFFC80] =	vst v17  }
0x35c: {  	[tilespmem:s30+$0xFFFFFF00] =	vst v21  }
0x35d: {  	s31 =	sadd.s32 s25, s7;
	[tilespmem:s30+$0xFFFFFF80] =	vst v22  }
0x35e: {  	[hbm4b:s31+s14] =	stream.strided.scatter [tilespmem:s21], [sflag:$0x4], $0x2000, s15, s14, $0x38;
	[tilespmem:$0x1E400] =	vst v63  }
0x35f: {  	_ =	swait.ge [sflag:s22], $0x2000  }
0x360: {  	[sflag:s22] =	ssyncset.done $0x0  }
0x361: {  	[sflag:s22] =	ssyncadd.s32 $0xFFFFE000  }
0x362: {  	_ =	swait.ge [sflag:s19], $0x2000  }
0x363: {  	[sflag:s19] =	ssyncset.done $0x0  }
0x364: {  	s23 =	sadd.s32 $0x1, s23;
	[sflag:s19] =	ssyncadd.s32 $0xFFFFE000  }
0x365: {  	p0 =	sne.s32 s23, s8;
	_ =	swait.ge [sflag:s22], $0x2000  }
.Ltmp8:
0x366: {  	[sflag:s22] =	ssyncset.done $0x0;
	(pc) =	sbr.rel @p0 .LBB2_1-.Ltmp8, $4  }
0x367: {  	[sflag:s22] =	ssyncadd.s32 $0xFFFFE000  }
0x368: {  	_ =	swait.ge [sflag:s19], $0x2000  }
0x369: {  	[sflag:s19] =	ssyncset.done $0x0  }
0x36a: {  	[sflag:s19] =	ssyncadd.s32 $0xFFFFE000  }
0x36b: {  	_ =	sfence.sel $0x180000  }
0x36c: {  	[bflag:$0x0] =	sbarrier.arrive $0xFFFF  }
0x36d: {  	_ =	strace $0x90000047  }
0x36e: {  	[bflag:$0x2] =	sbarrier.arrive $0xFFFF  }
0x36f: {  	p0 =	sne.s32 s0, $0x0;
	s0 =	rddreg [dreg:$0x2]  }
0x370: {  	s0 =	sadd.s32 @!p0 $0x100000, s0  }
0x371: {  	[sflag:s0] =	ssyncadd.tile.s32 @!p0 $0x1;
	_ =	shalt  }
.Lfunc_end2:
_tile_overlayer_lowered:
.L_overlay_start_2:
0x372: {  	(tag) =	ssettag $0x2  }
0x373: {  	s0 =	rddreg [dreg:$0x0];
	s2 =	stileid.u32  }
0x374: {  	s1 =	rddreg [dreg:$0x1];
	p0 =	sne.s32 s2, $0x0  }
0x375: {  	s3 =	rddreg [dreg:$0x2];
	[bflag:$0x3] =	sbarrier.arrive $0xFFFF;
	s2 =	simm.s32 @!p0 $0x1C05  }
0x376: {  	[timem:s3], [sflag:s2] =	dma.local @!p0 [hbm:s0], s1  }
0x377: {  	s0 =	simm.s32 @!p0 $0x5  }
0x378: {  	_ =	swait.ge @!p0 [sflag:s0], s1  }
0x379: {  	s1 =	ssub.s32 @!p0 $0x0, s1;
	[sflag:s0] =	ssyncset.done @!p0 $0x0  }
0x37a: {  	[sflag:s0] =	ssyncadd.s32 @!p0 s1  }
0x37b: {  	[bflag:$0x3] =	sbarrier.arrive $0xFFFF  }
0x37c: {  	_ =	shalt  }

</sc_bundles>
